<compile_context>
chip_gen: v7x
topology: tpu7x:2x2x1
jax: 0.10.2.dev20260603
libtpu: 0.0.44.dev20260713+nightly
codegen_flags: <defaults>
</compile_context>

<pallas_src>
import functools

import jax
import jax.numpy as jnp
from jax import lax
from jax.experimental import pallas as pl
from jax.experimental.pallas import tpu as pltpu
from jax.experimental.pallas import tpu_sc as plsc

_IMAGE_TOKEN_ID = 31999
_NUM_PATCHES = 256
_NC = 2
_NS = 16
_CH = 16


@functools.partial(jax.jit, static_argnames=("B", "S", "D"))
def _sc_embed(ids_flat, vis_flat, table, *, B, S, D):
    NW = _NC * _NS
    BT = B * S
    TOK = BT // NW
    WPB = NW // B
    NCH = TOK // _CH
    VR = (B * _NUM_PATCHES) // NW

    mesh = plsc.VectorSubcoreMesh(core_axis_name="c", subcore_axis_name="s")

    @functools.partial(
        pl.kernel,
        mesh=mesh,
        out_type=jax.ShapeDtypeStruct((BT, D), jnp.float32),
        scratch_types=[
            pltpu.VMEM((S,), jnp.int32),
            pltpu.VMEM((2, _CH, D), jnp.float32),
            pltpu.SemaphoreType.DMA,
            pltpu.SemaphoreType.DMA,
        ],
    )
    def run(ids_hbm, vis_hbm, w_hbm, out_hbm, ids_v, buf, sem0, sem1):
        c = lax.axis_index("c")
        s = lax.axis_index("s")
        w = c * _NS + s
        b = w // WPB
        col0 = (w % WPB) * TOK

        pltpu.sync_copy(ids_hbm.at[pl.ds(b * S, S)], ids_v)

        iota = lax.iota(jnp.int32, 16)

        def scan_body(j, acc):
            v = ids_v[pl.ds(j * 16, 16)]
            pos = jnp.where(v == _IMAGE_TOKEN_ID, iota + j * 16, S)
            return jnp.minimum(acc, pos)

        acc = lax.fori_loop(
            0, S // 16, scan_body, jnp.full((16,), S, jnp.int32)
        )
        def shuffle(x, idx):
            return lax.gather(
                x,
                idx[:, None],
                lax.GatherDimensionNumbers(
                    offset_dims=(),
                    collapsed_slice_dims=(0,),
                    start_index_map=(0,),
                ),
                slice_sizes=(1,),
                mode=lax.GatherScatterMode.PROMISE_IN_BOUNDS,
            )

        for k in (1, 2, 4, 8):
            acc = jnp.minimum(acc, shuffle(acc, iota ^ k))
        start_splat = acc

        sems = (sem0, sem1)

        def gather_start(i, slot):
            idx = ids_v.at[pl.ds(col0 + i * _CH, _CH)]
            return pltpu.async_copy(w_hbm.at[idx], buf.at[slot], sems[slot])

        copies = [gather_start(0, 0), None]
        for i in range(NCH):
            slot = i % 2
            if i + 1 < NCH:
                copies[(i + 1) % 2] = gather_start(i + 1, (i + 1) % 2)
            copies[slot].wait()
            pltpu.sync_copy(
                buf.at[slot], out_hbm.at[pl.ds(w * TOK + i * _CH, _CH)]
            )

        plsc.subcore_barrier()

        p0 = (w % WPB) * VR
        for q in range(VR // _CH):
            pltpu.sync_copy(
                vis_hbm.at[pl.ds(w * VR + q * _CH, _CH)], buf.at[q % 2]
            )
            dst_idx = b * S + start_splat + p0 + q * _CH + iota
            pltpu.sync_copy(buf.at[q % 2], out_hbm.at[dst_idx])

    return run(ids_flat, vis_flat, table)


def kernel(input_ids, vision_features, W):
    B, S = input_ids.shape
    _, D = W.shape
    ids_flat = input_ids.reshape(B * S).astype(jnp.int32)
    vis_flat = vision_features.reshape(B * _NUM_PATCHES, D).astype(jnp.float32)
    out = _sc_embed(ids_flat, vis_flat, W.astype(jnp.float32), B=B, S=S, D=D)
    return out.reshape(B, S, D)

# --- scband reference (transcript-rebuilt; emitter-appended) ---
"""Pipeline reference for scband-vision-aware-embedding-25967372271921 (READ-ONLY COPY).

The authoritative reference and input builder live on the scoring server;
editing this copy changes nothing except your own understanding.
"""

import jax, jax.numpy as jnp
import numpy as np

IMAGE_TOKEN_ID = 31999
NUM_PATCHES = 256


def setup_inputs(seed: int = 0) -> dict:
    key = jax.random.key(seed)
    k1, k2, k3 = jax.random.split(key, 3)
    B, S, D, V = 4, 2048, 2048, 32000
    # random tokens strictly below IMAGE_TOKEN_ID so the only image tokens are the inserted block
    input_ids = jax.random.randint(k1, (B, S), 0, IMAGE_TOKEN_ID)
    start = 128
    block = jnp.full((B, NUM_PATCHES), IMAGE_TOKEN_ID, dtype=input_ids.dtype)
    input_ids = jax.lax.dynamic_update_slice(input_ids, block, (0, start))
    vision_features = jax.random.normal(k2, (B, NUM_PATCHES, D), dtype=jnp.float32)
    W = jax.random.normal(k3, (V, D), dtype=jnp.float32) * 0.02
    return {"input_ids": input_ids, "vision_features": vision_features, "W": W}


def reference(input_ids, vision_features, W):
    # base embedding lookup (gather)
    base = jnp.take(W, input_ids, axis=0)  # [B, S, D]

    def per_row(row_ids, row_base, row_vis):
        mask = row_ids == IMAGE_TOKEN_ID
        # first position of the image-token block (positions[0] in the torch code)
        start = jnp.argmax(mask).astype(jnp.int32)
        # overwrite base[start:start+NUM_PATCHES] with the vision features
        return jax.lax.dynamic_update_slice(
            row_base, row_vis.astype(row_base.dtype), (start, jnp.int32(0))
        )

    return jax.vmap(per_row)(input_ids, base, vision_features)

if __name__ == "__main__":
    import jax
    _d = setup_inputs()
    print(jax.jit(kernel)(*tuple(_d.values())))

</pallas_src>

<mosaic_0001>
#map = affine_map<(d0, d1) -> (0)>
#map1 = affine_map<(d0, d1) -> (0, 0)>
module attributes {stable_mosaic.version = 14 : i64} {
  func.func @run(%arg0: i32, %arg1: i32, %arg2: memref<8192xi32, #tpu.memory_space<hbm>>, %arg3: memref<1024x2048xf32, #tpu.memory_space<hbm>>, %arg4: memref<32000x2048xf32, #tpu.memory_space<hbm>>, %arg5: memref<8192x2048xf32, #tpu.memory_space<hbm>>, %arg6: memref<2048xi32, #tpu.memory_space<vmem>>, %arg7: memref<2x16x2048xf32, #tpu.memory_space<vmem>>, %arg8: memref<!tpu.dma_semaphore, #tpu.memory_space<semaphore_mem>>, %arg9: memref<!tpu.dma_semaphore, #tpu.memory_space<semaphore_mem>>) attributes {dimension_semantics = [#tpu.dimension_semantics<core_parallel>, #tpu.dimension_semantics<subcore_parallel>], iteration_bounds = array<i64: 2, 16>, scalar_prefetch = 0 : i64, scratch_operands = 4 : i64, tpu.core_type = #tpu.core_type<sc_vector_subcore>, window_params = [{transform_indices = #map}, {transform_indices = #map1}, {transform_indices = #map1}, {transform_indices = #map1}]} {
    %mul3A = arith.constant 16 : i32
    %mul3A_0 = arith.muli %arg0, %mul3A : i32
    %add3A = arith.addi %mul3A_0, %arg1 : i32
    %jit3A = arith.constant 8 : i32
    %div3A = arith.divsi %add3A, %jit3A : i32
    %sign3A = arith.constant 0 : i32
    %sign3A_1 = arith.cmpi sgt, %add3A, %sign3A : i32
    %sign3A_2 = arith.extui %sign3A_1 : i1 to i32
    %sign3A_3 = arith.constant 0 : i32
    %sign3A_4 = arith.cmpi slt, %add3A, %sign3A_3 : i32
    %sign3A_5 = arith.extui %sign3A_4 : i1 to i32
    %sign3A_6 = arith.subi %sign3A_2, %sign3A_5 : i32
    %sign3A_7 = arith.constant 0 : i32
    %sign3A_8 = arith.cmpi sgt, %jit3A, %sign3A_7 : i32
    %sign3A_9 = arith.extui %sign3A_8 : i1 to i32
    %sign3A_10 = arith.constant 0 : i32
    %sign3A_11 = arith.cmpi slt, %jit3A, %sign3A_10 : i32
    %sign3A_12 = arith.extui %sign3A_11 : i1 to i32
    %sign3A_13 = arith.subi %sign3A_9, %sign3A_12 : i32
    %ne3A = arith.cmpi ne, %sign3A_6, %sign3A_13 : i32
    %rem3A = arith.remsi %add3A, %jit3A : i32
    %ne3A_14 = arith.constant 0 : i32
    %ne3A_15 = arith.cmpi ne, %rem3A, %ne3A_14 : i32
    %and3A = arith.andi %ne3A, %ne3A_15 : i1
    %sub3A = arith.constant 1 : i32
    %sub3A_16 = arith.subi %div3A, %sub3A : i32
    %select_n3A = arith.select %and3A, %sub3A_16, %div3A : i32
    %jit3A_17 = arith.constant 8 : i32
    %eq3A = arith.constant 0 : i32
    %eq3A_18 = arith.cmpi eq, %jit3A_17, %eq3A : i32
    %jit3A_19 = arith.constant 1 : i32
    %select_n3A_20 = arith.select %eq3A_18, %jit3A_19, %jit3A_17 : i32
    %rem3A_21 = arith.remsi %add3A, %select_n3A_20 : i32
    %ne3A_22 = arith.constant 0 : i32
    %ne3A_23 = arith.cmpi ne, %rem3A_21, %ne3A_22 : i32
    %lt3A = arith.constant 0 : i32
    %lt3A_24 = arith.cmpi slt, %rem3A_21, %lt3A : i32
    %lt3A_25 = arith.constant 0 : i32
    %lt3A_26 = arith.cmpi slt, %select_n3A_20, %lt3A_25 : i32
    %ne3A_27 = arith.xori %lt3A_24, %lt3A_26 : i1
    %and3A_28 = arith.andi %ne3A_27, %ne3A_23 : i1
    %add3A_29 = arith.addi %rem3A_21, %select_n3A_20 : i32
    %select_n3A_30 = arith.select %and3A_28, %add3A_29, %rem3A_21 : i32
    %mul3A_31 = arith.constant 256 : i32
    %mul3A_32 = arith.muli %select_n3A_30, %mul3A_31 : i32
    %mul3A_33 = arith.constant 2048 : i32
    %mul3A_34 = arith.muli %select_n3A, %mul3A_33 : i32
    "tpu.region"() ({
      %run_scoped3A_513 = tpu.sem_alloc : memref<!tpu.dma_semaphore, #tpu.memory_space<semaphore_mem>>
      %dma_start3A_514 = tpu.memref_slice %arg2[%mul3A_34] : memref<8192xi32, #tpu.memory_space<hbm>> -> memref<2048xi32, #tpu.memory_space<hbm>>
      %dma_start3A_515 = tpu.memref_slice %arg2[%mul3A_34] : memref<8192xi32, #tpu.memory_space<hbm>> -> memref<2048xi32, #tpu.memory_space<hbm>>
      tpu.enqueue_dma source(%dma_start3A_515 : memref<2048xi32, #tpu.memory_space<hbm>>) target(%arg6 : memref<2048xi32, #tpu.memory_space<vmem>>) target_semaphore(%run_scoped3A_513 : memref<!tpu.dma_semaphore, #tpu.memory_space<semaphore_mem>>)
      %dma_wait3A_516 = tpu.memref_slice %arg2[%mul3A_34] : memref<8192xi32, #tpu.memory_space<hbm>> -> memref<2048xi32, #tpu.memory_space<hbm>>
      %dma_wait3A_517 = tpu.memref_slice %arg2[%mul3A_34] : memref<8192xi32, #tpu.memory_space<hbm>> -> memref<2048xi32, #tpu.memory_space<hbm>>
      tpu.wait_dma2 semaphore(%run_scoped3A_513 : memref<!tpu.dma_semaphore, #tpu.memory_space<semaphore_mem>>) src(%dma_wait3A_517 : memref<2048xi32, #tpu.memory_space<hbm>>) dst(%arg6 : memref<2048xi32, #tpu.memory_space<vmem>>)
      tpu.yield
    }) : () -> ()
    %iota3A = tpu.iota {dimensions = array<i32: 0>} : vector<16xi32>
    %broadcast_in_dim3A = arith.constant 2048 : i32
    %broadcast_in_dim3A_35 = vector.broadcast %broadcast_in_dim3A : i32 to vector<16xi32>
    %scan3A = arith.constant 0 : i32
    %scan3A_36 = arith.constant 128 : i32
    %scan3A_37 = arith.addi %scan3A, %scan3A_36 : i32
    %scan3A_38 = arith.constant 1 : i32
    %scan3A_39 = scf.for %scan3A_513 = %scan3A to %scan3A_37 step %scan3A_38 iter_args(%scan3A_514 = %broadcast_in_dim3A_35) -> (vector<16xi32>)  : i32 {
      %mul3A_515 = arith.constant 16 : i32
      %mul3A_516 = arith.muli %scan3A_513, %mul3A_515 : i32
      %get3A = arith.index_cast %mul3A_516 : i32 to index
      %get3A_517 = tpu.vector_load %arg6[%get3A] {strides = array<i32>} : memref<2048xi32, #tpu.memory_space<vmem>>, vector<16xi32>,
      %get3A_518 = vector.shape_cast %get3A_517 : vector<16xi32> to vector<16xi32>
      %eq3A_519 = arith.constant 31999 : i32
      %eq3A_520 = vector.broadcast %eq3A_519 : i32 to vector<16xi32>
      %eq3A_521 = arith.cmpi eq, %get3A_518, %eq3A_520 : vector<16xi32>
      %mul3A_522 = arith.constant 16 : i32
      %mul3A_523 = arith.muli %scan3A_513, %mul3A_522 : i32
      %add3A_524 = vector.broadcast %mul3A_523 : i32 to vector<16xi32>
      %add3A_525 = arith.addi %iota3A, %add3A_524 : vector<16xi32>
      %jit3A_526 = arith.constant 2048 : i32
      %broadcast_in_dim3A_527 = vector.broadcast %jit3A_526 : i32 to vector<16xi32>
      %select_n3A_528 = arith.select %eq3A_521, %add3A_525, %broadcast_in_dim3A_527 : vector<16xi1>, vector<16xi32>
      %min3A_529 = arith.minsi %scan3A_514, %select_n3A_528 : vector<16xi32>
      scf.yield %min3A_529 : vector<16xi32>
    }
    %scan3A_40 = arith.constant 128 : i32
    %xor3A = arith.constant 1 : i32
    %xor3A_41 = vector.broadcast %xor3A : i32 to vector<16xi32>
    %xor3A_42 = arith.xori %iota3A, %xor3A_41 : vector<16xi32>
    %broadcast_in_dim3A_43 = vector.shape_cast %xor3A_42 : vector<16xi32> to vector<16x1xi32>
    %gather3A = vector.shape_cast %broadcast_in_dim3A_43 : vector<16x1xi32> to vector<16xi32>
    %gather3A_44 = tpu.dynamic_gather %scan3A_39[%gather3A] in [0] : vector<16xi32>, vector<16xi32> -> vector<16xi32>
    %min3A = arith.minsi %scan3A_39, %gather3A_44 : vector<16xi32>
    %xor3A_45 = arith.constant 2 : i32
    %xor3A_46 = vector.broadcast %xor3A_45 : i32 to vector<16xi32>
    %xor3A_47 = arith.xori %iota3A, %xor3A_46 : vector<16xi32>
    %broadcast_in_dim3A_48 = vector.shape_cast %xor3A_47 : vector<16xi32> to vector<16x1xi32>
    %gather3A_49 = vector.shape_cast %broadcast_in_dim3A_48 : vector<16x1xi32> to vector<16xi32>
    %gather3A_50 = tpu.dynamic_gather %min3A[%gather3A_49] in [0] : vector<16xi32>, vector<16xi32> -> vector<16xi32>
    %min3A_51 = arith.minsi %min3A, %gather3A_50 : vector<16xi32>
    %xor3A_52 = arith.constant 4 : i32
    %xor3A_53 = vector.broadcast %xor3A_52 : i32 to vector<16xi32>
    %xor3A_54 = arith.xori %iota3A, %xor3A_53 : vector<16xi32>
    %broadcast_in_dim3A_55 = vector.shape_cast %xor3A_54 : vector<16xi32> to vector<16x1xi32>
    %gather3A_56 = vector.shape_cast %broadcast_in_dim3A_55 : vector<16x1xi32> to vector<16xi32>
    %gather3A_57 = tpu.dynamic_gather %min3A_51[%gather3A_56] in [0] : vector<16xi32>, vector<16xi32> -> vector<16xi32>
    %min3A_58 = arith.minsi %min3A_51, %gather3A_57 : vector<16xi32>
    %xor3A_59 = arith.constant 8 : i32
    %xor3A_60 = vector.broadcast %xor3A_59 : i32 to vector<16xi32>
    %xor3A_61 = arith.xori %iota3A, %xor3A_60 : vector<16xi32>
    %broadcast_in_dim3A_62 = vector.shape_cast %xor3A_61 : vector<16xi32> to vector<16x1xi32>
    %gather3A_63 = vector.shape_cast %broadcast_in_dim3A_62 : vector<16x1xi32> to vector<16xi32>
    %gather3A_64 = tpu.dynamic_gather %min3A_58[%gather3A_63] in [0] : vector<16xi32>, vector<16xi32> -> vector<16xi32>
    %min3A_65 = arith.minsi %min3A_58, %gather3A_64 : vector<16xi32>
    %add3A_66 = arith.constant 0 : i32
    %add3A_67 = arith.addi %mul3A_32, %add3A_66 : i32
    %dma_start3A = arith.constant 0 : i32
    %dma_start3A_68 = arith.constant 0 : i32
    %dma_start3A_69 = arith.constant 0 : i32
    %dma_start3A_70 = tpu.memref_slice %arg7[%dma_start3A, %dma_start3A_68, %dma_start3A_69] : memref<2x16x2048xf32, #tpu.memory_space<vmem>> -> memref<1x16x2048xf32, #tpu.memory_space<vmem>>
    %dma_start3A_71 = tpu.memref_squeeze %dma_start3A_70 : memref<1x16x2048xf32, #tpu.memory_space<vmem>> -> memref<16x2048xf32, #tpu.memory_space<vmem>>
    %dma_start3A_72 = tpu.memref_slice %arg6[%add3A_67] : memref<2048xi32, #tpu.memory_space<vmem>> -> memref<16xi32, #tpu.memory_space<vmem>>
    %dma_start3A_73 = arith.constant 0 : i32
    %dma_start3A_74 = arith.constant 0 : i32
    %dma_start3A_75 = tpu.memref_slice %arg4[%dma_start3A_73, %dma_start3A_74] : memref<32000x2048xf32, #tpu.memory_space<hbm>> -> memref<32000x2048xf32, #tpu.memory_space<hbm>>
    tpu.enqueue_indirect_dma source(%dma_start3A_75 : memref<32000x2048xf32, #tpu.memory_space<hbm>>) target(%dma_start3A_71 : memref<16x2048xf32, #tpu.memory_space<vmem>>) offsets(%dma_start3A_72 : memref<16xi32, #tpu.memory_space<vmem>>) semaphore(%arg8 : memref<!tpu.dma_semaphore, #tpu.memory_space<semaphore_mem>>)
    %add3A_76 = arith.constant 16 : i32
    %add3A_77 = arith.addi %mul3A_32, %add3A_76 : i32
    %dma_start3A_78 = arith.constant 1 : i32
    %dma_start3A_79 = arith.constant 0 : i32
    %dma_start3A_80 = arith.constant 0 : i32
    %dma_start3A_81 = tpu.memref_slice %arg7[%dma_start3A_78, %dma_start3A_79, %dma_start3A_80] : memref<2x16x2048xf32, #tpu.memory_space<vmem>> -> memref<1x16x2048xf32, #tpu.memory_space<vmem>>
    %dma_start3A_82 = tpu.memref_squeeze %dma_start3A_81 : memref<1x16x2048xf32, #tpu.memory_space<vmem>> -> memref<16x2048xf32, #tpu.memory_space<vmem>>
    %dma_start3A_83 = tpu.memref_slice %arg6[%add3A_77] : memref<2048xi32, #tpu.memory_space<vmem>> -> memref<16xi32, #tpu.memory_space<vmem>>
    %dma_start3A_84 = arith.constant 0 : i32
    %dma_start3A_85 = arith.constant 0 : i32
    %dma_start3A_86 = tpu.memref_slice %arg4[%dma_start3A_84, %dma_start3A_85] : memref<32000x2048xf32, #tpu.memory_space<hbm>> -> memref<32000x2048xf32, #tpu.memory_space<hbm>>
    tpu.enqueue_indirect_dma source(%dma_start3A_86 : memref<32000x2048xf32, #tpu.memory_space<hbm>>) target(%dma_start3A_82 : memref<16x2048xf32, #tpu.memory_space<vmem>>) offsets(%dma_start3A_83 : memref<16xi32, #tpu.memory_space<vmem>>) semaphore(%arg9 : memref<!tpu.dma_semaphore, #tpu.memory_space<semaphore_mem>>)
    %dma_wait3A = arith.constant 0 : i32
    %dma_wait3A_87 = arith.constant 0 : i32
    %dma_wait3A_88 = arith.constant 0 : i32
    %dma_wait3A_89 = tpu.memref_slice %arg7[%dma_wait3A, %dma_wait3A_87, %dma_wait3A_88] : memref<2x16x2048xf32, #tpu.memory_space<vmem>> -> memref<1x16x2048xf32, #tpu.memory_space<vmem>>
    %dma_wait3A_90 = tpu.memref_squeeze %dma_wait3A_89 : memref<1x16x2048xf32, #tpu.memory_space<vmem>> -> memref<16x2048xf32, #tpu.memory_space<vmem>>
    %dma_wait3A_91 = tpu.memref_slice %arg6[%add3A_67] : memref<2048xi32, #tpu.memory_space<vmem>> -> memref<16xi32, #tpu.memory_space<vmem>>
    %dma_wait3A_92 = arith.constant 0 : i32
    %dma_wait3A_93 = arith.constant 0 : i32
    %dma_wait3A_94 = tpu.memref_slice %arg4[%dma_wait3A_92, %dma_wait3A_93] : memref<32000x2048xf32, #tpu.memory_space<hbm>> -> memref<32000x2048xf32, #tpu.memory_space<hbm>>
    tpu.wait_indirect_dma semaphore(%arg8 : memref<!tpu.dma_semaphore, #tpu.memory_space<semaphore_mem>>) src(%dma_wait3A_94 : memref<32000x2048xf32, #tpu.memory_space<hbm>>) dst(%dma_wait3A_90 : memref<16x2048xf32, #tpu.memory_space<vmem>>)
    %mul3A_95 = arith.constant 256 : i32
    %mul3A_96 = arith.muli %add3A, %mul3A_95 : i32
    %add3A_97 = arith.constant 0 : i32
    %add3A_98 = arith.addi %mul3A_96, %add3A_97 : i32
    %run_scoped3A = arith.constant 0 : i32
    "tpu.region"() ({
      %run_scoped3A_513 = tpu.sem_alloc : memref<!tpu.dma_semaphore, #tpu.memory_space<semaphore_mem>>
      %dma_start3A_514 = arith.constant 0 : i32
      %dma_start3A_515 = arith.constant 0 : i32
      %dma_start3A_516 = tpu.memref_slice %arg7[%run_scoped3A, %dma_start3A_514, %dma_start3A_515] : memref<2x16x2048xf32, #tpu.memory_space<vmem>> -> memref<1x16x2048xf32, #tpu.memory_space<vmem>>
      %dma_start3A_517 = tpu.memref_squeeze %dma_start3A_516 : memref<1x16x2048xf32, #tpu.memory_space<vmem>> -> memref<16x2048xf32, #tpu.memory_space<vmem>>
      %dma_start3A_518 = arith.constant 0 : i32
      %dma_start3A_519 = tpu.memref_slice %arg5[%add3A_98, %dma_start3A_518] : memref<8192x2048xf32, #tpu.memory_space<hbm>> -> memref<16x2048xf32, #tpu.memory_space<hbm>>
      %dma_start3A_520 = arith.constant 0 : i32
      %dma_start3A_521 = tpu.memref_slice %arg5[%add3A_98, %dma_start3A_520] : memref<8192x2048xf32, #tpu.memory_space<hbm>> -> memref<16x2048xf32, #tpu.memory_space<hbm>>
      %dma_start3A_522 = arith.constant 0 : i32
      %dma_start3A_523 = arith.constant 0 : i32
      %dma_start3A_524 = tpu.memref_slice %arg7[%run_scoped3A, %dma_start3A_522, %dma_start3A_523] : memref<2x16x2048xf32, #tpu.memory_space<vmem>> -> memref<1x16x2048xf32, #tpu.memory_space<vmem>>
      %dma_start3A_525 = tpu.memref_squeeze %dma_start3A_524 : memref<1x16x2048xf32, #tpu.memory_space<vmem>> -> memref<16x2048xf32, #tpu.memory_space<vmem>>
      tpu.enqueue_dma source(%dma_start3A_525 : memref<16x2048xf32, #tpu.memory_space<vmem>>) target(%dma_start3A_521 : memref<16x2048xf32, #tpu.memory_space<hbm>>) target_semaphore(%run_scoped3A_513 : memref<!tpu.dma_semaphore, #tpu.memory_space<semaphore_mem>>)
      %dma_wait3A_526 = arith.constant 0 : i32
      %dma_wait3A_527 = arith.constant 0 : i32
      %dma_wait3A_528 = tpu.memref_slice %arg7[%run_scoped3A, %dma_wait3A_526, %dma_wait3A_527] : memref<2x16x2048xf32, #tpu.memory_space<vmem>> -> memref<1x16x2048xf32, #tpu.memory_space<vmem>>
      %dma_wait3A_529 = tpu.memref_squeeze %dma_wait3A_528 : memref<1x16x2048xf32, #tpu.memory_space<vmem>> -> memref<16x2048xf32, #tpu.memory_space<vmem>>
      %dma_wait3A_530 = arith.constant 0 : i32
      %dma_wait3A_531 = tpu.memref_slice %arg5[%add3A_98, %dma_wait3A_530] : memref<8192x2048xf32, #tpu.memory_space<hbm>> -> memref<16x2048xf32, #tpu.memory_space<hbm>>
      %dma_wait3A_532 = arith.constant 0 : i32
      %dma_wait3A_533 = tpu.memref_slice %arg5[%add3A_98, %dma_wait3A_532] : memref<8192x2048xf32, #tpu.memory_space<hbm>> -> memref<16x2048xf32, #tpu.memory_space<hbm>>
      %dma_wait3A_534 = arith.constant 0 : i32
      %dma_wait3A_535 = arith.constant 0 : i32
      %dma_wait3A_536 = tpu.memref_slice %arg7[%run_scoped3A, %dma_wait3A_534, %dma_wait3A_535] : memref<2x16x2048xf32, #tpu.memory_space<vmem>> -> memref<1x16x2048xf32, #tpu.memory_space<vmem>>
      %dma_wait3A_537 = tpu.memref_squeeze %dma_wait3A_536 : memref<1x16x2048xf32, #tpu.memory_space<vmem>> -> memref<16x2048xf32, #tpu.memory_space<vmem>>
      tpu.wait_dma2 semaphore(%run_scoped3A_513 : memref<!tpu.dma_semaphore, #tpu.memory_space<semaphore_mem>>) src(%dma_wait3A_537 : memref<16x2048xf32, #tpu.memory_space<vmem>>) dst(%dma_wait3A_533 : memref<16x2048xf32, #tpu.memory_space<hbm>>)
      tpu.yield
    }) : () -> ()
    %add3A_99 = arith.constant 32 : i32
    %add3A_100 = arith.addi %mul3A_32, %add3A_99 : i32
    %dma_start3A_101 = arith.constant 0 : i32
    %dma_start3A_102 = arith.constant 0 : i32
    %dma_start3A_103 = arith.constant 0 : i32
    %dma_start3A_104 = tpu.memref_slice %arg7[%dma_start3A_101, %dma_start3A_102, %dma_start3A_103] : memref<2x16x2048xf32, #tpu.memory_space<vmem>> -> memref<1x16x2048xf32, #tpu.memory_space<vmem>>
    %dma_start3A_105 = tpu.memref_squeeze %dma_start3A_104 : memref<1x16x2048xf32, #tpu.memory_space<vmem>> -> memref<16x2048xf32, #tpu.memory_space<vmem>>
    %dma_start3A_106 = tpu.memref_slice %arg6[%add3A_100] : memref<2048xi32, #tpu.memory_space<vmem>> -> memref<16xi32, #tpu.memory_space<vmem>>
    %dma_start3A_107 = arith.constant 0 : i32
    %dma_start3A_108 = arith.constant 0 : i32
    %dma_start3A_109 = tpu.memref_slice %arg4[%dma_start3A_107, %dma_start3A_108] : memref<32000x2048xf32, #tpu.memory_space<hbm>> -> memref<32000x2048xf32, #tpu.memory_space<hbm>>
    tpu.enqueue_indirect_dma source(%dma_start3A_109 : memref<32000x2048xf32, #tpu.memory_space<hbm>>) target(%dma_start3A_105 : memref<16x2048xf32, #tpu.memory_space<vmem>>) offsets(%dma_start3A_106 : memref<16xi32, #tpu.memory_space<vmem>>) semaphore(%arg8 : memref<!tpu.dma_semaphore, #tpu.memory_space<semaphore_mem>>)
    %dma_wait3A_110 = arith.constant 1 : i32
    %dma_wait3A_111 = arith.constant 0 : i32
    %dma_wait3A_112 = arith.constant 0 : i32
    %dma_wait3A_113 = tpu.memref_slice %arg7[%dma_wait3A_110, %dma_wait3A_111, %dma_wait3A_112] : memref<2x16x2048xf32, #tpu.memory_space<vmem>> -> memref<1x16x2048xf32, #tpu.memory_space<vmem>>
    %dma_wait3A_114 = tpu.memref_squeeze %dma_wait3A_113 : memref<1x16x2048xf32, #tpu.memory_space<vmem>> -> memref<16x2048xf32, #tpu.memory_space<vmem>>
    %dma_wait3A_115 = tpu.memref_slice %arg6[%add3A_77] : memref<2048xi32, #tpu.memory_space<vmem>> -> memref<16xi32, #tpu.memory_space<vmem>>
    %dma_wait3A_116 = arith.constant 0 : i32
    %dma_wait3A_117 = arith.constant 0 : i32
    %dma_wait3A_118 = tpu.memref_slice %arg4[%dma_wait3A_116, %dma_wait3A_117] : memref<32000x2048xf32, #tpu.memory_space<hbm>> -> memref<32000x2048xf32, #tpu.memory_space<hbm>>
    tpu.wait_indirect_dma semaphore(%arg9 : memref<!tpu.dma_semaphore, #tpu.memory_space<semaphore_mem>>) src(%dma_wait3A_118 : memref<32000x2048xf32, #tpu.memory_space<hbm>>) dst(%dma_wait3A_114 : memref<16x2048xf32, #tpu.memory_space<vmem>>)
    %mul3A_119 = arith.constant 256 : i32
    %mul3A_120 = arith.muli %add3A, %mul3A_119 : i32
    %add3A_121 = arith.constant 16 : i32
    %add3A_122 = arith.addi %mul3A_120, %add3A_121 : i32
    %run_scoped3A_123 = arith.constant 1 : i32
    "tpu.region"() ({
      %run_scoped3A_513 = tpu.sem_alloc : memref<!tpu.dma_semaphore, #tpu.memory_space<semaphore_mem>>
      %dma_start3A_514 = arith.constant 0 : i32
      %dma_start3A_515 = arith.constant 0 : i32
      %dma_start3A_516 = tpu.memref_slice %arg7[%run_scoped3A_123, %dma_start3A_514, %dma_start3A_515] : memref<2x16x2048xf32, #tpu.memory_space<vmem>> -> memref<1x16x2048xf32, #tpu.memory_space<vmem>>
      %dma_start3A_517 = tpu.memref_squeeze %dma_start3A_516 : memref<1x16x2048xf32, #tpu.memory_space<vmem>> -> memref<16x2048xf32, #tpu.memory_space<vmem>>
      %dma_start3A_518 = arith.constant 0 : i32
      %dma_start3A_519 = tpu.memref_slice %arg5[%add3A_122, %dma_start3A_518] : memref<8192x2048xf32, #tpu.memory_space<hbm>> -> memref<16x2048xf32, #tpu.memory_space<hbm>>
      %dma_start3A_520 = arith.constant 0 : i32
      %dma_start3A_521 = tpu.memref_slice %arg5[%add3A_122, %dma_start3A_520] : memref<8192x2048xf32, #tpu.memory_space<hbm>> -> memref<16x2048xf32, #tpu.memory_space<hbm>>
      %dma_start3A_522 = arith.constant 0 : i32
      %dma_start3A_523 = arith.constant 0 : i32
      %dma_start3A_524 = tpu.memref_slice %arg7[%run_scoped3A_123, %dma_start3A_522, %dma_start3A_523] : memref<2x16x2048xf32, #tpu.memory_space<vmem>> -> memref<1x16x2048xf32, #tpu.memory_space<vmem>>
      %dma_start3A_525 = tpu.memref_squeeze %dma_start3A_524 : memref<1x16x2048xf32, #tpu.memory_space<vmem>> -> memref<16x2048xf32, #tpu.memory_space<vmem>>
      tpu.enqueue_dma source(%dma_start3A_525 : memref<16x2048xf32, #tpu.memory_space<vmem>>) target(%dma_start3A_521 : memref<16x2048xf32, #tpu.memory_space<hbm>>) target_semaphore(%run_scoped3A_513 : memref<!tpu.dma_semaphore, #tpu.memory_space<semaphore_mem>>)
      %dma_wait3A_526 = arith.constant 0 : i32
      %dma_wait3A_527 = arith.constant 0 : i32
      %dma_wait3A_528 = tpu.memref_slice %arg7[%run_scoped3A_123, %dma_wait3A_526, %dma_wait3A_527] : memref<2x16x2048xf32, #tpu.memory_space<vmem>> -> memref<1x16x2048xf32, #tpu.memory_space<vmem>>
      %dma_wait3A_529 = tpu.memref_squeeze %dma_wait3A_528 : memref<1x16x2048xf32, #tpu.memory_space<vmem>> -> memref<16x2048xf32, #tpu.memory_space<vmem>>
      %dma_wait3A_530 = arith.constant 0 : i32
      %dma_wait3A_531 = tpu.memref_slice %arg5[%add3A_122, %dma_wait3A_530] : memref<8192x2048xf32, #tpu.memory_space<hbm>> -> memref<16x2048xf32, #tpu.memory_space<hbm>>
      %dma_wait3A_532 = arith.constant 0 : i32
      %dma_wait3A_533 = tpu.memref_slice %arg5[%add3A_122, %dma_wait3A_532] : memref<8192x2048xf32, #tpu.memory_space<hbm>> -> memref<16x2048xf32, #tpu.memory_space<hbm>>
      %dma_wait3A_534 = arith.constant 0 : i32
      %dma_wait3A_535 = arith.constant 0 : i32
      %dma_wait3A_536 = tpu.memref_slice %arg7[%run_scoped3A_123, %dma_wait3A_534, %dma_wait3A_535] : memref<2x16x2048xf32, #tpu.memory_space<vmem>> -> memref<1x16x2048xf32, #tpu.memory_space<vmem>>
      %dma_wait3A_537 = tpu.memref_squeeze %dma_wait3A_536 : memref<1x16x2048xf32, #tpu.memory_space<vmem>> -> memref<16x2048xf32, #tpu.memory_space<vmem>>
      tpu.wait_dma2 semaphore(%run_scoped3A_513 : memref<!tpu.dma_semaphore, #tpu.memory_space<semaphore_mem>>) src(%dma_wait3A_537 : memref<16x2048xf32, #tpu.memory_space<vmem>>) dst(%dma_wait3A_533 : memref<16x2048xf32, #tpu.memory_space<hbm>>)
      tpu.yield
    }) : () -> ()
    %add3A_124 = arith.constant 48 : i32
    %add3A_125 = arith.addi %mul3A_32, %add3A_124 : i32
    %dma_start3A_126 = arith.constant 1 : i32
    %dma_start3A_127 = arith.constant 0 : i32
    %dma_start3A_128 = arith.constant 0 : i32
    %dma_start3A_129 = tpu.memref_slice %arg7[%dma_start3A_126, %dma_start3A_127, %dma_start3A_128] : memref<2x16x2048xf32, #tpu.memory_space<vmem>> -> memref<1x16x2048xf32, #tpu.memory_space<vmem>>
    %dma_start3A_130 = tpu.memref_squeeze %dma_start3A_129 : memref<1x16x2048xf32, #tpu.memory_space<vmem>> -> memref<16x2048xf32, #tpu.memory_space<vmem>>
    %dma_start3A_131 = tpu.memref_slice %arg6[%add3A_125] : memref<2048xi32, #tpu.memory_space<vmem>> -> memref<16xi32, #tpu.memory_space<vmem>>
    %dma_start3A_132 = arith.constant 0 : i32
    %dma_start3A_133 = arith.constant 0 : i32
    %dma_start3A_134 = tpu.memref_slice %arg4[%dma_start3A_132, %dma_start3A_133] : memref<32000x2048xf32, #tpu.memory_space<hbm>> -> memref<32000x2048xf32, #tpu.memory_space<hbm>>
    tpu.enqueue_indirect_dma source(%dma_start3A_134 : memref<32000x2048xf32, #tpu.memory_space<hbm>>) target(%dma_start3A_130 : memref<16x2048xf32, #tpu.memory_space<vmem>>) offsets(%dma_start3A_131 : memref<16xi32, #tpu.memory_space<vmem>>) semaphore(%arg9 : memref<!tpu.dma_semaphore, #tpu.memory_space<semaphore_mem>>)
    %dma_wait3A_135 = arith.constant 0 : i32
    %dma_wait3A_136 = arith.constant 0 : i32
    %dma_wait3A_137 = arith.constant 0 : i32
    %dma_wait3A_138 = tpu.memref_slice %arg7[%dma_wait3A_135, %dma_wait3A_136, %dma_wait3A_137] : memref<2x16x2048xf32, #tpu.memory_space<vmem>> -> memref<1x16x2048xf32, #tpu.memory_space<vmem>>
    %dma_wait3A_139 = tpu.memref_squeeze %dma_wait3A_138 : memref<1x16x2048xf32, #tpu.memory_space<vmem>> -> memref<16x2048xf32, #tpu.memory_space<vmem>>
    %dma_wait3A_140 = tpu.memref_slice %arg6[%add3A_100] : memref<2048xi32, #tpu.memory_space<vmem>> -> memref<16xi32, #tpu.memory_space<vmem>>
    %dma_wait3A_141 = arith.constant 0 : i32
    %dma_wait3A_142 = arith.constant 0 : i32
    %dma_wait3A_143 = tpu.memref_slice %arg4[%dma_wait3A_141, %dma_wait3A_142] : memref<32000x2048xf32, #tpu.memory_space<hbm>> -> memref<32000x2048xf32, #tpu.memory_space<hbm>>
    tpu.wait_indirect_dma semaphore(%arg8 : memref<!tpu.dma_semaphore, #tpu.memory_space<semaphore_mem>>) src(%dma_wait3A_143 : memref<32000x2048xf32, #tpu.memory_space<hbm>>) dst(%dma_wait3A_139 : memref<16x2048xf32, #tpu.memory_space<vmem>>)
    %mul3A_144 = arith.constant 256 : i32
    %mul3A_145 = arith.muli %add3A, %mul3A_144 : i32
    %add3A_146 = arith.constant 32 : i32
    %add3A_147 = arith.addi %mul3A_145, %add3A_146 : i32
    %run_scoped3A_148 = arith.constant 0 : i32
    "tpu.region"() ({
      %run_scoped3A_513 = tpu.sem_alloc : memref<!tpu.dma_semaphore, #tpu.memory_space<semaphore_mem>>
      %dma_start3A_514 = arith.constant 0 : i32
      %dma_start3A_515 = arith.constant 0 : i32
      %dma_start3A_516 = tpu.memref_slice %arg7[%run_scoped3A_148, %dma_start3A_514, %dma_start3A_515] : memref<2x16x2048xf32, #tpu.memory_space<vmem>> -> memref<1x16x2048xf32, #tpu.memory_space<vmem>>
      %dma_start3A_517 = tpu.memref_squeeze %dma_start3A_516 : memref<1x16x2048xf32, #tpu.memory_space<vmem>> -> memref<16x2048xf32, #tpu.memory_space<vmem>>
      %dma_start3A_518 = arith.constant 0 : i32
      %dma_start3A_519 = tpu.memref_slice %arg5[%add3A_147, %dma_start3A_518] : memref<8192x2048xf32, #tpu.memory_space<hbm>> -> memref<16x2048xf32, #tpu.memory_space<hbm>>
      %dma_start3A_520 = arith.constant 0 : i32
      %dma_start3A_521 = tpu.memref_slice %arg5[%add3A_147, %dma_start3A_520] : memref<8192x2048xf32, #tpu.memory_space<hbm>> -> memref<16x2048xf32, #tpu.memory_space<hbm>>
      %dma_start3A_522 = arith.constant 0 : i32
      %dma_start3A_523 = arith.constant 0 : i32
      %dma_start3A_524 = tpu.memref_slice %arg7[%run_scoped3A_148, %dma_start3A_522, %dma_start3A_523] : memref<2x16x2048xf32, #tpu.memory_space<vmem>> -> memref<1x16x2048xf32, #tpu.memory_space<vmem>>
      %dma_start3A_525 = tpu.memref_squeeze %dma_start3A_524 : memref<1x16x2048xf32, #tpu.memory_space<vmem>> -> memref<16x2048xf32, #tpu.memory_space<vmem>>
      tpu.enqueue_dma source(%dma_start3A_525 : memref<16x2048xf32, #tpu.memory_space<vmem>>) target(%dma_start3A_521 : memref<16x2048xf32, #tpu.memory_space<hbm>>) target_semaphore(%run_scoped3A_513 : memref<!tpu.dma_semaphore, #tpu.memory_space<semaphore_mem>>)
      %dma_wait3A_526 = arith.constant 0 : i32
      %dma_wait3A_527 = arith.constant 0 : i32
      %dma_wait3A_528 = tpu.memref_slice %arg7[%run_scoped3A_148, %dma_wait3A_526, %dma_wait3A_527] : memref<2x16x2048xf32, #tpu.memory_space<vmem>> -> memref<1x16x2048xf32, #tpu.memory_space<vmem>>
      %dma_wait3A_529 = tpu.memref_squeeze %dma_wait3A_528 : memref<1x16x2048xf32, #tpu.memory_space<vmem>> -> memref<16x2048xf32, #tpu.memory_space<vmem>>
      %dma_wait3A_530 = arith.constant 0 : i32
      %dma_wait3A_531 = tpu.memref_slice %arg5[%add3A_147, %dma_wait3A_530] : memref<8192x2048xf32, #tpu.memory_space<hbm>> -> memref<16x2048xf32, #tpu.memory_space<hbm>>
      %dma_wait3A_532 = arith.constant 0 : i32
      %dma_wait3A_533 = tpu.memref_slice %arg5[%add3A_147, %dma_wait3A_532] : memref<8192x2048xf32, #tpu.memory_space<hbm>> -> memref<16x2048xf32, #tpu.memory_space<hbm>>
      %dma_wait3A_534 = arith.constant 0 : i32
      %dma_wait3A_535 = arith.constant 0 : i32
      %dma_wait3A_536 = tpu.memref_slice %arg7[%run_scoped3A_148, %dma_wait3A_534, %dma_wait3A_535] : memref<2x16x2048xf32, #tpu.memory_space<vmem>> -> memref<1x16x2048xf32, #tpu.memory_space<vmem>>
      %dma_wait3A_537 = tpu.memref_squeeze %dma_wait3A_536 : memref<1x16x2048xf32, #tpu.memory_space<vmem>> -> memref<16x2048xf32, #tpu.memory_space<vmem>>
      tpu.wait_dma2 semaphore(%run_scoped3A_513 : memref<!tpu.dma_semaphore, #tpu.memory_space<semaphore_mem>>) src(%dma_wait3A_537 : memref<16x2048xf32, #tpu.memory_space<vmem>>) dst(%dma_wait3A_533 : memref<16x2048xf32, #tpu.memory_space<hbm>>)
      tpu.yield
    }) : () -> ()
    %add3A_149 = arith.constant 64 : i32
    %add3A_150 = arith.addi %mul3A_32, %add3A_149 : i32
    %dma_start3A_151 = arith.constant 0 : i32
    %dma_start3A_152 = arith.constant 0 : i32
    %dma_start3A_153 = arith.constant 0 : i32
    %dma_start3A_154 = tpu.memref_slice %arg7[%dma_start3A_151, %dma_start3A_152, %dma_start3A_153] : memref<2x16x2048xf32, #tpu.memory_space<vmem>> -> memref<1x16x2048xf32, #tpu.memory_space<vmem>>
    %dma_start3A_155 = tpu.memref_squeeze %dma_start3A_154 : memref<1x16x2048xf32, #tpu.memory_space<vmem>> -> memref<16x2048xf32, #tpu.memory_space<vmem>>
    %dma_start3A_156 = tpu.memref_slice %arg6[%add3A_150] : memref<2048xi32, #tpu.memory_space<vmem>> -> memref<16xi32, #tpu.memory_space<vmem>>
    %dma_start3A_157 = arith.constant 0 : i32
    %dma_start3A_158 = arith.constant 0 : i32
    %dma_start3A_159 = tpu.memref_slice %arg4[%dma_start3A_157, %dma_start3A_158] : memref<32000x2048xf32, #tpu.memory_space<hbm>> -> memref<32000x2048xf32, #tpu.memory_space<hbm>>
    tpu.enqueue_indirect_dma source(%dma_start3A_159 : memref<32000x2048xf32, #tpu.memory_space<hbm>>) target(%dma_start3A_155 : memref<16x2048xf32, #tpu.memory_space<vmem>>) offsets(%dma_start3A_156 : memref<16xi32, #tpu.memory_space<vmem>>) semaphore(%arg8 : memref<!tpu.dma_semaphore, #tpu.memory_space<semaphore_mem>>)
    %dma_wait3A_160 = arith.constant 1 : i32
    %dma_wait3A_161 = arith.constant 0 : i32
    %dma_wait3A_162 = arith.constant 0 : i32
    %dma_wait3A_163 = tpu.memref_slice %arg7[%dma_wait3A_160, %dma_wait3A_161, %dma_wait3A_162] : memref<2x16x2048xf32, #tpu.memory_space<vmem>> -> memref<1x16x2048xf32, #tpu.memory_space<vmem>>
    %dma_wait3A_164 = tpu.memref_squeeze %dma_wait3A_163 : memref<1x16x2048xf32, #tpu.memory_space<vmem>> -> memref<16x2048xf32, #tpu.memory_space<vmem>>
    %dma_wait3A_165 = tpu.memref_slice %arg6[%add3A_125] : memref<2048xi32, #tpu.memory_space<vmem>> -> memref<16xi32, #tpu.memory_space<vmem>>
    %dma_wait3A_166 = arith.constant 0 : i32
    %dma_wait3A_167 = arith.constant 0 : i32
    %dma_wait3A_168 = tpu.memref_slice %arg4[%dma_wait3A_166, %dma_wait3A_167] : memref<32000x2048xf32, #tpu.memory_space<hbm>> -> memref<32000x2048xf32, #tpu.memory_space<hbm>>
    tpu.wait_indirect_dma semaphore(%arg9 : memref<!tpu.dma_semaphore, #tpu.memory_space<semaphore_mem>>) src(%dma_wait3A_168 : memref<32000x2048xf32, #tpu.memory_space<hbm>>) dst(%dma_wait3A_164 : memref<16x2048xf32, #tpu.memory_space<vmem>>)
    %mul3A_169 = arith.constant 256 : i32
    %mul3A_170 = arith.muli %add3A, %mul3A_169 : i32
    %add3A_171 = arith.constant 48 : i32
    %add3A_172 = arith.addi %mul3A_170, %add3A_171 : i32
    %run_scoped3A_173 = arith.constant 1 : i32
    "tpu.region"() ({
      %run_scoped3A_513 = tpu.sem_alloc : memref<!tpu.dma_semaphore, #tpu.memory_space<semaphore_mem>>
      %dma_start3A_514 = arith.constant 0 : i32
      %dma_start3A_515 = arith.constant 0 : i32
      %dma_start3A_516 = tpu.memref_slice %arg7[%run_scoped3A_173, %dma_start3A_514, %dma_start3A_515] : memref<2x16x2048xf32, #tpu.memory_space<vmem>> -> memref<1x16x2048xf32, #tpu.memory_space<vmem>>
      %dma_start3A_517 = tpu.memref_squeeze %dma_start3A_516 : memref<1x16x2048xf32, #tpu.memory_space<vmem>> -> memref<16x2048xf32, #tpu.memory_space<vmem>>
      %dma_start3A_518 = arith.constant 0 : i32
      %dma_start3A_519 = tpu.memref_slice %arg5[%add3A_172, %dma_start3A_518] : memref<8192x2048xf32, #tpu.memory_space<hbm>> -> memref<16x2048xf32, #tpu.memory_space<hbm>>
      %dma_start3A_520 = arith.constant 0 : i32
      %dma_start3A_521 = tpu.memref_slice %arg5[%add3A_172, %dma_start3A_520] : memref<8192x2048xf32, #tpu.memory_space<hbm>> -> memref<16x2048xf32, #tpu.memory_space<hbm>>
      %dma_start3A_522 = arith.constant 0 : i32
      %dma_start3A_523 = arith.constant 0 : i32
      %dma_start3A_524 = tpu.memref_slice %arg7[%run_scoped3A_173, %dma_start3A_522, %dma_start3A_523] : memref<2x16x2048xf32, #tpu.memory_space<vmem>> -> memref<1x16x2048xf32, #tpu.memory_space<vmem>>
      %dma_start3A_525 = tpu.memref_squeeze %dma_start3A_524 : memref<1x16x2048xf32, #tpu.memory_space<vmem>> -> memref<16x2048xf32, #tpu.memory_space<vmem>>
      tpu.enqueue_dma source(%dma_start3A_525 : memref<16x2048xf32, #tpu.memory_space<vmem>>) target(%dma_start3A_521 : memref<16x2048xf32, #tpu.memory_space<hbm>>) target_semaphore(%run_scoped3A_513 : memref<!tpu.dma_semaphore, #tpu.memory_space<semaphore_mem>>)
      %dma_wait3A_526 = arith.constant 0 : i32
      %dma_wait3A_527 = arith.constant 0 : i32
      %dma_wait3A_528 = tpu.memref_slice %arg7[%run_scoped3A_173, %dma_wait3A_526, %dma_wait3A_527] : memref<2x16x2048xf32, #tpu.memory_space<vmem>> -> memref<1x16x2048xf32, #tpu.memory_space<vmem>>
      %dma_wait3A_529 = tpu.memref_squeeze %dma_wait3A_528 : memref<1x16x2048xf32, #tpu.memory_space<vmem>> -> memref<16x2048xf32, #tpu.memory_space<vmem>>
      %dma_wait3A_530 = arith.constant 0 : i32
      %dma_wait3A_531 = tpu.memref_slice %arg5[%add3A_172, %dma_wait3A_530] : memref<8192x2048xf32, #tpu.memory_space<hbm>> -> memref<16x2048xf32, #tpu.memory_space<hbm>>
      %dma_wait3A_532 = arith.constant 0 : i32
      %dma_wait3A_533 = tpu.memref_slice %arg5[%add3A_172, %dma_wait3A_532] : memref<8192x2048xf32, #tpu.memory_space<hbm>> -> memref<16x2048xf32, #tpu.memory_space<hbm>>
      %dma_wait3A_534 = arith.constant 0 : i32
      %dma_wait3A_535 = arith.constant 0 : i32
      %dma_wait3A_536 = tpu.memref_slice %arg7[%run_scoped3A_173, %dma_wait3A_534, %dma_wait3A_535] : memref<2x16x2048xf32, #tpu.memory_space<vmem>> -> memref<1x16x2048xf32, #tpu.memory_space<vmem>>
      %dma_wait3A_537 = tpu.memref_squeeze %dma_wait3A_536 : memref<1x16x2048xf32, #tpu.memory_space<vmem>> -> memref<16x2048xf32, #tpu.memory_space<vmem>>
      tpu.wait_dma2 semaphore(%run_scoped3A_513 : memref<!tpu.dma_semaphore, #tpu.memory_space<semaphore_mem>>) src(%dma_wait3A_537 : memref<16x2048xf32, #tpu.memory_space<vmem>>) dst(%dma_wait3A_533 : memref<16x2048xf32, #tpu.memory_space<hbm>>)
      tpu.yield
    }) : () -> ()
    %add3A_174 = arith.constant 80 : i32
    %add3A_175 = arith.addi %mul3A_32, %add3A_174 : i32
    %dma_start3A_176 = arith.constant 1 : i32
    %dma_start3A_177 = arith.constant 0 : i32
    %dma_start3A_178 = arith.constant 0 : i32
    %dma_start3A_179 = tpu.memref_slice %arg7[%dma_start3A_176, %dma_start3A_177, %dma_start3A_178] : memref<2x16x2048xf32, #tpu.memory_space<vmem>> -> memref<1x16x2048xf32, #tpu.memory_space<vmem>>
    %dma_start3A_180 = tpu.memref_squeeze %dma_start3A_179 : memref<1x16x2048xf32, #tpu.memory_space<vmem>> -> memref<16x2048xf32, #tpu.memory_space<vmem>>
    %dma_start3A_181 = tpu.memref_slice %arg6[%add3A_175] : memref<2048xi32, #tpu.memory_space<vmem>> -> memref<16xi32, #tpu.memory_space<vmem>>
    %dma_start3A_182 = arith.constant 0 : i32
    %dma_start3A_183 = arith.constant 0 : i32
    %dma_start3A_184 = tpu.memref_slice %arg4[%dma_start3A_182, %dma_start3A_183] : memref<32000x2048xf32, #tpu.memory_space<hbm>> -> memref<32000x2048xf32, #tpu.memory_space<hbm>>
    tpu.enqueue_indirect_dma source(%dma_start3A_184 : memref<32000x2048xf32, #tpu.memory_space<hbm>>) target(%dma_start3A_180 : memref<16x2048xf32, #tpu.memory_space<vmem>>) offsets(%dma_start3A_181 : memref<16xi32, #tpu.memory_space<vmem>>) semaphore(%arg9 : memref<!tpu.dma_semaphore, #tpu.memory_space<semaphore_mem>>)
    %dma_wait3A_185 = arith.constant 0 : i32
    %dma_wait3A_186 = arith.constant 0 : i32
    %dma_wait3A_187 = arith.constant 0 : i32
    %dma_wait3A_188 = tpu.memref_slice %arg7[%dma_wait3A_185, %dma_wait3A_186, %dma_wait3A_187] : memref<2x16x2048xf32, #tpu.memory_space<vmem>> -> memref<1x16x2048xf32, #tpu.memory_space<vmem>>
    %dma_wait3A_189 = tpu.memref_squeeze %dma_wait3A_188 : memref<1x16x2048xf32, #tpu.memory_space<vmem>> -> memref<16x2048xf32, #tpu.memory_space<vmem>>
    %dma_wait3A_190 = tpu.memref_slice %arg6[%add3A_150] : memref<2048xi32, #tpu.memory_space<vmem>> -> memref<16xi32, #tpu.memory_space<vmem>>
    %dma_wait3A_191 = arith.constant 0 : i32
    %dma_wait3A_192 = arith.constant 0 : i32
    %dma_wait3A_193 = tpu.memref_slice %arg4[%dma_wait3A_191, %dma_wait3A_192] : memref<32000x2048xf32, #tpu.memory_space<hbm>> -> memref<32000x2048xf32, #tpu.memory_space<hbm>>
    tpu.wait_indirect_dma semaphore(%arg8 : memref<!tpu.dma_semaphore, #tpu.memory_space<semaphore_mem>>) src(%dma_wait3A_193 : memref<32000x2048xf32, #tpu.memory_space<hbm>>) dst(%dma_wait3A_189 : memref<16x2048xf32, #tpu.memory_space<vmem>>)
    %mul3A_194 = arith.constant 256 : i32
    %mul3A_195 = arith.muli %add3A, %mul3A_194 : i32
    %add3A_196 = arith.constant 64 : i32
    %add3A_197 = arith.addi %mul3A_195, %add3A_196 : i32
    %run_scoped3A_198 = arith.constant 0 : i32
    "tpu.region"() ({
      %run_scoped3A_513 = tpu.sem_alloc : memref<!tpu.dma_semaphore, #tpu.memory_space<semaphore_mem>>
      %dma_start3A_514 = arith.constant 0 : i32
      %dma_start3A_515 = arith.constant 0 : i32
      %dma_start3A_516 = tpu.memref_slice %arg7[%run_scoped3A_198, %dma_start3A_514, %dma_start3A_515] : memref<2x16x2048xf32, #tpu.memory_space<vmem>> -> memref<1x16x2048xf32, #tpu.memory_space<vmem>>
      %dma_start3A_517 = tpu.memref_squeeze %dma_start3A_516 : memref<1x16x2048xf32, #tpu.memory_space<vmem>> -> memref<16x2048xf32, #tpu.memory_space<vmem>>
      %dma_start3A_518 = arith.constant 0 : i32
      %dma_start3A_519 = tpu.memref_slice %arg5[%add3A_197, %dma_start3A_518] : memref<8192x2048xf32, #tpu.memory_space<hbm>> -> memref<16x2048xf32, #tpu.memory_space<hbm>>
      %dma_start3A_520 = arith.constant 0 : i32
      %dma_start3A_521 = tpu.memref_slice %arg5[%add3A_197, %dma_start3A_520] : memref<8192x2048xf32, #tpu.memory_space<hbm>> -> memref<16x2048xf32, #tpu.memory_space<hbm>>
      %dma_start3A_522 = arith.constant 0 : i32
      %dma_start3A_523 = arith.constant 0 : i32
      %dma_start3A_524 = tpu.memref_slice %arg7[%run_scoped3A_198, %dma_start3A_522, %dma_start3A_523] : memref<2x16x2048xf32, #tpu.memory_space<vmem>> -> memref<1x16x2048xf32, #tpu.memory_space<vmem>>
      %dma_start3A_525 = tpu.memref_squeeze %dma_start3A_524 : memref<1x16x2048xf32, #tpu.memory_space<vmem>> -> memref<16x2048xf32, #tpu.memory_space<vmem>>
      tpu.enqueue_dma source(%dma_start3A_525 : memref<16x2048xf32, #tpu.memory_space<vmem>>) target(%dma_start3A_521 : memref<16x2048xf32, #tpu.memory_space<hbm>>) target_semaphore(%run_scoped3A_513 : memref<!tpu.dma_semaphore, #tpu.memory_space<semaphore_mem>>)
      %dma_wait3A_526 = arith.constant 0 : i32
      %dma_wait3A_527 = arith.constant 0 : i32
      %dma_wait3A_528 = tpu.memref_slice %arg7[%run_scoped3A_198, %dma_wait3A_526, %dma_wait3A_527] : memref<2x16x2048xf32, #tpu.memory_space<vmem>> -> memref<1x16x2048xf32, #tpu.memory_space<vmem>>
      %dma_wait3A_529 = tpu.memref_squeeze %dma_wait3A_528 : memref<1x16x2048xf32, #tpu.memory_space<vmem>> -> memref<16x2048xf32, #tpu.memory_space<vmem>>
      %dma_wait3A_530 = arith.constant 0 : i32
      %dma_wait3A_531 = tpu.memref_slice %arg5[%add3A_197, %dma_wait3A_530] : memref<8192x2048xf32, #tpu.memory_space<hbm>> -> memref<16x2048xf32, #tpu.memory_space<hbm>>
      %dma_wait3A_532 = arith.constant 0 : i32
      %dma_wait3A_533 = tpu.memref_slice %arg5[%add3A_197, %dma_wait3A_532] : memref<8192x2048xf32, #tpu.memory_space<hbm>> -> memref<16x2048xf32, #tpu.memory_space<hbm>>
      %dma_wait3A_534 = arith.constant 0 : i32
      %dma_wait3A_535 = arith.constant 0 : i32
      %dma_wait3A_536 = tpu.memref_slice %arg7[%run_scoped3A_198, %dma_wait3A_534, %dma_wait3A_535] : memref<2x16x2048xf32, #tpu.memory_space<vmem>> -> memref<1x16x2048xf32, #tpu.memory_space<vmem>>
      %dma_wait3A_537 = tpu.memref_squeeze %dma_wait3A_536 : memref<1x16x2048xf32, #tpu.memory_space<vmem>> -> memref<16x2048xf32, #tpu.memory_space<vmem>>
      tpu.wait_dma2 semaphore(%run_scoped3A_513 : memref<!tpu.dma_semaphore, #tpu.memory_space<semaphore_mem>>) src(%dma_wait3A_537 : memref<16x2048xf32, #tpu.memory_space<vmem>>) dst(%dma_wait3A_533 : memref<16x2048xf32, #tpu.memory_space<hbm>>)
      tpu.yield
    }) : () -> ()
    %add3A_199 = arith.constant 96 : i32
    %add3A_200 = arith.addi %mul3A_32, %add3A_199 : i32
    %dma_start3A_201 = arith.constant 0 : i32
    %dma_start3A_202 = arith.constant 0 : i32
    %dma_start3A_203 = arith.constant 0 : i32
    %dma_start3A_204 = tpu.memref_slice %arg7[%dma_start3A_201, %dma_start3A_202, %dma_start3A_203] : memref<2x16x2048xf32, #tpu.memory_space<vmem>> -> memref<1x16x2048xf32, #tpu.memory_space<vmem>>
    %dma_start3A_205 = tpu.memref_squeeze %dma_start3A_204 : memref<1x16x2048xf32, #tpu.memory_space<vmem>> -> memref<16x2048xf32, #tpu.memory_space<vmem>>
    %dma_start3A_206 = tpu.memref_slice %arg6[%add3A_200] : memref<2048xi32, #tpu.memory_space<vmem>> -> memref<16xi32, #tpu.memory_space<vmem>>
    %dma_start3A_207 = arith.constant 0 : i32
    %dma_start3A_208 = arith.constant 0 : i32
    %dma_start3A_209 = tpu.memref_slice %arg4[%dma_start3A_207, %dma_start3A_208] : memref<32000x2048xf32, #tpu.memory_space<hbm>> -> memref<32000x2048xf32, #tpu.memory_space<hbm>>
    tpu.enqueue_indirect_dma source(%dma_start3A_209 : memref<32000x2048xf32, #tpu.memory_space<hbm>>) target(%dma_start3A_205 : memref<16x2048xf32, #tpu.memory_space<vmem>>) offsets(%dma_start3A_206 : memref<16xi32, #tpu.memory_space<vmem>>) semaphore(%arg8 : memref<!tpu.dma_semaphore, #tpu.memory_space<semaphore_mem>>)
    %dma_wait3A_210 = arith.constant 1 : i32
    %dma_wait3A_211 = arith.constant 0 : i32
    %dma_wait3A_212 = arith.constant 0 : i32
    %dma_wait3A_213 = tpu.memref_slice %arg7[%dma_wait3A_210, %dma_wait3A_211, %dma_wait3A_212] : memref<2x16x2048xf32, #tpu.memory_space<vmem>> -> memref<1x16x2048xf32, #tpu.memory_space<vmem>>
    %dma_wait3A_214 = tpu.memref_squeeze %dma_wait3A_213 : memref<1x16x2048xf32, #tpu.memory_space<vmem>> -> memref<16x2048xf32, #tpu.memory_space<vmem>>
    %dma_wait3A_215 = tpu.memref_slice %arg6[%add3A_175] : memref<2048xi32, #tpu.memory_space<vmem>> -> memref<16xi32, #tpu.memory_space<vmem>>
    %dma_wait3A_216 = arith.constant 0 : i32
    %dma_wait3A_217 = arith.constant 0 : i32
    %dma_wait3A_218 = tpu.memref_slice %arg4[%dma_wait3A_216, %dma_wait3A_217] : memref<32000x2048xf32, #tpu.memory_space<hbm>> -> memref<32000x2048xf32, #tpu.memory_space<hbm>>
    tpu.wait_indirect_dma semaphore(%arg9 : memref<!tpu.dma_semaphore, #tpu.memory_space<semaphore_mem>>) src(%dma_wait3A_218 : memref<32000x2048xf32, #tpu.memory_space<hbm>>) dst(%dma_wait3A_214 : memref<16x2048xf32, #tpu.memory_space<vmem>>)
    %mul3A_219 = arith.constant 256 : i32
    %mul3A_220 = arith.muli %add3A, %mul3A_219 : i32
    %add3A_221 = arith.constant 80 : i32
    %add3A_222 = arith.addi %mul3A_220, %add3A_221 : i32
    %run_scoped3A_223 = arith.constant 1 : i32
    "tpu.region"() ({
      %run_scoped3A_513 = tpu.sem_alloc : memref<!tpu.dma_semaphore, #tpu.memory_space<semaphore_mem>>
      %dma_start3A_514 = arith.constant 0 : i32
      %dma_start3A_515 = arith.constant 0 : i32
      %dma_start3A_516 = tpu.memref_slice %arg7[%run_scoped3A_223, %dma_start3A_514, %dma_start3A_515] : memref<2x16x2048xf32, #tpu.memory_space<vmem>> -> memref<1x16x2048xf32, #tpu.memory_space<vmem>>
      %dma_start3A_517 = tpu.memref_squeeze %dma_start3A_516 : memref<1x16x2048xf32, #tpu.memory_space<vmem>> -> memref<16x2048xf32, #tpu.memory_space<vmem>>
      %dma_start3A_518 = arith.constant 0 : i32
      %dma_start3A_519 = tpu.memref_slice %arg5[%add3A_222, %dma_start3A_518] : memref<8192x2048xf32, #tpu.memory_space<hbm>> -> memref<16x2048xf32, #tpu.memory_space<hbm>>
      %dma_start3A_520 = arith.constant 0 : i32
      %dma_start3A_521 = tpu.memref_slice %arg5[%add3A_222, %dma_start3A_520] : memref<8192x2048xf32, #tpu.memory_space<hbm>> -> memref<16x2048xf32, #tpu.memory_space<hbm>>
      %dma_start3A_522 = arith.constant 0 : i32
      %dma_start3A_523 = arith.constant 0 : i32
      %dma_start3A_524 = tpu.memref_slice %arg7[%run_scoped3A_223, %dma_start3A_522, %dma_start3A_523] : memref<2x16x2048xf32, #tpu.memory_space<vmem>> -> memref<1x16x2048xf32, #tpu.memory_space<vmem>>
      %dma_start3A_525 = tpu.memref_squeeze %dma_start3A_524 : memref<1x16x2048xf32, #tpu.memory_space<vmem>> -> memref<16x2048xf32, #tpu.memory_space<vmem>>
      tpu.enqueue_dma source(%dma_start3A_525 : memref<16x2048xf32, #tpu.memory_space<vmem>>) target(%dma_start3A_521 : memref<16x2048xf32, #tpu.memory_space<hbm>>) target_semaphore(%run_scoped3A_513 : memref<!tpu.dma_semaphore, #tpu.memory_space<semaphore_mem>>)
      %dma_wait3A_526 = arith.constant 0 : i32
      %dma_wait3A_527 = arith.constant 0 : i32
      %dma_wait3A_528 = tpu.memref_slice %arg7[%run_scoped3A_223, %dma_wait3A_526, %dma_wait3A_527] : memref<2x16x2048xf32, #tpu.memory_space<vmem>> -> memref<1x16x2048xf32, #tpu.memory_space<vmem>>
      %dma_wait3A_529 = tpu.memref_squeeze %dma_wait3A_528 : memref<1x16x2048xf32, #tpu.memory_space<vmem>> -> memref<16x2048xf32, #tpu.memory_space<vmem>>
      %dma_wait3A_530 = arith.constant 0 : i32
      %dma_wait3A_531 = tpu.memref_slice %arg5[%add3A_222, %dma_wait3A_530] : memref<8192x2048xf32, #tpu.memory_space<hbm>> -> memref<16x2048xf32, #tpu.memory_space<hbm>>
      %dma_wait3A_532 = arith.constant 0 : i32
      %dma_wait3A_533 = tpu.memref_slice %arg5[%add3A_222, %dma_wait3A_532] : memref<8192x2048xf32, #tpu.memory_space<hbm>> -> memref<16x2048xf32, #tpu.memory_space<hbm>>
      %dma_wait3A_534 = arith.constant 0 : i32
      %dma_wait3A_535 = arith.constant 0 : i32
      %dma_wait3A_536 = tpu.memref_slice %arg7[%run_scoped3A_223, %dma_wait3A_534, %dma_wait3A_535] : memref<2x16x2048xf32, #tpu.memory_space<vmem>> -> memref<1x16x2048xf32, #tpu.memory_space<vmem>>
      %dma_wait3A_537 = tpu.memref_squeeze %dma_wait3A_536 : memref<1x16x2048xf32, #tpu.memory_space<vmem>> -> memref<16x2048xf32, #tpu.memory_space<vmem>>
      tpu.wait_dma2 semaphore(%run_scoped3A_513 : memref<!tpu.dma_semaphore, #tpu.memory_space<semaphore_mem>>) src(%dma_wait3A_537 : memref<16x2048xf32, #tpu.memory_space<vmem>>) dst(%dma_wait3A_533 : memref<16x2048xf32, #tpu.memory_space<hbm>>)
      tpu.yield
    }) : () -> ()
    %add3A_224 = arith.constant 112 : i32
    %add3A_225 = arith.addi %mul3A_32, %add3A_224 : i32
    %dma_start3A_226 = arith.constant 1 : i32
    %dma_start3A_227 = arith.constant 0 : i32
    %dma_start3A_228 = arith.constant 0 : i32
    %dma_start3A_229 = tpu.memref_slice %arg7[%dma_start3A_226, %dma_start3A_227, %dma_start3A_228] : memref<2x16x2048xf32, #tpu.memory_space<vmem>> -> memref<1x16x2048xf32, #tpu.memory_space<vmem>>
    %dma_start3A_230 = tpu.memref_squeeze %dma_start3A_229 : memref<1x16x2048xf32, #tpu.memory_space<vmem>> -> memref<16x2048xf32, #tpu.memory_space<vmem>>
    %dma_start3A_231 = tpu.memref_slice %arg6[%add3A_225] : memref<2048xi32, #tpu.memory_space<vmem>> -> memref<16xi32, #tpu.memory_space<vmem>>
    %dma_start3A_232 = arith.constant 0 : i32
    %dma_start3A_233 = arith.constant 0 : i32
    %dma_start3A_234 = tpu.memref_slice %arg4[%dma_start3A_232, %dma_start3A_233] : memref<32000x2048xf32, #tpu.memory_space<hbm>> -> memref<32000x2048xf32, #tpu.memory_space<hbm>>
    tpu.enqueue_indirect_dma source(%dma_start3A_234 : memref<32000x2048xf32, #tpu.memory_space<hbm>>) target(%dma_start3A_230 : memref<16x2048xf32, #tpu.memory_space<vmem>>) offsets(%dma_start3A_231 : memref<16xi32, #tpu.memory_space<vmem>>) semaphore(%arg9 : memref<!tpu.dma_semaphore, #tpu.memory_space<semaphore_mem>>)
    %dma_wait3A_235 = arith.constant 0 : i32
    %dma_wait3A_236 = arith.constant 0 : i32
    %dma_wait3A_237 = arith.constant 0 : i32
    %dma_wait3A_238 = tpu.memref_slice %arg7[%dma_wait3A_235, %dma_wait3A_236, %dma_wait3A_237] : memref<2x16x2048xf32, #tpu.memory_space<vmem>> -> memref<1x16x2048xf32, #tpu.memory_space<vmem>>
    %dma_wait3A_239 = tpu.memref_squeeze %dma_wait3A_238 : memref<1x16x2048xf32, #tpu.memory_space<vmem>> -> memref<16x2048xf32, #tpu.memory_space<vmem>>
    %dma_wait3A_240 = tpu.memref_slice %arg6[%add3A_200] : memref<2048xi32, #tpu.memory_space<vmem>> -> memref<16xi32, #tpu.memory_space<vmem>>
    %dma_wait3A_241 = arith.constant 0 : i32
    %dma_wait3A_242 = arith.constant 0 : i32
    %dma_wait3A_243 = tpu.memref_slice %arg4[%dma_wait3A_241, %dma_wait3A_242] : memref<32000x2048xf32, #tpu.memory_space<hbm>> -> memref<32000x2048xf32, #tpu.memory_space<hbm>>
    tpu.wait_indirect_dma semaphore(%arg8 : memref<!tpu.dma_semaphore, #tpu.memory_space<semaphore_mem>>) src(%dma_wait3A_243 : memref<32000x2048xf32, #tpu.memory_space<hbm>>) dst(%dma_wait3A_239 : memref<16x2048xf32, #tpu.memory_space<vmem>>)
    %mul3A_244 = arith.constant 256 : i32
    %mul3A_245 = arith.muli %add3A, %mul3A_244 : i32
    %add3A_246 = arith.constant 96 : i32
    %add3A_247 = arith.addi %mul3A_245, %add3A_246 : i32
    %run_scoped3A_248 = arith.constant 0 : i32
    "tpu.region"() ({
      %run_scoped3A_513 = tpu.sem_alloc : memref<!tpu.dma_semaphore, #tpu.memory_space<semaphore_mem>>
      %dma_start3A_514 = arith.constant 0 : i32
      %dma_start3A_515 = arith.constant 0 : i32
      %dma_start3A_516 = tpu.memref_slice %arg7[%run_scoped3A_248, %dma_start3A_514, %dma_start3A_515] : memref<2x16x2048xf32, #tpu.memory_space<vmem>> -> memref<1x16x2048xf32, #tpu.memory_space<vmem>>
      %dma_start3A_517 = tpu.memref_squeeze %dma_start3A_516 : memref<1x16x2048xf32, #tpu.memory_space<vmem>> -> memref<16x2048xf32, #tpu.memory_space<vmem>>
      %dma_start3A_518 = arith.constant 0 : i32
      %dma_start3A_519 = tpu.memref_slice %arg5[%add3A_247, %dma_start3A_518] : memref<8192x2048xf32, #tpu.memory_space<hbm>> -> memref<16x2048xf32, #tpu.memory_space<hbm>>
      %dma_start3A_520 = arith.constant 0 : i32
      %dma_start3A_521 = tpu.memref_slice %arg5[%add3A_247, %dma_start3A_520] : memref<8192x2048xf32, #tpu.memory_space<hbm>> -> memref<16x2048xf32, #tpu.memory_space<hbm>>
      %dma_start3A_522 = arith.constant 0 : i32
      %dma_start3A_523 = arith.constant 0 : i32
      %dma_start3A_524 = tpu.memref_slice %arg7[%run_scoped3A_248, %dma_start3A_522, %dma_start3A_523] : memref<2x16x2048xf32, #tpu.memory_space<vmem>> -> memref<1x16x2048xf32, #tpu.memory_space<vmem>>
      %dma_start3A_525 = tpu.memref_squeeze %dma_start3A_524 : memref<1x16x2048xf32, #tpu.memory_space<vmem>> -> memref<16x2048xf32, #tpu.memory_space<vmem>>
      tpu.enqueue_dma source(%dma_start3A_525 : memref<16x2048xf32, #tpu.memory_space<vmem>>) target(%dma_start3A_521 : memref<16x2048xf32, #tpu.memory_space<hbm>>) target_semaphore(%run_scoped3A_513 : memref<!tpu.dma_semaphore, #tpu.memory_space<semaphore_mem>>)
      %dma_wait3A_526 = arith.constant 0 : i32
      %dma_wait3A_527 = arith.constant 0 : i32
      %dma_wait3A_528 = tpu.memref_slice %arg7[%run_scoped3A_248, %dma_wait3A_526, %dma_wait3A_527] : memref<2x16x2048xf32, #tpu.memory_space<vmem>> -> memref<1x16x2048xf32, #tpu.memory_space<vmem>>
      %dma_wait3A_529 = tpu.memref_squeeze %dma_wait3A_528 : memref<1x16x2048xf32, #tpu.memory_space<vmem>> -> memref<16x2048xf32, #tpu.memory_space<vmem>>
      %dma_wait3A_530 = arith.constant 0 : i32
      %dma_wait3A_531 = tpu.memref_slice %arg5[%add3A_247, %dma_wait3A_530] : memref<8192x2048xf32, #tpu.memory_space<hbm>> -> memref<16x2048xf32, #tpu.memory_space<hbm>>
      %dma_wait3A_532 = arith.constant 0 : i32
      %dma_wait3A_533 = tpu.memref_slice %arg5[%add3A_247, %dma_wait3A_532] : memref<8192x2048xf32, #tpu.memory_space<hbm>> -> memref<16x2048xf32, #tpu.memory_space<hbm>>
      %dma_wait3A_534 = arith.constant 0 : i32
      %dma_wait3A_535 = arith.constant 0 : i32
      %dma_wait3A_536 = tpu.memref_slice %arg7[%run_scoped3A_248, %dma_wait3A_534, %dma_wait3A_535] : memref<2x16x2048xf32, #tpu.memory_space<vmem>> -> memref<1x16x2048xf32, #tpu.memory_space<vmem>>
      %dma_wait3A_537 = tpu.memref_squeeze %dma_wait3A_536 : memref<1x16x2048xf32, #tpu.memory_space<vmem>> -> memref<16x2048xf32, #tpu.memory_space<vmem>>
      tpu.wait_dma2 semaphore(%run_scoped3A_513 : memref<!tpu.dma_semaphore, #tpu.memory_space<semaphore_mem>>) src(%dma_wait3A_537 : memref<16x2048xf32, #tpu.memory_space<vmem>>) dst(%dma_wait3A_533 : memref<16x2048xf32, #tpu.memory_space<hbm>>)
      tpu.yield
    }) : () -> ()
    %add3A_249 = arith.constant 128 : i32
    %add3A_250 = arith.addi %mul3A_32, %add3A_249 : i32
    %dma_start3A_251 = arith.constant 0 : i32
    %dma_start3A_252 = arith.constant 0 : i32
    %dma_start3A_253 = arith.constant 0 : i32
    %dma_start3A_254 = tpu.memref_slice %arg7[%dma_start3A_251, %dma_start3A_252, %dma_start3A_253] : memref<2x16x2048xf32, #tpu.memory_space<vmem>> -> memref<1x16x2048xf32, #tpu.memory_space<vmem>>
    %dma_start3A_255 = tpu.memref_squeeze %dma_start3A_254 : memref<1x16x2048xf32, #tpu.memory_space<vmem>> -> memref<16x2048xf32, #tpu.memory_space<vmem>>
    %dma_start3A_256 = tpu.memref_slice %arg6[%add3A_250] : memref<2048xi32, #tpu.memory_space<vmem>> -> memref<16xi32, #tpu.memory_space<vmem>>
    %dma_start3A_257 = arith.constant 0 : i32
    %dma_start3A_258 = arith.constant 0 : i32
    %dma_start3A_259 = tpu.memref_slice %arg4[%dma_start3A_257, %dma_start3A_258] : memref<32000x2048xf32, #tpu.memory_space<hbm>> -> memref<32000x2048xf32, #tpu.memory_space<hbm>>
    tpu.enqueue_indirect_dma source(%dma_start3A_259 : memref<32000x2048xf32, #tpu.memory_space<hbm>>) target(%dma_start3A_255 : memref<16x2048xf32, #tpu.memory_space<vmem>>) offsets(%dma_start3A_256 : memref<16xi32, #tpu.memory_space<vmem>>) semaphore(%arg8 : memref<!tpu.dma_semaphore, #tpu.memory_space<semaphore_mem>>)
    %dma_wait3A_260 = arith.constant 1 : i32
    %dma_wait3A_261 = arith.constant 0 : i32
    %dma_wait3A_262 = arith.constant 0 : i32
    %dma_wait3A_263 = tpu.memref_slice %arg7[%dma_wait3A_260, %dma_wait3A_261, %dma_wait3A_262] : memref<2x16x2048xf32, #tpu.memory_space<vmem>> -> memref<1x16x2048xf32, #tpu.memory_space<vmem>>
    %dma_wait3A_264 = tpu.memref_squeeze %dma_wait3A_263 : memref<1x16x2048xf32, #tpu.memory_space<vmem>> -> memref<16x2048xf32, #tpu.memory_space<vmem>>
    %dma_wait3A_265 = tpu.memref_slice %arg6[%add3A_225] : memref<2048xi32, #tpu.memory_space<vmem>> -> memref<16xi32, #tpu.memory_space<vmem>>
    %dma_wait3A_266 = arith.constant 0 : i32
    %dma_wait3A_267 = arith.constant 0 : i32
    %dma_wait3A_268 = tpu.memref_slice %arg4[%dma_wait3A_266, %dma_wait3A_267] : memref<32000x2048xf32, #tpu.memory_space<hbm>> -> memref<32000x2048xf32, #tpu.memory_space<hbm>>
    tpu.wait_indirect_dma semaphore(%arg9 : memref<!tpu.dma_semaphore, #tpu.memory_space<semaphore_mem>>) src(%dma_wait3A_268 : memref<32000x2048xf32, #tpu.memory_space<hbm>>) dst(%dma_wait3A_264 : memref<16x2048xf32, #tpu.memory_space<vmem>>)
    %mul3A_269 = arith.constant 256 : i32
    %mul3A_270 = arith.muli %add3A, %mul3A_269 : i32
    %add3A_271 = arith.constant 112 : i32
    %add3A_272 = arith.addi %mul3A_270, %add3A_271 : i32
    %run_scoped3A_273 = arith.constant 1 : i32
    "tpu.region"() ({
      %run_scoped3A_513 = tpu.sem_alloc : memref<!tpu.dma_semaphore, #tpu.memory_space<semaphore_mem>>
      %dma_start3A_514 = arith.constant 0 : i32
      %dma_start3A_515 = arith.constant 0 : i32
      %dma_start3A_516 = tpu.memref_slice %arg7[%run_scoped3A_273, %dma_start3A_514, %dma_start3A_515] : memref<2x16x2048xf32, #tpu.memory_space<vmem>> -> memref<1x16x2048xf32, #tpu.memory_space<vmem>>
      %dma_start3A_517 = tpu.memref_squeeze %dma_start3A_516 : memref<1x16x2048xf32, #tpu.memory_space<vmem>> -> memref<16x2048xf32, #tpu.memory_space<vmem>>
      %dma_start3A_518 = arith.constant 0 : i32
      %dma_start3A_519 = tpu.memref_slice %arg5[%add3A_272, %dma_start3A_518] : memref<8192x2048xf32, #tpu.memory_space<hbm>> -> memref<16x2048xf32, #tpu.memory_space<hbm>>
      %dma_start3A_520 = arith.constant 0 : i32
      %dma_start3A_521 = tpu.memref_slice %arg5[%add3A_272, %dma_start3A_520] : memref<8192x2048xf32, #tpu.memory_space<hbm>> -> memref<16x2048xf32, #tpu.memory_space<hbm>>
      %dma_start3A_522 = arith.constant 0 : i32
      %dma_start3A_523 = arith.constant 0 : i32
      %dma_start3A_524 = tpu.memref_slice %arg7[%run_scoped3A_273, %dma_start3A_522, %dma_start3A_523] : memref<2x16x2048xf32, #tpu.memory_space<vmem>> -> memref<1x16x2048xf32, #tpu.memory_space<vmem>>
      %dma_start3A_525 = tpu.memref_squeeze %dma_start3A_524 : memref<1x16x2048xf32, #tpu.memory_space<vmem>> -> memref<16x2048xf32, #tpu.memory_space<vmem>>
      tpu.enqueue_dma source(%dma_start3A_525 : memref<16x2048xf32, #tpu.memory_space<vmem>>) target(%dma_start3A_521 : memref<16x2048xf32, #tpu.memory_space<hbm>>) target_semaphore(%run_scoped3A_513 : memref<!tpu.dma_semaphore, #tpu.memory_space<semaphore_mem>>)
      %dma_wait3A_526 = arith.constant 0 : i32
      %dma_wait3A_527 = arith.constant 0 : i32
      %dma_wait3A_528 = tpu.memref_slice %arg7[%run_scoped3A_273, %dma_wait3A_526, %dma_wait3A_527] : memref<2x16x2048xf32, #tpu.memory_space<vmem>> -> memref<1x16x2048xf32, #tpu.memory_space<vmem>>
      %dma_wait3A_529 = tpu.memref_squeeze %dma_wait3A_528 : memref<1x16x2048xf32, #tpu.memory_space<vmem>> -> memref<16x2048xf32, #tpu.memory_space<vmem>>
      %dma_wait3A_530 = arith.constant 0 : i32
      %dma_wait3A_531 = tpu.memref_slice %arg5[%add3A_272, %dma_wait3A_530] : memref<8192x2048xf32, #tpu.memory_space<hbm>> -> memref<16x2048xf32, #tpu.memory_space<hbm>>
      %dma_wait3A_532 = arith.constant 0 : i32
      %dma_wait3A_533 = tpu.memref_slice %arg5[%add3A_272, %dma_wait3A_532] : memref<8192x2048xf32, #tpu.memory_space<hbm>> -> memref<16x2048xf32, #tpu.memory_space<hbm>>
      %dma_wait3A_534 = arith.constant 0 : i32
      %dma_wait3A_535 = arith.constant 0 : i32
      %dma_wait3A_536 = tpu.memref_slice %arg7[%run_scoped3A_273, %dma_wait3A_534, %dma_wait3A_535] : memref<2x16x2048xf32, #tpu.memory_space<vmem>> -> memref<1x16x2048xf32, #tpu.memory_space<vmem>>
      %dma_wait3A_537 = tpu.memref_squeeze %dma_wait3A_536 : memref<1x16x2048xf32, #tpu.memory_space<vmem>> -> memref<16x2048xf32, #tpu.memory_space<vmem>>
      tpu.wait_dma2 semaphore(%run_scoped3A_513 : memref<!tpu.dma_semaphore, #tpu.memory_space<semaphore_mem>>) src(%dma_wait3A_537 : memref<16x2048xf32, #tpu.memory_space<vmem>>) dst(%dma_wait3A_533 : memref<16x2048xf32, #tpu.memory_space<hbm>>)
      tpu.yield
    }) : () -> ()
    %add3A_274 = arith.constant 144 : i32
    %add3A_275 = arith.addi %mul3A_32, %add3A_274 : i32
    %dma_start3A_276 = arith.constant 1 : i32
    %dma_start3A_277 = arith.constant 0 : i32
    %dma_start3A_278 = arith.constant 0 : i32
    %dma_start3A_279 = tpu.memref_slice %arg7[%dma_start3A_276, %dma_start3A_277, %dma_start3A_278] : memref<2x16x2048xf32, #tpu.memory_space<vmem>> -> memref<1x16x2048xf32, #tpu.memory_space<vmem>>
    %dma_start3A_280 = tpu.memref_squeeze %dma_start3A_279 : memref<1x16x2048xf32, #tpu.memory_space<vmem>> -> memref<16x2048xf32, #tpu.memory_space<vmem>>
    %dma_start3A_281 = tpu.memref_slice %arg6[%add3A_275] : memref<2048xi32, #tpu.memory_space<vmem>> -> memref<16xi32, #tpu.memory_space<vmem>>
    %dma_start3A_282 = arith.constant 0 : i32
    %dma_start3A_283 = arith.constant 0 : i32
    %dma_start3A_284 = tpu.memref_slice %arg4[%dma_start3A_282, %dma_start3A_283] : memref<32000x2048xf32, #tpu.memory_space<hbm>> -> memref<32000x2048xf32, #tpu.memory_space<hbm>>
    tpu.enqueue_indirect_dma source(%dma_start3A_284 : memref<32000x2048xf32, #tpu.memory_space<hbm>>) target(%dma_start3A_280 : memref<16x2048xf32, #tpu.memory_space<vmem>>) offsets(%dma_start3A_281 : memref<16xi32, #tpu.memory_space<vmem>>) semaphore(%arg9 : memref<!tpu.dma_semaphore, #tpu.memory_space<semaphore_mem>>)
    %dma_wait3A_285 = arith.constant 0 : i32
    %dma_wait3A_286 = arith.constant 0 : i32
    %dma_wait3A_287 = arith.constant 0 : i32
    %dma_wait3A_288 = tpu.memref_slice %arg7[%dma_wait3A_285, %dma_wait3A_286, %dma_wait3A_287] : memref<2x16x2048xf32, #tpu.memory_space<vmem>> -> memref<1x16x2048xf32, #tpu.memory_space<vmem>>
    %dma_wait3A_289 = tpu.memref_squeeze %dma_wait3A_288 : memref<1x16x2048xf32, #tpu.memory_space<vmem>> -> memref<16x2048xf32, #tpu.memory_space<vmem>>
    %dma_wait3A_290 = tpu.memref_slice %arg6[%add3A_250] : memref<2048xi32, #tpu.memory_space<vmem>> -> memref<16xi32, #tpu.memory_space<vmem>>
    %dma_wait3A_291 = arith.constant 0 : i32
    %dma_wait3A_292 = arith.constant 0 : i32
    %dma_wait3A_293 = tpu.memref_slice %arg4[%dma_wait3A_291, %dma_wait3A_292] : memref<32000x2048xf32, #tpu.memory_space<hbm>> -> memref<32000x2048xf32, #tpu.memory_space<hbm>>
    tpu.wait_indirect_dma semaphore(%arg8 : memref<!tpu.dma_semaphore, #tpu.memory_space<semaphore_mem>>) src(%dma_wait3A_293 : memref<32000x2048xf32, #tpu.memory_space<hbm>>) dst(%dma_wait3A_289 : memref<16x2048xf32, #tpu.memory_space<vmem>>)
    %mul3A_294 = arith.constant 256 : i32
    %mul3A_295 = arith.muli %add3A, %mul3A_294 : i32
    %add3A_296 = arith.constant 128 : i32
    %add3A_297 = arith.addi %mul3A_295, %add3A_296 : i32
    %run_scoped3A_298 = arith.constant 0 : i32
    "tpu.region"() ({
      %run_scoped3A_513 = tpu.sem_alloc : memref<!tpu.dma_semaphore, #tpu.memory_space<semaphore_mem>>
      %dma_start3A_514 = arith.constant 0 : i32
      %dma_start3A_515 = arith.constant 0 : i32
      %dma_start3A_516 = tpu.memref_slice %arg7[%run_scoped3A_298, %dma_start3A_514, %dma_start3A_515] : memref<2x16x2048xf32, #tpu.memory_space<vmem>> -> memref<1x16x2048xf32, #tpu.memory_space<vmem>>
      %dma_start3A_517 = tpu.memref_squeeze %dma_start3A_516 : memref<1x16x2048xf32, #tpu.memory_space<vmem>> -> memref<16x2048xf32, #tpu.memory_space<vmem>>
      %dma_start3A_518 = arith.constant 0 : i32
      %dma_start3A_519 = tpu.memref_slice %arg5[%add3A_297, %dma_start3A_518] : memref<8192x2048xf32, #tpu.memory_space<hbm>> -> memref<16x2048xf32, #tpu.memory_space<hbm>>
      %dma_start3A_520 = arith.constant 0 : i32
      %dma_start3A_521 = tpu.memref_slice %arg5[%add3A_297, %dma_start3A_520] : memref<8192x2048xf32, #tpu.memory_space<hbm>> -> memref<16x2048xf32, #tpu.memory_space<hbm>>
      %dma_start3A_522 = arith.constant 0 : i32
      %dma_start3A_523 = arith.constant 0 : i32
      %dma_start3A_524 = tpu.memref_slice %arg7[%run_scoped3A_298, %dma_start3A_522, %dma_start3A_523] : memref<2x16x2048xf32, #tpu.memory_space<vmem>> -> memref<1x16x2048xf32, #tpu.memory_space<vmem>>
      %dma_start3A_525 = tpu.memref_squeeze %dma_start3A_524 : memref<1x16x2048xf32, #tpu.memory_space<vmem>> -> memref<16x2048xf32, #tpu.memory_space<vmem>>
      tpu.enqueue_dma source(%dma_start3A_525 : memref<16x2048xf32, #tpu.memory_space<vmem>>) target(%dma_start3A_521 : memref<16x2048xf32, #tpu.memory_space<hbm>>) target_semaphore(%run_scoped3A_513 : memref<!tpu.dma_semaphore, #tpu.memory_space<semaphore_mem>>)
      %dma_wait3A_526 = arith.constant 0 : i32
      %dma_wait3A_527 = arith.constant 0 : i32
      %dma_wait3A_528 = tpu.memref_slice %arg7[%run_scoped3A_298, %dma_wait3A_526, %dma_wait3A_527] : memref<2x16x2048xf32, #tpu.memory_space<vmem>> -> memref<1x16x2048xf32, #tpu.memory_space<vmem>>
      %dma_wait3A_529 = tpu.memref_squeeze %dma_wait3A_528 : memref<1x16x2048xf32, #tpu.memory_space<vmem>> -> memref<16x2048xf32, #tpu.memory_space<vmem>>
      %dma_wait3A_530 = arith.constant 0 : i32
      %dma_wait3A_531 = tpu.memref_slice %arg5[%add3A_297, %dma_wait3A_530] : memref<8192x2048xf32, #tpu.memory_space<hbm>> -> memref<16x2048xf32, #tpu.memory_space<hbm>>
      %dma_wait3A_532 = arith.constant 0 : i32
      %dma_wait3A_533 = tpu.memref_slice %arg5[%add3A_297, %dma_wait3A_532] : memref<8192x2048xf32, #tpu.memory_space<hbm>> -> memref<16x2048xf32, #tpu.memory_space<hbm>>
      %dma_wait3A_534 = arith.constant 0 : i32
      %dma_wait3A_535 = arith.constant 0 : i32
      %dma_wait3A_536 = tpu.memref_slice %arg7[%run_scoped3A_298, %dma_wait3A_534, %dma_wait3A_535] : memref<2x16x2048xf32, #tpu.memory_space<vmem>> -> memref<1x16x2048xf32, #tpu.memory_space<vmem>>
      %dma_wait3A_537 = tpu.memref_squeeze %dma_wait3A_536 : memref<1x16x2048xf32, #tpu.memory_space<vmem>> -> memref<16x2048xf32, #tpu.memory_space<vmem>>
      tpu.wait_dma2 semaphore(%run_scoped3A_513 : memref<!tpu.dma_semaphore, #tpu.memory_space<semaphore_mem>>) src(%dma_wait3A_537 : memref<16x2048xf32, #tpu.memory_space<vmem>>) dst(%dma_wait3A_533 : memref<16x2048xf32, #tpu.memory_space<hbm>>)
      tpu.yield
    }) : () -> ()
    %add3A_299 = arith.constant 160 : i32
    %add3A_300 = arith.addi %mul3A_32, %add3A_299 : i32
    %dma_start3A_301 = arith.constant 0 : i32
    %dma_start3A_302 = arith.constant 0 : i32
    %dma_start3A_303 = arith.constant 0 : i32
    %dma_start3A_304 = tpu.memref_slice %arg7[%dma_start3A_301, %dma_start3A_302, %dma_start3A_303] : memref<2x16x2048xf32, #tpu.memory_space<vmem>> -> memref<1x16x2048xf32, #tpu.memory_space<vmem>>
    %dma_start3A_305 = tpu.memref_squeeze %dma_start3A_304 : memref<1x16x2048xf32, #tpu.memory_space<vmem>> -> memref<16x2048xf32, #tpu.memory_space<vmem>>
    %dma_start3A_306 = tpu.memref_slice %arg6[%add3A_300] : memref<2048xi32, #tpu.memory_space<vmem>> -> memref<16xi32, #tpu.memory_space<vmem>>
    %dma_start3A_307 = arith.constant 0 : i32
    %dma_start3A_308 = arith.constant 0 : i32
    %dma_start3A_309 = tpu.memref_slice %arg4[%dma_start3A_307, %dma_start3A_308] : memref<32000x2048xf32, #tpu.memory_space<hbm>> -> memref<32000x2048xf32, #tpu.memory_space<hbm>>
    tpu.enqueue_indirect_dma source(%dma_start3A_309 : memref<32000x2048xf32, #tpu.memory_space<hbm>>) target(%dma_start3A_305 : memref<16x2048xf32, #tpu.memory_space<vmem>>) offsets(%dma_start3A_306 : memref<16xi32, #tpu.memory_space<vmem>>) semaphore(%arg8 : memref<!tpu.dma_semaphore, #tpu.memory_space<semaphore_mem>>)
    %dma_wait3A_310 = arith.constant 1 : i32
    %dma_wait3A_311 = arith.constant 0 : i32
    %dma_wait3A_312 = arith.constant 0 : i32
    %dma_wait3A_313 = tpu.memref_slice %arg7[%dma_wait3A_310, %dma_wait3A_311, %dma_wait3A_312] : memref<2x16x2048xf32, #tpu.memory_space<vmem>> -> memref<1x16x2048xf32, #tpu.memory_space<vmem>>
    %dma_wait3A_314 = tpu.memref_squeeze %dma_wait3A_313 : memref<1x16x2048xf32, #tpu.memory_space<vmem>> -> memref<16x2048xf32, #tpu.memory_space<vmem>>
    %dma_wait3A_315 = tpu.memref_slice %arg6[%add3A_275] : memref<2048xi32, #tpu.memory_space<vmem>> -> memref<16xi32, #tpu.memory_space<vmem>>
    %dma_wait3A_316 = arith.constant 0 : i32
    %dma_wait3A_317 = arith.constant 0 : i32
    %dma_wait3A_318 = tpu.memref_slice %arg4[%dma_wait3A_316, %dma_wait3A_317] : memref<32000x2048xf32, #tpu.memory_space<hbm>> -> memref<32000x2048xf32, #tpu.memory_space<hbm>>
    tpu.wait_indirect_dma semaphore(%arg9 : memref<!tpu.dma_semaphore, #tpu.memory_space<semaphore_mem>>) src(%dma_wait3A_318 : memref<32000x2048xf32, #tpu.memory_space<hbm>>) dst(%dma_wait3A_314 : memref<16x2048xf32, #tpu.memory_space<vmem>>)
    %mul3A_319 = arith.constant 256 : i32
    %mul3A_320 = arith.muli %add3A, %mul3A_319 : i32
    %add3A_321 = arith.constant 144 : i32
    %add3A_322 = arith.addi %mul3A_320, %add3A_321 : i32
    %run_scoped3A_323 = arith.constant 1 : i32
    "tpu.region"() ({
      %run_scoped3A_513 = tpu.sem_alloc : memref<!tpu.dma_semaphore, #tpu.memory_space<semaphore_mem>>
      %dma_start3A_514 = arith.constant 0 : i32
      %dma_start3A_515 = arith.constant 0 : i32
      %dma_start3A_516 = tpu.memref_slice %arg7[%run_scoped3A_323, %dma_start3A_514, %dma_start3A_515] : memref<2x16x2048xf32, #tpu.memory_space<vmem>> -> memref<1x16x2048xf32, #tpu.memory_space<vmem>>
      %dma_start3A_517 = tpu.memref_squeeze %dma_start3A_516 : memref<1x16x2048xf32, #tpu.memory_space<vmem>> -> memref<16x2048xf32, #tpu.memory_space<vmem>>
      %dma_start3A_518 = arith.constant 0 : i32
      %dma_start3A_519 = tpu.memref_slice %arg5[%add3A_322, %dma_start3A_518] : memref<8192x2048xf32, #tpu.memory_space<hbm>> -> memref<16x2048xf32, #tpu.memory_space<hbm>>
      %dma_start3A_520 = arith.constant 0 : i32
      %dma_start3A_521 = tpu.memref_slice %arg5[%add3A_322, %dma_start3A_520] : memref<8192x2048xf32, #tpu.memory_space<hbm>> -> memref<16x2048xf32, #tpu.memory_space<hbm>>
      %dma_start3A_522 = arith.constant 0 : i32
      %dma_start3A_523 = arith.constant 0 : i32
      %dma_start3A_524 = tpu.memref_slice %arg7[%run_scoped3A_323, %dma_start3A_522, %dma_start3A_523] : memref<2x16x2048xf32, #tpu.memory_space<vmem>> -> memref<1x16x2048xf32, #tpu.memory_space<vmem>>
      %dma_start3A_525 = tpu.memref_squeeze %dma_start3A_524 : memref<1x16x2048xf32, #tpu.memory_space<vmem>> -> memref<16x2048xf32, #tpu.memory_space<vmem>>
      tpu.enqueue_dma source(%dma_start3A_525 : memref<16x2048xf32, #tpu.memory_space<vmem>>) target(%dma_start3A_521 : memref<16x2048xf32, #tpu.memory_space<hbm>>) target_semaphore(%run_scoped3A_513 : memref<!tpu.dma_semaphore, #tpu.memory_space<semaphore_mem>>)
      %dma_wait3A_526 = arith.constant 0 : i32
      %dma_wait3A_527 = arith.constant 0 : i32
      %dma_wait3A_528 = tpu.memref_slice %arg7[%run_scoped3A_323, %dma_wait3A_526, %dma_wait3A_527] : memref<2x16x2048xf32, #tpu.memory_space<vmem>> -> memref<1x16x2048xf32, #tpu.memory_space<vmem>>
      %dma_wait3A_529 = tpu.memref_squeeze %dma_wait3A_528 : memref<1x16x2048xf32, #tpu.memory_space<vmem>> -> memref<16x2048xf32, #tpu.memory_space<vmem>>
      %dma_wait3A_530 = arith.constant 0 : i32
      %dma_wait3A_531 = tpu.memref_slice %arg5[%add3A_322, %dma_wait3A_530] : memref<8192x2048xf32, #tpu.memory_space<hbm>> -> memref<16x2048xf32, #tpu.memory_space<hbm>>
      %dma_wait3A_532 = arith.constant 0 : i32
      %dma_wait3A_533 = tpu.memref_slice %arg5[%add3A_322, %dma_wait3A_532] : memref<8192x2048xf32, #tpu.memory_space<hbm>> -> memref<16x2048xf32, #tpu.memory_space<hbm>>
      %dma_wait3A_534 = arith.constant 0 : i32
      %dma_wait3A_535 = arith.constant 0 : i32
      %dma_wait3A_536 = tpu.memref_slice %arg7[%run_scoped3A_323, %dma_wait3A_534, %dma_wait3A_535] : memref<2x16x2048xf32, #tpu.memory_space<vmem>> -> memref<1x16x2048xf32, #tpu.memory_space<vmem>>
      %dma_wait3A_537 = tpu.memref_squeeze %dma_wait3A_536 : memref<1x16x2048xf32, #tpu.memory_space<vmem>> -> memref<16x2048xf32, #tpu.memory_space<vmem>>
      tpu.wait_dma2 semaphore(%run_scoped3A_513 : memref<!tpu.dma_semaphore, #tpu.memory_space<semaphore_mem>>) src(%dma_wait3A_537 : memref<16x2048xf32, #tpu.memory_space<vmem>>) dst(%dma_wait3A_533 : memref<16x2048xf32, #tpu.memory_space<hbm>>)
      tpu.yield
    }) : () -> ()
    %add3A_324 = arith.constant 176 : i32
    %add3A_325 = arith.addi %mul3A_32, %add3A_324 : i32
    %dma_start3A_326 = arith.constant 1 : i32
    %dma_start3A_327 = arith.constant 0 : i32
    %dma_start3A_328 = arith.constant 0 : i32
    %dma_start3A_329 = tpu.memref_slice %arg7[%dma_start3A_326, %dma_start3A_327, %dma_start3A_328] : memref<2x16x2048xf32, #tpu.memory_space<vmem>> -> memref<1x16x2048xf32, #tpu.memory_space<vmem>>
    %dma_start3A_330 = tpu.memref_squeeze %dma_start3A_329 : memref<1x16x2048xf32, #tpu.memory_space<vmem>> -> memref<16x2048xf32, #tpu.memory_space<vmem>>
    %dma_start3A_331 = tpu.memref_slice %arg6[%add3A_325] : memref<2048xi32, #tpu.memory_space<vmem>> -> memref<16xi32, #tpu.memory_space<vmem>>
    %dma_start3A_332 = arith.constant 0 : i32
    %dma_start3A_333 = arith.constant 0 : i32
    %dma_start3A_334 = tpu.memref_slice %arg4[%dma_start3A_332, %dma_start3A_333] : memref<32000x2048xf32, #tpu.memory_space<hbm>> -> memref<32000x2048xf32, #tpu.memory_space<hbm>>
    tpu.enqueue_indirect_dma source(%dma_start3A_334 : memref<32000x2048xf32, #tpu.memory_space<hbm>>) target(%dma_start3A_330 : memref<16x2048xf32, #tpu.memory_space<vmem>>) offsets(%dma_start3A_331 : memref<16xi32, #tpu.memory_space<vmem>>) semaphore(%arg9 : memref<!tpu.dma_semaphore, #tpu.memory_space<semaphore_mem>>)
    %dma_wait3A_335 = arith.constant 0 : i32
    %dma_wait3A_336 = arith.constant 0 : i32
    %dma_wait3A_337 = arith.constant 0 : i32
    %dma_wait3A_338 = tpu.memref_slice %arg7[%dma_wait3A_335, %dma_wait3A_336, %dma_wait3A_337] : memref<2x16x2048xf32, #tpu.memory_space<vmem>> -> memref<1x16x2048xf32, #tpu.memory_space<vmem>>
    %dma_wait3A_339 = tpu.memref_squeeze %dma_wait3A_338 : memref<1x16x2048xf32, #tpu.memory_space<vmem>> -> memref<16x2048xf32, #tpu.memory_space<vmem>>
    %dma_wait3A_340 = tpu.memref_slice %arg6[%add3A_300] : memref<2048xi32, #tpu.memory_space<vmem>> -> memref<16xi32, #tpu.memory_space<vmem>>
    %dma_wait3A_341 = arith.constant 0 : i32
    %dma_wait3A_342 = arith.constant 0 : i32
    %dma_wait3A_343 = tpu.memref_slice %arg4[%dma_wait3A_341, %dma_wait3A_342] : memref<32000x2048xf32, #tpu.memory_space<hbm>> -> memref<32000x2048xf32, #tpu.memory_space<hbm>>
    tpu.wait_indirect_dma semaphore(%arg8 : memref<!tpu.dma_semaphore, #tpu.memory_space<semaphore_mem>>) src(%dma_wait3A_343 : memref<32000x2048xf32, #tpu.memory_space<hbm>>) dst(%dma_wait3A_339 : memref<16x2048xf32, #tpu.memory_space<vmem>>)
    %mul3A_344 = arith.constant 256 : i32
    %mul3A_345 = arith.muli %add3A, %mul3A_344 : i32
    %add3A_346 = arith.constant 160 : i32
    %add3A_347 = arith.addi %mul3A_345, %add3A_346 : i32
    %run_scoped3A_348 = arith.constant 0 : i32
    "tpu.region"() ({
      %run_scoped3A_513 = tpu.sem_alloc : memref<!tpu.dma_semaphore, #tpu.memory_space<semaphore_mem>>
      %dma_start3A_514 = arith.constant 0 : i32
      %dma_start3A_515 = arith.constant 0 : i32
      %dma_start3A_516 = tpu.memref_slice %arg7[%run_scoped3A_348, %dma_start3A_514, %dma_start3A_515] : memref<2x16x2048xf32, #tpu.memory_space<vmem>> -> memref<1x16x2048xf32, #tpu.memory_space<vmem>>
      %dma_start3A_517 = tpu.memref_squeeze %dma_start3A_516 : memref<1x16x2048xf32, #tpu.memory_space<vmem>> -> memref<16x2048xf32, #tpu.memory_space<vmem>>
      %dma_start3A_518 = arith.constant 0 : i32
      %dma_start3A_519 = tpu.memref_slice %arg5[%add3A_347, %dma_start3A_518] : memref<8192x2048xf32, #tpu.memory_space<hbm>> -> memref<16x2048xf32, #tpu.memory_space<hbm>>
      %dma_start3A_520 = arith.constant 0 : i32
      %dma_start3A_521 = tpu.memref_slice %arg5[%add3A_347, %dma_start3A_520] : memref<8192x2048xf32, #tpu.memory_space<hbm>> -> memref<16x2048xf32, #tpu.memory_space<hbm>>
      %dma_start3A_522 = arith.constant 0 : i32
      %dma_start3A_523 = arith.constant 0 : i32
      %dma_start3A_524 = tpu.memref_slice %arg7[%run_scoped3A_348, %dma_start3A_522, %dma_start3A_523] : memref<2x16x2048xf32, #tpu.memory_space<vmem>> -> memref<1x16x2048xf32, #tpu.memory_space<vmem>>
      %dma_start3A_525 = tpu.memref_squeeze %dma_start3A_524 : memref<1x16x2048xf32, #tpu.memory_space<vmem>> -> memref<16x2048xf32, #tpu.memory_space<vmem>>
      tpu.enqueue_dma source(%dma_start3A_525 : memref<16x2048xf32, #tpu.memory_space<vmem>>) target(%dma_start3A_521 : memref<16x2048xf32, #tpu.memory_space<hbm>>) target_semaphore(%run_scoped3A_513 : memref<!tpu.dma_semaphore, #tpu.memory_space<semaphore_mem>>)
      %dma_wait3A_526 = arith.constant 0 : i32
      %dma_wait3A_527 = arith.constant 0 : i32
      %dma_wait3A_528 = tpu.memref_slice %arg7[%run_scoped3A_348, %dma_wait3A_526, %dma_wait3A_527] : memref<2x16x2048xf32, #tpu.memory_space<vmem>> -> memref<1x16x2048xf32, #tpu.memory_space<vmem>>
      %dma_wait3A_529 = tpu.memref_squeeze %dma_wait3A_528 : memref<1x16x2048xf32, #tpu.memory_space<vmem>> -> memref<16x2048xf32, #tpu.memory_space<vmem>>
      %dma_wait3A_530 = arith.constant 0 : i32
      %dma_wait3A_531 = tpu.memref_slice %arg5[%add3A_347, %dma_wait3A_530] : memref<8192x2048xf32, #tpu.memory_space<hbm>> -> memref<16x2048xf32, #tpu.memory_space<hbm>>
      %dma_wait3A_532 = arith.constant 0 : i32
      %dma_wait3A_533 = tpu.memref_slice %arg5[%add3A_347, %dma_wait3A_532] : memref<8192x2048xf32, #tpu.memory_space<hbm>> -> memref<16x2048xf32, #tpu.memory_space<hbm>>
      %dma_wait3A_534 = arith.constant 0 : i32
      %dma_wait3A_535 = arith.constant 0 : i32
      %dma_wait3A_536 = tpu.memref_slice %arg7[%run_scoped3A_348, %dma_wait3A_534, %dma_wait3A_535] : memref<2x16x2048xf32, #tpu.memory_space<vmem>> -> memref<1x16x2048xf32, #tpu.memory_space<vmem>>
      %dma_wait3A_537 = tpu.memref_squeeze %dma_wait3A_536 : memref<1x16x2048xf32, #tpu.memory_space<vmem>> -> memref<16x2048xf32, #tpu.memory_space<vmem>>
      tpu.wait_dma2 semaphore(%run_scoped3A_513 : memref<!tpu.dma_semaphore, #tpu.memory_space<semaphore_mem>>) src(%dma_wait3A_537 : memref<16x2048xf32, #tpu.memory_space<vmem>>) dst(%dma_wait3A_533 : memref<16x2048xf32, #tpu.memory_space<hbm>>)
      tpu.yield
    }) : () -> ()
    %add3A_349 = arith.constant 192 : i32
    %add3A_350 = arith.addi %mul3A_32, %add3A_349 : i32
    %dma_start3A_351 = arith.constant 0 : i32
    %dma_start3A_352 = arith.constant 0 : i32
    %dma_start3A_353 = arith.constant 0 : i32
    %dma_start3A_354 = tpu.memref_slice %arg7[%dma_start3A_351, %dma_start3A_352, %dma_start3A_353] : memref<2x16x2048xf32, #tpu.memory_space<vmem>> -> memref<1x16x2048xf32, #tpu.memory_space<vmem>>
    %dma_start3A_355 = tpu.memref_squeeze %dma_start3A_354 : memref<1x16x2048xf32, #tpu.memory_space<vmem>> -> memref<16x2048xf32, #tpu.memory_space<vmem>>
    %dma_start3A_356 = tpu.memref_slice %arg6[%add3A_350] : memref<2048xi32, #tpu.memory_space<vmem>> -> memref<16xi32, #tpu.memory_space<vmem>>
    %dma_start3A_357 = arith.constant 0 : i32
    %dma_start3A_358 = arith.constant 0 : i32
    %dma_start3A_359 = tpu.memref_slice %arg4[%dma_start3A_357, %dma_start3A_358] : memref<32000x2048xf32, #tpu.memory_space<hbm>> -> memref<32000x2048xf32, #tpu.memory_space<hbm>>
    tpu.enqueue_indirect_dma source(%dma_start3A_359 : memref<32000x2048xf32, #tpu.memory_space<hbm>>) target(%dma_start3A_355 : memref<16x2048xf32, #tpu.memory_space<vmem>>) offsets(%dma_start3A_356 : memref<16xi32, #tpu.memory_space<vmem>>) semaphore(%arg8 : memref<!tpu.dma_semaphore, #tpu.memory_space<semaphore_mem>>)
    %dma_wait3A_360 = arith.constant 1 : i32
    %dma_wait3A_361 = arith.constant 0 : i32
    %dma_wait3A_362 = arith.constant 0 : i32
    %dma_wait3A_363 = tpu.memref_slice %arg7[%dma_wait3A_360, %dma_wait3A_361, %dma_wait3A_362] : memref<2x16x2048xf32, #tpu.memory_space<vmem>> -> memref<1x16x2048xf32, #tpu.memory_space<vmem>>
    %dma_wait3A_364 = tpu.memref_squeeze %dma_wait3A_363 : memref<1x16x2048xf32, #tpu.memory_space<vmem>> -> memref<16x2048xf32, #tpu.memory_space<vmem>>
    %dma_wait3A_365 = tpu.memref_slice %arg6[%add3A_325] : memref<2048xi32, #tpu.memory_space<vmem>> -> memref<16xi32, #tpu.memory_space<vmem>>
    %dma_wait3A_366 = arith.constant 0 : i32
    %dma_wait3A_367 = arith.constant 0 : i32
    %dma_wait3A_368 = tpu.memref_slice %arg4[%dma_wait3A_366, %dma_wait3A_367] : memref<32000x2048xf32, #tpu.memory_space<hbm>> -> memref<32000x2048xf32, #tpu.memory_space<hbm>>
    tpu.wait_indirect_dma semaphore(%arg9 : memref<!tpu.dma_semaphore, #tpu.memory_space<semaphore_mem>>) src(%dma_wait3A_368 : memref<32000x2048xf32, #tpu.memory_space<hbm>>) dst(%dma_wait3A_364 : memref<16x2048xf32, #tpu.memory_space<vmem>>)
    %mul3A_369 = arith.constant 256 : i32
    %mul3A_370 = arith.muli %add3A, %mul3A_369 : i32
    %add3A_371 = arith.constant 176 : i32
    %add3A_372 = arith.addi %mul3A_370, %add3A_371 : i32
    %run_scoped3A_373 = arith.constant 1 : i32
    "tpu.region"() ({
      %run_scoped3A_513 = tpu.sem_alloc : memref<!tpu.dma_semaphore, #tpu.memory_space<semaphore_mem>>
      %dma_start3A_514 = arith.constant 0 : i32
      %dma_start3A_515 = arith.constant 0 : i32
      %dma_start3A_516 = tpu.memref_slice %arg7[%run_scoped3A_373, %dma_start3A_514, %dma_start3A_515] : memref<2x16x2048xf32, #tpu.memory_space<vmem>> -> memref<1x16x2048xf32, #tpu.memory_space<vmem>>
      %dma_start3A_517 = tpu.memref_squeeze %dma_start3A_516 : memref<1x16x2048xf32, #tpu.memory_space<vmem>> -> memref<16x2048xf32, #tpu.memory_space<vmem>>
      %dma_start3A_518 = arith.constant 0 : i32
      %dma_start3A_519 = tpu.memref_slice %arg5[%add3A_372, %dma_start3A_518] : memref<8192x2048xf32, #tpu.memory_space<hbm>> -> memref<16x2048xf32, #tpu.memory_space<hbm>>
      %dma_start3A_520 = arith.constant 0 : i32
      %dma_start3A_521 = tpu.memref_slice %arg5[%add3A_372, %dma_start3A_520] : memref<8192x2048xf32, #tpu.memory_space<hbm>> -> memref<16x2048xf32, #tpu.memory_space<hbm>>
      %dma_start3A_522 = arith.constant 0 : i32
      %dma_start3A_523 = arith.constant 0 : i32
      %dma_start3A_524 = tpu.memref_slice %arg7[%run_scoped3A_373, %dma_start3A_522, %dma_start3A_523] : memref<2x16x2048xf32, #tpu.memory_space<vmem>> -> memref<1x16x2048xf32, #tpu.memory_space<vmem>>
      %dma_start3A_525 = tpu.memref_squeeze %dma_start3A_524 : memref<1x16x2048xf32, #tpu.memory_space<vmem>> -> memref<16x2048xf32, #tpu.memory_space<vmem>>
      tpu.enqueue_dma source(%dma_start3A_525 : memref<16x2048xf32, #tpu.memory_space<vmem>>) target(%dma_start3A_521 : memref<16x2048xf32, #tpu.memory_space<hbm>>) target_semaphore(%run_scoped3A_513 : memref<!tpu.dma_semaphore, #tpu.memory_space<semaphore_mem>>)
      %dma_wait3A_526 = arith.constant 0 : i32
      %dma_wait3A_527 = arith.constant 0 : i32
      %dma_wait3A_528 = tpu.memref_slice %arg7[%run_scoped3A_373, %dma_wait3A_526, %dma_wait3A_527] : memref<2x16x2048xf32, #tpu.memory_space<vmem>> -> memref<1x16x2048xf32, #tpu.memory_space<vmem>>
      %dma_wait3A_529 = tpu.memref_squeeze %dma_wait3A_528 : memref<1x16x2048xf32, #tpu.memory_space<vmem>> -> memref<16x2048xf32, #tpu.memory_space<vmem>>
      %dma_wait3A_530 = arith.constant 0 : i32
      %dma_wait3A_531 = tpu.memref_slice %arg5[%add3A_372, %dma_wait3A_530] : memref<8192x2048xf32, #tpu.memory_space<hbm>> -> memref<16x2048xf32, #tpu.memory_space<hbm>>
      %dma_wait3A_532 = arith.constant 0 : i32
      %dma_wait3A_533 = tpu.memref_slice %arg5[%add3A_372, %dma_wait3A_532] : memref<8192x2048xf32, #tpu.memory_space<hbm>> -> memref<16x2048xf32, #tpu.memory_space<hbm>>
      %dma_wait3A_534 = arith.constant 0 : i32
      %dma_wait3A_535 = arith.constant 0 : i32
      %dma_wait3A_536 = tpu.memref_slice %arg7[%run_scoped3A_373, %dma_wait3A_534, %dma_wait3A_535] : memref<2x16x2048xf32, #tpu.memory_space<vmem>> -> memref<1x16x2048xf32, #tpu.memory_space<vmem>>
      %dma_wait3A_537 = tpu.memref_squeeze %dma_wait3A_536 : memref<1x16x2048xf32, #tpu.memory_space<vmem>> -> memref<16x2048xf32, #tpu.memory_space<vmem>>
      tpu.wait_dma2 semaphore(%run_scoped3A_513 : memref<!tpu.dma_semaphore, #tpu.memory_space<semaphore_mem>>) src(%dma_wait3A_537 : memref<16x2048xf32, #tpu.memory_space<vmem>>) dst(%dma_wait3A_533 : memref<16x2048xf32, #tpu.memory_space<hbm>>)
      tpu.yield
    }) : () -> ()
    %add3A_374 = arith.constant 208 : i32
    %add3A_375 = arith.addi %mul3A_32, %add3A_374 : i32
    %dma_start3A_376 = arith.constant 1 : i32
    %dma_start3A_377 = arith.constant 0 : i32
    %dma_start3A_378 = arith.constant 0 : i32
    %dma_start3A_379 = tpu.memref_slice %arg7[%dma_start3A_376, %dma_start3A_377, %dma_start3A_378] : memref<2x16x2048xf32, #tpu.memory_space<vmem>> -> memref<1x16x2048xf32, #tpu.memory_space<vmem>>
    %dma_start3A_380 = tpu.memref_squeeze %dma_start3A_379 : memref<1x16x2048xf32, #tpu.memory_space<vmem>> -> memref<16x2048xf32, #tpu.memory_space<vmem>>
    %dma_start3A_381 = tpu.memref_slice %arg6[%add3A_375] : memref<2048xi32, #tpu.memory_space<vmem>> -> memref<16xi32, #tpu.memory_space<vmem>>
    %dma_start3A_382 = arith.constant 0 : i32
    %dma_start3A_383 = arith.constant 0 : i32
    %dma_start3A_384 = tpu.memref_slice %arg4[%dma_start3A_382, %dma_start3A_383] : memref<32000x2048xf32, #tpu.memory_space<hbm>> -> memref<32000x2048xf32, #tpu.memory_space<hbm>>
    tpu.enqueue_indirect_dma source(%dma_start3A_384 : memref<32000x2048xf32, #tpu.memory_space<hbm>>) target(%dma_start3A_380 : memref<16x2048xf32, #tpu.memory_space<vmem>>) offsets(%dma_start3A_381 : memref<16xi32, #tpu.memory_space<vmem>>) semaphore(%arg9 : memref<!tpu.dma_semaphore, #tpu.memory_space<semaphore_mem>>)
    %dma_wait3A_385 = arith.constant 0 : i32
    %dma_wait3A_386 = arith.constant 0 : i32
    %dma_wait3A_387 = arith.constant 0 : i32
    %dma_wait3A_388 = tpu.memref_slice %arg7[%dma_wait3A_385, %dma_wait3A_386, %dma_wait3A_387] : memref<2x16x2048xf32, #tpu.memory_space<vmem>> -> memref<1x16x2048xf32, #tpu.memory_space<vmem>>
    %dma_wait3A_389 = tpu.memref_squeeze %dma_wait3A_388 : memref<1x16x2048xf32, #tpu.memory_space<vmem>> -> memref<16x2048xf32, #tpu.memory_space<vmem>>
    %dma_wait3A_390 = tpu.memref_slice %arg6[%add3A_350] : memref<2048xi32, #tpu.memory_space<vmem>> -> memref<16xi32, #tpu.memory_space<vmem>>
    %dma_wait3A_391 = arith.constant 0 : i32
    %dma_wait3A_392 = arith.constant 0 : i32
    %dma_wait3A_393 = tpu.memref_slice %arg4[%dma_wait3A_391, %dma_wait3A_392] : memref<32000x2048xf32, #tpu.memory_space<hbm>> -> memref<32000x2048xf32, #tpu.memory_space<hbm>>
    tpu.wait_indirect_dma semaphore(%arg8 : memref<!tpu.dma_semaphore, #tpu.memory_space<semaphore_mem>>) src(%dma_wait3A_393 : memref<32000x2048xf32, #tpu.memory_space<hbm>>) dst(%dma_wait3A_389 : memref<16x2048xf32, #tpu.memory_space<vmem>>)
    %mul3A_394 = arith.constant 256 : i32
    %mul3A_395 = arith.muli %add3A, %mul3A_394 : i32
    %add3A_396 = arith.constant 192 : i32
    %add3A_397 = arith.addi %mul3A_395, %add3A_396 : i32
    %run_scoped3A_398 = arith.constant 0 : i32
    "tpu.region"() ({
      %run_scoped3A_513 = tpu.sem_alloc : memref<!tpu.dma_semaphore, #tpu.memory_space<semaphore_mem>>
      %dma_start3A_514 = arith.constant 0 : i32
      %dma_start3A_515 = arith.constant 0 : i32
      %dma_start3A_516 = tpu.memref_slice %arg7[%run_scoped3A_398, %dma_start3A_514, %dma_start3A_515] : memref<2x16x2048xf32, #tpu.memory_space<vmem>> -> memref<1x16x2048xf32, #tpu.memory_space<vmem>>
      %dma_start3A_517 = tpu.memref_squeeze %dma_start3A_516 : memref<1x16x2048xf32, #tpu.memory_space<vmem>> -> memref<16x2048xf32, #tpu.memory_space<vmem>>
      %dma_start3A_518 = arith.constant 0 : i32
      %dma_start3A_519 = tpu.memref_slice %arg5[%add3A_397, %dma_start3A_518] : memref<8192x2048xf32, #tpu.memory_space<hbm>> -> memref<16x2048xf32, #tpu.memory_space<hbm>>
      %dma_start3A_520 = arith.constant 0 : i32
      %dma_start3A_521 = tpu.memref_slice %arg5[%add3A_397, %dma_start3A_520] : memref<8192x2048xf32, #tpu.memory_space<hbm>> -> memref<16x2048xf32, #tpu.memory_space<hbm>>
      %dma_start3A_522 = arith.constant 0 : i32
      %dma_start3A_523 = arith.constant 0 : i32
      %dma_start3A_524 = tpu.memref_slice %arg7[%run_scoped3A_398, %dma_start3A_522, %dma_start3A_523] : memref<2x16x2048xf32, #tpu.memory_space<vmem>> -> memref<1x16x2048xf32, #tpu.memory_space<vmem>>
      %dma_start3A_525 = tpu.memref_squeeze %dma_start3A_524 : memref<1x16x2048xf32, #tpu.memory_space<vmem>> -> memref<16x2048xf32, #tpu.memory_space<vmem>>
      tpu.enqueue_dma source(%dma_start3A_525 : memref<16x2048xf32, #tpu.memory_space<vmem>>) target(%dma_start3A_521 : memref<16x2048xf32, #tpu.memory_space<hbm>>) target_semaphore(%run_scoped3A_513 : memref<!tpu.dma_semaphore, #tpu.memory_space<semaphore_mem>>)
      %dma_wait3A_526 = arith.constant 0 : i32
      %dma_wait3A_527 = arith.constant 0 : i32
      %dma_wait3A_528 = tpu.memref_slice %arg7[%run_scoped3A_398, %dma_wait3A_526, %dma_wait3A_527] : memref<2x16x2048xf32, #tpu.memory_space<vmem>> -> memref<1x16x2048xf32, #tpu.memory_space<vmem>>
      %dma_wait3A_529 = tpu.memref_squeeze %dma_wait3A_528 : memref<1x16x2048xf32, #tpu.memory_space<vmem>> -> memref<16x2048xf32, #tpu.memory_space<vmem>>
      %dma_wait3A_530 = arith.constant 0 : i32
      %dma_wait3A_531 = tpu.memref_slice %arg5[%add3A_397, %dma_wait3A_530] : memref<8192x2048xf32, #tpu.memory_space<hbm>> -> memref<16x2048xf32, #tpu.memory_space<hbm>>
      %dma_wait3A_532 = arith.constant 0 : i32
      %dma_wait3A_533 = tpu.memref_slice %arg5[%add3A_397, %dma_wait3A_532] : memref<8192x2048xf32, #tpu.memory_space<hbm>> -> memref<16x2048xf32, #tpu.memory_space<hbm>>
      %dma_wait3A_534 = arith.constant 0 : i32
      %dma_wait3A_535 = arith.constant 0 : i32
      %dma_wait3A_536 = tpu.memref_slice %arg7[%run_scoped3A_398, %dma_wait3A_534, %dma_wait3A_535] : memref<2x16x2048xf32, #tpu.memory_space<vmem>> -> memref<1x16x2048xf32, #tpu.memory_space<vmem>>
      %dma_wait3A_537 = tpu.memref_squeeze %dma_wait3A_536 : memref<1x16x2048xf32, #tpu.memory_space<vmem>> -> memref<16x2048xf32, #tpu.memory_space<vmem>>
      tpu.wait_dma2 semaphore(%run_scoped3A_513 : memref<!tpu.dma_semaphore, #tpu.memory_space<semaphore_mem>>) src(%dma_wait3A_537 : memref<16x2048xf32, #tpu.memory_space<vmem>>) dst(%dma_wait3A_533 : memref<16x2048xf32, #tpu.memory_space<hbm>>)
      tpu.yield
    }) : () -> ()
    %add3A_399 = arith.constant 224 : i32
    %add3A_400 = arith.addi %mul3A_32, %add3A_399 : i32
    %dma_start3A_401 = arith.constant 0 : i32
    %dma_start3A_402 = arith.constant 0 : i32
    %dma_start3A_403 = arith.constant 0 : i32
    %dma_start3A_404 = tpu.memref_slice %arg7[%dma_start3A_401, %dma_start3A_402, %dma_start3A_403] : memref<2x16x2048xf32, #tpu.memory_space<vmem>> -> memref<1x16x2048xf32, #tpu.memory_space<vmem>>
    %dma_start3A_405 = tpu.memref_squeeze %dma_start3A_404 : memref<1x16x2048xf32, #tpu.memory_space<vmem>> -> memref<16x2048xf32, #tpu.memory_space<vmem>>
    %dma_start3A_406 = tpu.memref_slice %arg6[%add3A_400] : memref<2048xi32, #tpu.memory_space<vmem>> -> memref<16xi32, #tpu.memory_space<vmem>>
    %dma_start3A_407 = arith.constant 0 : i32
    %dma_start3A_408 = arith.constant 0 : i32
    %dma_start3A_409 = tpu.memref_slice %arg4[%dma_start3A_407, %dma_start3A_408] : memref<32000x2048xf32, #tpu.memory_space<hbm>> -> memref<32000x2048xf32, #tpu.memory_space<hbm>>
    tpu.enqueue_indirect_dma source(%dma_start3A_409 : memref<32000x2048xf32, #tpu.memory_space<hbm>>) target(%dma_start3A_405 : memref<16x2048xf32, #tpu.memory_space<vmem>>) offsets(%dma_start3A_406 : memref<16xi32, #tpu.memory_space<vmem>>) semaphore(%arg8 : memref<!tpu.dma_semaphore, #tpu.memory_space<semaphore_mem>>)
    %dma_wait3A_410 = arith.constant 1 : i32
    %dma_wait3A_411 = arith.constant 0 : i32
    %dma_wait3A_412 = arith.constant 0 : i32
    %dma_wait3A_413 = tpu.memref_slice %arg7[%dma_wait3A_410, %dma_wait3A_411, %dma_wait3A_412] : memref<2x16x2048xf32, #tpu.memory_space<vmem>> -> memref<1x16x2048xf32, #tpu.memory_space<vmem>>
    %dma_wait3A_414 = tpu.memref_squeeze %dma_wait3A_413 : memref<1x16x2048xf32, #tpu.memory_space<vmem>> -> memref<16x2048xf32, #tpu.memory_space<vmem>>
    %dma_wait3A_415 = tpu.memref_slice %arg6[%add3A_375] : memref<2048xi32, #tpu.memory_space<vmem>> -> memref<16xi32, #tpu.memory_space<vmem>>
    %dma_wait3A_416 = arith.constant 0 : i32
    %dma_wait3A_417 = arith.constant 0 : i32
    %dma_wait3A_418 = tpu.memref_slice %arg4[%dma_wait3A_416, %dma_wait3A_417] : memref<32000x2048xf32, #tpu.memory_space<hbm>> -> memref<32000x2048xf32, #tpu.memory_space<hbm>>
    tpu.wait_indirect_dma semaphore(%arg9 : memref<!tpu.dma_semaphore, #tpu.memory_space<semaphore_mem>>) src(%dma_wait3A_418 : memref<32000x2048xf32, #tpu.memory_space<hbm>>) dst(%dma_wait3A_414 : memref<16x2048xf32, #tpu.memory_space<vmem>>)
    %mul3A_419 = arith.constant 256 : i32
    %mul3A_420 = arith.muli %add3A, %mul3A_419 : i32
    %add3A_421 = arith.constant 208 : i32
    %add3A_422 = arith.addi %mul3A_420, %add3A_421 : i32
    %run_scoped3A_423 = arith.constant 1 : i32
    "tpu.region"() ({
      %run_scoped3A_513 = tpu.sem_alloc : memref<!tpu.dma_semaphore, #tpu.memory_space<semaphore_mem>>
      %dma_start3A_514 = arith.constant 0 : i32
      %dma_start3A_515 = arith.constant 0 : i32
      %dma_start3A_516 = tpu.memref_slice %arg7[%run_scoped3A_423, %dma_start3A_514, %dma_start3A_515] : memref<2x16x2048xf32, #tpu.memory_space<vmem>> -> memref<1x16x2048xf32, #tpu.memory_space<vmem>>
      %dma_start3A_517 = tpu.memref_squeeze %dma_start3A_516 : memref<1x16x2048xf32, #tpu.memory_space<vmem>> -> memref<16x2048xf32, #tpu.memory_space<vmem>>
      %dma_start3A_518 = arith.constant 0 : i32
      %dma_start3A_519 = tpu.memref_slice %arg5[%add3A_422, %dma_start3A_518] : memref<8192x2048xf32, #tpu.memory_space<hbm>> -> memref<16x2048xf32, #tpu.memory_space<hbm>>
      %dma_start3A_520 = arith.constant 0 : i32
      %dma_start3A_521 = tpu.memref_slice %arg5[%add3A_422, %dma_start3A_520] : memref<8192x2048xf32, #tpu.memory_space<hbm>> -> memref<16x2048xf32, #tpu.memory_space<hbm>>
      %dma_start3A_522 = arith.constant 0 : i32
      %dma_start3A_523 = arith.constant 0 : i32
      %dma_start3A_524 = tpu.memref_slice %arg7[%run_scoped3A_423, %dma_start3A_522, %dma_start3A_523] : memref<2x16x2048xf32, #tpu.memory_space<vmem>> -> memref<1x16x2048xf32, #tpu.memory_space<vmem>>
      %dma_start3A_525 = tpu.memref_squeeze %dma_start3A_524 : memref<1x16x2048xf32, #tpu.memory_space<vmem>> -> memref<16x2048xf32, #tpu.memory_space<vmem>>
      tpu.enqueue_dma source(%dma_start3A_525 : memref<16x2048xf32, #tpu.memory_space<vmem>>) target(%dma_start3A_521 : memref<16x2048xf32, #tpu.memory_space<hbm>>) target_semaphore(%run_scoped3A_513 : memref<!tpu.dma_semaphore, #tpu.memory_space<semaphore_mem>>)
      %dma_wait3A_526 = arith.constant 0 : i32
      %dma_wait3A_527 = arith.constant 0 : i32
      %dma_wait3A_528 = tpu.memref_slice %arg7[%run_scoped3A_423, %dma_wait3A_526, %dma_wait3A_527] : memref<2x16x2048xf32, #tpu.memory_space<vmem>> -> memref<1x16x2048xf32, #tpu.memory_space<vmem>>
      %dma_wait3A_529 = tpu.memref_squeeze %dma_wait3A_528 : memref<1x16x2048xf32, #tpu.memory_space<vmem>> -> memref<16x2048xf32, #tpu.memory_space<vmem>>
      %dma_wait3A_530 = arith.constant 0 : i32
      %dma_wait3A_531 = tpu.memref_slice %arg5[%add3A_422, %dma_wait3A_530] : memref<8192x2048xf32, #tpu.memory_space<hbm>> -> memref<16x2048xf32, #tpu.memory_space<hbm>>
      %dma_wait3A_532 = arith.constant 0 : i32
      %dma_wait3A_533 = tpu.memref_slice %arg5[%add3A_422, %dma_wait3A_532] : memref<8192x2048xf32, #tpu.memory_space<hbm>> -> memref<16x2048xf32, #tpu.memory_space<hbm>>
      %dma_wait3A_534 = arith.constant 0 : i32
      %dma_wait3A_535 = arith.constant 0 : i32
      %dma_wait3A_536 = tpu.memref_slice %arg7[%run_scoped3A_423, %dma_wait3A_534, %dma_wait3A_535] : memref<2x16x2048xf32, #tpu.memory_space<vmem>> -> memref<1x16x2048xf32, #tpu.memory_space<vmem>>
      %dma_wait3A_537 = tpu.memref_squeeze %dma_wait3A_536 : memref<1x16x2048xf32, #tpu.memory_space<vmem>> -> memref<16x2048xf32, #tpu.memory_space<vmem>>
      tpu.wait_dma2 semaphore(%run_scoped3A_513 : memref<!tpu.dma_semaphore, #tpu.memory_space<semaphore_mem>>) src(%dma_wait3A_537 : memref<16x2048xf32, #tpu.memory_space<vmem>>) dst(%dma_wait3A_533 : memref<16x2048xf32, #tpu.memory_space<hbm>>)
      tpu.yield
    }) : () -> ()
    %add3A_424 = arith.constant 240 : i32
    %add3A_425 = arith.addi %mul3A_32, %add3A_424 : i32
    %dma_start3A_426 = arith.constant 1 : i32
    %dma_start3A_427 = arith.constant 0 : i32
    %dma_start3A_428 = arith.constant 0 : i32
    %dma_start3A_429 = tpu.memref_slice %arg7[%dma_start3A_426, %dma_start3A_427, %dma_start3A_428] : memref<2x16x2048xf32, #tpu.memory_space<vmem>> -> memref<1x16x2048xf32, #tpu.memory_space<vmem>>
    %dma_start3A_430 = tpu.memref_squeeze %dma_start3A_429 : memref<1x16x2048xf32, #tpu.memory_space<vmem>> -> memref<16x2048xf32, #tpu.memory_space<vmem>>
    %dma_start3A_431 = tpu.memref_slice %arg6[%add3A_425] : memref<2048xi32, #tpu.memory_space<vmem>> -> memref<16xi32, #tpu.memory_space<vmem>>
    %dma_start3A_432 = arith.constant 0 : i32
    %dma_start3A_433 = arith.constant 0 : i32
    %dma_start3A_434 = tpu.memref_slice %arg4[%dma_start3A_432, %dma_start3A_433] : memref<32000x2048xf32, #tpu.memory_space<hbm>> -> memref<32000x2048xf32, #tpu.memory_space<hbm>>
    tpu.enqueue_indirect_dma source(%dma_start3A_434 : memref<32000x2048xf32, #tpu.memory_space<hbm>>) target(%dma_start3A_430 : memref<16x2048xf32, #tpu.memory_space<vmem>>) offsets(%dma_start3A_431 : memref<16xi32, #tpu.memory_space<vmem>>) semaphore(%arg9 : memref<!tpu.dma_semaphore, #tpu.memory_space<semaphore_mem>>)
    %dma_wait3A_435 = arith.constant 0 : i32
    %dma_wait3A_436 = arith.constant 0 : i32
    %dma_wait3A_437 = arith.constant 0 : i32
    %dma_wait3A_438 = tpu.memref_slice %arg7[%dma_wait3A_435, %dma_wait3A_436, %dma_wait3A_437] : memref<2x16x2048xf32, #tpu.memory_space<vmem>> -> memref<1x16x2048xf32, #tpu.memory_space<vmem>>
    %dma_wait3A_439 = tpu.memref_squeeze %dma_wait3A_438 : memref<1x16x2048xf32, #tpu.memory_space<vmem>> -> memref<16x2048xf32, #tpu.memory_space<vmem>>
    %dma_wait3A_440 = tpu.memref_slice %arg6[%add3A_400] : memref<2048xi32, #tpu.memory_space<vmem>> -> memref<16xi32, #tpu.memory_space<vmem>>
    %dma_wait3A_441 = arith.constant 0 : i32
    %dma_wait3A_442 = arith.constant 0 : i32
    %dma_wait3A_443 = tpu.memref_slice %arg4[%dma_wait3A_441, %dma_wait3A_442] : memref<32000x2048xf32, #tpu.memory_space<hbm>> -> memref<32000x2048xf32, #tpu.memory_space<hbm>>
    tpu.wait_indirect_dma semaphore(%arg8 : memref<!tpu.dma_semaphore, #tpu.memory_space<semaphore_mem>>) src(%dma_wait3A_443 : memref<32000x2048xf32, #tpu.memory_space<hbm>>) dst(%dma_wait3A_439 : memref<16x2048xf32, #tpu.memory_space<vmem>>)
    %mul3A_444 = arith.constant 256 : i32
    %mul3A_445 = arith.muli %add3A, %mul3A_444 : i32
    %add3A_446 = arith.constant 224 : i32
    %add3A_447 = arith.addi %mul3A_445, %add3A_446 : i32
    %run_scoped3A_448 = arith.constant 0 : i32
    "tpu.region"() ({
      %run_scoped3A_513 = tpu.sem_alloc : memref<!tpu.dma_semaphore, #tpu.memory_space<semaphore_mem>>
      %dma_start3A_514 = arith.constant 0 : i32
      %dma_start3A_515 = arith.constant 0 : i32
      %dma_start3A_516 = tpu.memref_slice %arg7[%run_scoped3A_448, %dma_start3A_514, %dma_start3A_515] : memref<2x16x2048xf32, #tpu.memory_space<vmem>> -> memref<1x16x2048xf32, #tpu.memory_space<vmem>>
      %dma_start3A_517 = tpu.memref_squeeze %dma_start3A_516 : memref<1x16x2048xf32, #tpu.memory_space<vmem>> -> memref<16x2048xf32, #tpu.memory_space<vmem>>
      %dma_start3A_518 = arith.constant 0 : i32
      %dma_start3A_519 = tpu.memref_slice %arg5[%add3A_447, %dma_start3A_518] : memref<8192x2048xf32, #tpu.memory_space<hbm>> -> memref<16x2048xf32, #tpu.memory_space<hbm>>
      %dma_start3A_520 = arith.constant 0 : i32
      %dma_start3A_521 = tpu.memref_slice %arg5[%add3A_447, %dma_start3A_520] : memref<8192x2048xf32, #tpu.memory_space<hbm>> -> memref<16x2048xf32, #tpu.memory_space<hbm>>
      %dma_start3A_522 = arith.constant 0 : i32
      %dma_start3A_523 = arith.constant 0 : i32
      %dma_start3A_524 = tpu.memref_slice %arg7[%run_scoped3A_448, %dma_start3A_522, %dma_start3A_523] : memref<2x16x2048xf32, #tpu.memory_space<vmem>> -> memref<1x16x2048xf32, #tpu.memory_space<vmem>>
      %dma_start3A_525 = tpu.memref_squeeze %dma_start3A_524 : memref<1x16x2048xf32, #tpu.memory_space<vmem>> -> memref<16x2048xf32, #tpu.memory_space<vmem>>
      tpu.enqueue_dma source(%dma_start3A_525 : memref<16x2048xf32, #tpu.memory_space<vmem>>) target(%dma_start3A_521 : memref<16x2048xf32, #tpu.memory_space<hbm>>) target_semaphore(%run_scoped3A_513 : memref<!tpu.dma_semaphore, #tpu.memory_space<semaphore_mem>>)
      %dma_wait3A_526 = arith.constant 0 : i32
      %dma_wait3A_527 = arith.constant 0 : i32
      %dma_wait3A_528 = tpu.memref_slice %arg7[%run_scoped3A_448, %dma_wait3A_526, %dma_wait3A_527] : memref<2x16x2048xf32, #tpu.memory_space<vmem>> -> memref<1x16x2048xf32, #tpu.memory_space<vmem>>
      %dma_wait3A_529 = tpu.memref_squeeze %dma_wait3A_528 : memref<1x16x2048xf32, #tpu.memory_space<vmem>> -> memref<16x2048xf32, #tpu.memory_space<vmem>>
      %dma_wait3A_530 = arith.constant 0 : i32
      %dma_wait3A_531 = tpu.memref_slice %arg5[%add3A_447, %dma_wait3A_530] : memref<8192x2048xf32, #tpu.memory_space<hbm>> -> memref<16x2048xf32, #tpu.memory_space<hbm>>
      %dma_wait3A_532 = arith.constant 0 : i32
      %dma_wait3A_533 = tpu.memref_slice %arg5[%add3A_447, %dma_wait3A_532] : memref<8192x2048xf32, #tpu.memory_space<hbm>> -> memref<16x2048xf32, #tpu.memory_space<hbm>>
      %dma_wait3A_534 = arith.constant 0 : i32
      %dma_wait3A_535 = arith.constant 0 : i32
      %dma_wait3A_536 = tpu.memref_slice %arg7[%run_scoped3A_448, %dma_wait3A_534, %dma_wait3A_535] : memref<2x16x2048xf32, #tpu.memory_space<vmem>> -> memref<1x16x2048xf32, #tpu.memory_space<vmem>>
      %dma_wait3A_537 = tpu.memref_squeeze %dma_wait3A_536 : memref<1x16x2048xf32, #tpu.memory_space<vmem>> -> memref<16x2048xf32, #tpu.memory_space<vmem>>
      tpu.wait_dma2 semaphore(%run_scoped3A_513 : memref<!tpu.dma_semaphore, #tpu.memory_space<semaphore_mem>>) src(%dma_wait3A_537 : memref<16x2048xf32, #tpu.memory_space<vmem>>) dst(%dma_wait3A_533 : memref<16x2048xf32, #tpu.memory_space<hbm>>)
      tpu.yield
    }) : () -> ()
    %dma_wait3A_449 = arith.constant 1 : i32
    %dma_wait3A_450 = arith.constant 0 : i32
    %dma_wait3A_451 = arith.constant 0 : i32
    %dma_wait3A_452 = tpu.memref_slice %arg7[%dma_wait3A_449, %dma_wait3A_450, %dma_wait3A_451] : memref<2x16x2048xf32, #tpu.memory_space<vmem>> -> memref<1x16x2048xf32, #tpu.memory_space<vmem>>
    %dma_wait3A_453 = tpu.memref_squeeze %dma_wait3A_452 : memref<1x16x2048xf32, #tpu.memory_space<vmem>> -> memref<16x2048xf32, #tpu.memory_space<vmem>>
    %dma_wait3A_454 = tpu.memref_slice %arg6[%add3A_425] : memref<2048xi32, #tpu.memory_space<vmem>> -> memref<16xi32, #tpu.memory_space<vmem>>
    %dma_wait3A_455 = arith.constant 0 : i32
    %dma_wait3A_456 = arith.constant 0 : i32
    %dma_wait3A_457 = tpu.memref_slice %arg4[%dma_wait3A_455, %dma_wait3A_456] : memref<32000x2048xf32, #tpu.memory_space<hbm>> -> memref<32000x2048xf32, #tpu.memory_space<hbm>>
    tpu.wait_indirect_dma semaphore(%arg9 : memref<!tpu.dma_semaphore, #tpu.memory_space<semaphore_mem>>) src(%dma_wait3A_457 : memref<32000x2048xf32, #tpu.memory_space<hbm>>) dst(%dma_wait3A_453 : memref<16x2048xf32, #tpu.memory_space<vmem>>)
    %mul3A_458 = arith.constant 256 : i32
    %mul3A_459 = arith.muli %add3A, %mul3A_458 : i32
    %add3A_460 = arith.constant 240 : i32
    %add3A_461 = arith.addi %mul3A_459, %add3A_460 : i32
    %run_scoped3A_462 = arith.constant 1 : i32
    "tpu.region"() ({
      %run_scoped3A_513 = tpu.sem_alloc : memref<!tpu.dma_semaphore, #tpu.memory_space<semaphore_mem>>
      %dma_start3A_514 = arith.constant 0 : i32
      %dma_start3A_515 = arith.constant 0 : i32
      %dma_start3A_516 = tpu.memref_slice %arg7[%run_scoped3A_462, %dma_start3A_514, %dma_start3A_515] : memref<2x16x2048xf32, #tpu.memory_space<vmem>> -> memref<1x16x2048xf32, #tpu.memory_space<vmem>>
      %dma_start3A_517 = tpu.memref_squeeze %dma_start3A_516 : memref<1x16x2048xf32, #tpu.memory_space<vmem>> -> memref<16x2048xf32, #tpu.memory_space<vmem>>
      %dma_start3A_518 = arith.constant 0 : i32
      %dma_start3A_519 = tpu.memref_slice %arg5[%add3A_461, %dma_start3A_518] : memref<8192x2048xf32, #tpu.memory_space<hbm>> -> memref<16x2048xf32, #tpu.memory_space<hbm>>
      %dma_start3A_520 = arith.constant 0 : i32
      %dma_start3A_521 = tpu.memref_slice %arg5[%add3A_461, %dma_start3A_520] : memref<8192x2048xf32, #tpu.memory_space<hbm>> -> memref<16x2048xf32, #tpu.memory_space<hbm>>
      %dma_start3A_522 = arith.constant 0 : i32
      %dma_start3A_523 = arith.constant 0 : i32
      %dma_start3A_524 = tpu.memref_slice %arg7[%run_scoped3A_462, %dma_start3A_522, %dma_start3A_523] : memref<2x16x2048xf32, #tpu.memory_space<vmem>> -> memref<1x16x2048xf32, #tpu.memory_space<vmem>>
      %dma_start3A_525 = tpu.memref_squeeze %dma_start3A_524 : memref<1x16x2048xf32, #tpu.memory_space<vmem>> -> memref<16x2048xf32, #tpu.memory_space<vmem>>
      tpu.enqueue_dma source(%dma_start3A_525 : memref<16x2048xf32, #tpu.memory_space<vmem>>) target(%dma_start3A_521 : memref<16x2048xf32, #tpu.memory_space<hbm>>) target_semaphore(%run_scoped3A_513 : memref<!tpu.dma_semaphore, #tpu.memory_space<semaphore_mem>>)
      %dma_wait3A_526 = arith.constant 0 : i32
      %dma_wait3A_527 = arith.constant 0 : i32
      %dma_wait3A_528 = tpu.memref_slice %arg7[%run_scoped3A_462, %dma_wait3A_526, %dma_wait3A_527] : memref<2x16x2048xf32, #tpu.memory_space<vmem>> -> memref<1x16x2048xf32, #tpu.memory_space<vmem>>
      %dma_wait3A_529 = tpu.memref_squeeze %dma_wait3A_528 : memref<1x16x2048xf32, #tpu.memory_space<vmem>> -> memref<16x2048xf32, #tpu.memory_space<vmem>>
      %dma_wait3A_530 = arith.constant 0 : i32
      %dma_wait3A_531 = tpu.memref_slice %arg5[%add3A_461, %dma_wait3A_530] : memref<8192x2048xf32, #tpu.memory_space<hbm>> -> memref<16x2048xf32, #tpu.memory_space<hbm>>
      %dma_wait3A_532 = arith.constant 0 : i32
      %dma_wait3A_533 = tpu.memref_slice %arg5[%add3A_461, %dma_wait3A_532] : memref<8192x2048xf32, #tpu.memory_space<hbm>> -> memref<16x2048xf32, #tpu.memory_space<hbm>>
      %dma_wait3A_534 = arith.constant 0 : i32
      %dma_wait3A_535 = arith.constant 0 : i32
      %dma_wait3A_536 = tpu.memref_slice %arg7[%run_scoped3A_462, %dma_wait3A_534, %dma_wait3A_535] : memref<2x16x2048xf32, #tpu.memory_space<vmem>> -> memref<1x16x2048xf32, #tpu.memory_space<vmem>>
      %dma_wait3A_537 = tpu.memref_squeeze %dma_wait3A_536 : memref<1x16x2048xf32, #tpu.memory_space<vmem>> -> memref<16x2048xf32, #tpu.memory_space<vmem>>
      tpu.wait_dma2 semaphore(%run_scoped3A_513 : memref<!tpu.dma_semaphore, #tpu.memory_space<semaphore_mem>>) src(%dma_wait3A_537 : memref<16x2048xf32, #tpu.memory_space<vmem>>) dst(%dma_wait3A_533 : memref<16x2048xf32, #tpu.memory_space<hbm>>)
      tpu.yield
    }) : () -> ()
    %barrier3A = arith.constant 0 : index
    tpu.barrier barrier_id(%barrier3A)
    %jit3A_463 = arith.constant 8 : i32
    %eq3A_464 = arith.constant 0 : i32
    %eq3A_465 = arith.cmpi eq, %jit3A_463, %eq3A_464 : i32
    %jit3A_466 = arith.constant 1 : i32
    %select_n3A_467 = arith.select %eq3A_465, %jit3A_466, %jit3A_463 : i32
    %rem3A_468 = arith.remsi %add3A, %select_n3A_467 : i32
    %ne3A_469 = arith.constant 0 : i32
    %ne3A_470 = arith.cmpi ne, %rem3A_468, %ne3A_469 : i32
    %lt3A_471 = arith.constant 0 : i32
    %lt3A_472 = arith.cmpi slt, %rem3A_468, %lt3A_471 : i32
    %lt3A_473 = arith.constant 0 : i32
    %lt3A_474 = arith.cmpi slt, %select_n3A_467, %lt3A_473 : i32
    %ne3A_475 = arith.xori %lt3A_472, %lt3A_474 : i1
    %and3A_476 = arith.andi %ne3A_475, %ne3A_470 : i1
    %add3A_477 = arith.addi %rem3A_468, %select_n3A_467 : i32
    %select_n3A_478 = arith.select %and3A_476, %add3A_477, %rem3A_468 : i32
    %mul3A_479 = arith.constant 32 : i32
    %mul3A_480 = arith.muli %select_n3A_478, %mul3A_479 : i32
    %mul3A_481 = arith.constant 32 : i32
    %mul3A_482 = arith.muli %add3A, %mul3A_481 : i32
    %add3A_483 = arith.constant 0 : i32
    %add3A_484 = arith.addi %mul3A_482, %add3A_483 : i32
    %run_scoped3A_485 = arith.constant 0 : i32
    "tpu.region"() ({
      %run_scoped3A_513 = tpu.sem_alloc : memref<!tpu.dma_semaphore, #tpu.memory_space<semaphore_mem>>
      %dma_start3A_514 = arith.constant 0 : i32
      %dma_start3A_515 = arith.constant 0 : i32
      %dma_start3A_516 = tpu.memref_slice %arg7[%run_scoped3A_485, %dma_start3A_514, %dma_start3A_515] : memref<2x16x2048xf32, #tpu.memory_space<vmem>> -> memref<1x16x2048xf32, #tpu.memory_space<vmem>>
      %dma_start3A_517 = tpu.memref_squeeze %dma_start3A_516 : memref<1x16x2048xf32, #tpu.memory_space<vmem>> -> memref<16x2048xf32, #tpu.memory_space<vmem>>
      %dma_start3A_518 = arith.constant 0 : i32
      %dma_start3A_519 = tpu.memref_slice %arg3[%add3A_484, %dma_start3A_518] : memref<1024x2048xf32, #tpu.memory_space<hbm>> -> memref<16x2048xf32, #tpu.memory_space<hbm>>
      %dma_start3A_520 = arith.constant 0 : i32
      %dma_start3A_521 = arith.constant 0 : i32
      %dma_start3A_522 = tpu.memref_slice %arg7[%run_scoped3A_485, %dma_start3A_520, %dma_start3A_521] : memref<2x16x2048xf32, #tpu.memory_space<vmem>> -> memref<1x16x2048xf32, #tpu.memory_space<vmem>>
      %dma_start3A_523 = tpu.memref_squeeze %dma_start3A_522 : memref<1x16x2048xf32, #tpu.memory_space<vmem>> -> memref<16x2048xf32, #tpu.memory_space<vmem>>
      %dma_start3A_524 = arith.constant 0 : i32
      %dma_start3A_525 = tpu.memref_slice %arg3[%add3A_484, %dma_start3A_524] : memref<1024x2048xf32, #tpu.memory_space<hbm>> -> memref<16x2048xf32, #tpu.memory_space<hbm>>
      tpu.enqueue_dma source(%dma_start3A_525 : memref<16x2048xf32, #tpu.memory_space<hbm>>) target(%dma_start3A_523 : memref<16x2048xf32, #tpu.memory_space<vmem>>) target_semaphore(%run_scoped3A_513 : memref<!tpu.dma_semaphore, #tpu.memory_space<semaphore_mem>>)
      %dma_wait3A_526 = arith.constant 0 : i32
      %dma_wait3A_527 = arith.constant 0 : i32
      %dma_wait3A_528 = tpu.memref_slice %arg7[%run_scoped3A_485, %dma_wait3A_526, %dma_wait3A_527] : memref<2x16x2048xf32, #tpu.memory_space<vmem>> -> memref<1x16x2048xf32, #tpu.memory_space<vmem>>
      %dma_wait3A_529 = tpu.memref_squeeze %dma_wait3A_528 : memref<1x16x2048xf32, #tpu.memory_space<vmem>> -> memref<16x2048xf32, #tpu.memory_space<vmem>>
      %dma_wait3A_530 = arith.constant 0 : i32
      %dma_wait3A_531 = tpu.memref_slice %arg3[%add3A_484, %dma_wait3A_530] : memref<1024x2048xf32, #tpu.memory_space<hbm>> -> memref<16x2048xf32, #tpu.memory_space<hbm>>
      %dma_wait3A_532 = arith.constant 0 : i32
      %dma_wait3A_533 = arith.constant 0 : i32
      %dma_wait3A_534 = tpu.memref_slice %arg7[%run_scoped3A_485, %dma_wait3A_532, %dma_wait3A_533] : memref<2x16x2048xf32, #tpu.memory_space<vmem>> -> memref<1x16x2048xf32, #tpu.memory_space<vmem>>
      %dma_wait3A_535 = tpu.memref_squeeze %dma_wait3A_534 : memref<1x16x2048xf32, #tpu.memory_space<vmem>> -> memref<16x2048xf32, #tpu.memory_space<vmem>>
      %dma_wait3A_536 = arith.constant 0 : i32
      %dma_wait3A_537 = tpu.memref_slice %arg3[%add3A_484, %dma_wait3A_536] : memref<1024x2048xf32, #tpu.memory_space<hbm>> -> memref<16x2048xf32, #tpu.memory_space<hbm>>
      tpu.wait_dma2 semaphore(%run_scoped3A_513 : memref<!tpu.dma_semaphore, #tpu.memory_space<semaphore_mem>>) src(%dma_wait3A_537 : memref<16x2048xf32, #tpu.memory_space<hbm>>) dst(%dma_wait3A_535 : memref<16x2048xf32, #tpu.memory_space<vmem>>)
      tpu.yield
    }) : () -> ()
    %mul3A_486 = arith.constant 2048 : i32
    %mul3A_487 = arith.muli %select_n3A, %mul3A_486 : i32
    %add3A_488 = vector.broadcast %mul3A_487 : i32 to vector<16xi32>
    %add3A_489 = arith.addi %add3A_488, %min3A_65 : vector<16xi32>
    %add3A_490 = vector.broadcast %mul3A_480 : i32 to vector<16xi32>
    %add3A_491 = arith.addi %add3A_489, %add3A_490 : vector<16xi32>
    %add3A_492 = arith.constant 0 : i32
    %add3A_493 = vector.broadcast %add3A_492 : i32 to vector<16xi32>
    %add3A_494 = arith.addi %add3A_491, %add3A_493 : vector<16xi32>
    %add3A_495 = arith.addi %add3A_494, %iota3A : vector<16xi32>
    %run_scoped3A_496 = arith.constant 0 : i32
    "tpu.region"() ({
      %run_scoped3A_513 = tpu.sem_alloc : memref<!tpu.dma_semaphore, #tpu.memory_space<semaphore_mem>>
      %dma_start3A_514 = arith.constant 0 : i32
      %dma_start3A_515 = arith.constant 0 : i32
      %dma_start3A_516 = tpu.memref_slice %arg7[%run_scoped3A_496, %dma_start3A_514, %dma_start3A_515] : memref<2x16x2048xf32, #tpu.memory_space<vmem>> -> memref<1x16x2048xf32, #tpu.memory_space<vmem>>
      %dma_start3A_517 = tpu.memref_squeeze %dma_start3A_516 : memref<1x16x2048xf32, #tpu.memory_space<vmem>> -> memref<16x2048xf32, #tpu.memory_space<vmem>>
      %dma_start3A_518 = arith.constant 0 : i32
      %dma_start3A_519 = arith.constant 0 : i32
      %dma_start3A_520 = tpu.memref_slice %arg5[%dma_start3A_518, %dma_start3A_519] : memref<8192x2048xf32, #tpu.memory_space<hbm>> -> memref<8192x2048xf32, #tpu.memory_space<hbm>>
      tpu.enqueue_indirect_dma source(%dma_start3A_517 : memref<16x2048xf32, #tpu.memory_space<vmem>>) target(%dma_start3A_520 : memref<8192x2048xf32, #tpu.memory_space<hbm>>) offsets(%add3A_495 : vector<16xi32>) semaphore(%run_scoped3A_513 : memref<!tpu.dma_semaphore, #tpu.memory_space<semaphore_mem>>)
      %dma_wait3A_521 = arith.constant 0 : i32
      %dma_wait3A_522 = arith.constant 0 : i32
      %dma_wait3A_523 = tpu.memref_slice %arg7[%run_scoped3A_496, %dma_wait3A_521, %dma_wait3A_522] : memref<2x16x2048xf32, #tpu.memory_space<vmem>> -> memref<1x16x2048xf32, #tpu.memory_space<vmem>>
      %dma_wait3A_524 = tpu.memref_squeeze %dma_wait3A_523 : memref<1x16x2048xf32, #tpu.memory_space<vmem>> -> memref<16x2048xf32, #tpu.memory_space<vmem>>
      %dma_wait3A_525 = arith.constant 0 : i32
      %dma_wait3A_526 = arith.constant 0 : i32
      %dma_wait3A_527 = tpu.memref_slice %arg5[%dma_wait3A_525, %dma_wait3A_526] : memref<8192x2048xf32, #tpu.memory_space<hbm>> -> memref<8192x2048xf32, #tpu.memory_space<hbm>>
      tpu.wait_indirect_dma semaphore(%run_scoped3A_513 : memref<!tpu.dma_semaphore, #tpu.memory_space<semaphore_mem>>) src(%dma_wait3A_524 : memref<16x2048xf32, #tpu.memory_space<vmem>>) dst(%dma_wait3A_527 : memref<8192x2048xf32, #tpu.memory_space<hbm>>)
      tpu.yield
    }) : () -> ()
    %mul3A_497 = arith.constant 32 : i32
    %mul3A_498 = arith.muli %add3A, %mul3A_497 : i32
    %add3A_499 = arith.constant 16 : i32
    %add3A_500 = arith.addi %mul3A_498, %add3A_499 : i32
    %run_scoped3A_501 = arith.constant 1 : i32
    "tpu.region"() ({
      %run_scoped3A_513 = tpu.sem_alloc : memref<!tpu.dma_semaphore, #tpu.memory_space<semaphore_mem>>
      %dma_start3A_514 = arith.constant 0 : i32
      %dma_start3A_515 = arith.constant 0 : i32
      %dma_start3A_516 = tpu.memref_slice %arg7[%run_scoped3A_501, %dma_start3A_514, %dma_start3A_515] : memref<2x16x2048xf32, #tpu.memory_space<vmem>> -> memref<1x16x2048xf32, #tpu.memory_space<vmem>>
      %dma_start3A_517 = tpu.memref_squeeze %dma_start3A_516 : memref<1x16x2048xf32, #tpu.memory_space<vmem>> -> memref<16x2048xf32, #tpu.memory_space<vmem>>
      %dma_start3A_518 = arith.constant 0 : i32
      %dma_start3A_519 = tpu.memref_slice %arg3[%add3A_500, %dma_start3A_518] : memref<1024x2048xf32, #tpu.memory_space<hbm>> -> memref<16x2048xf32, #tpu.memory_space<hbm>>
      %dma_start3A_520 = arith.constant 0 : i32
      %dma_start3A_521 = arith.constant 0 : i32
      %dma_start3A_522 = tpu.memref_slice %arg7[%run_scoped3A_501, %dma_start3A_520, %dma_start3A_521] : memref<2x16x2048xf32, #tpu.memory_space<vmem>> -> memref<1x16x2048xf32, #tpu.memory_space<vmem>>
      %dma_start3A_523 = tpu.memref_squeeze %dma_start3A_522 : memref<1x16x2048xf32, #tpu.memory_space<vmem>> -> memref<16x2048xf32, #tpu.memory_space<vmem>>
      %dma_start3A_524 = arith.constant 0 : i32
      %dma_start3A_525 = tpu.memref_slice %arg3[%add3A_500, %dma_start3A_524] : memref<1024x2048xf32, #tpu.memory_space<hbm>> -> memref<16x2048xf32, #tpu.memory_space<hbm>>
      tpu.enqueue_dma source(%dma_start3A_525 : memref<16x2048xf32, #tpu.memory_space<hbm>>) target(%dma_start3A_523 : memref<16x2048xf32, #tpu.memory_space<vmem>>) target_semaphore(%run_scoped3A_513 : memref<!tpu.dma_semaphore, #tpu.memory_space<semaphore_mem>>)
      %dma_wait3A_526 = arith.constant 0 : i32
      %dma_wait3A_527 = arith.constant 0 : i32
      %dma_wait3A_528 = tpu.memref_slice %arg7[%run_scoped3A_501, %dma_wait3A_526, %dma_wait3A_527] : memref<2x16x2048xf32, #tpu.memory_space<vmem>> -> memref<1x16x2048xf32, #tpu.memory_space<vmem>>
      %dma_wait3A_529 = tpu.memref_squeeze %dma_wait3A_528 : memref<1x16x2048xf32, #tpu.memory_space<vmem>> -> memref<16x2048xf32, #tpu.memory_space<vmem>>
      %dma_wait3A_530 = arith.constant 0 : i32
      %dma_wait3A_531 = tpu.memref_slice %arg3[%add3A_500, %dma_wait3A_530] : memref<1024x2048xf32, #tpu.memory_space<hbm>> -> memref<16x2048xf32, #tpu.memory_space<hbm>>
      %dma_wait3A_532 = arith.constant 0 : i32
      %dma_wait3A_533 = arith.constant 0 : i32
      %dma_wait3A_534 = tpu.memref_slice %arg7[%run_scoped3A_501, %dma_wait3A_532, %dma_wait3A_533] : memref<2x16x2048xf32, #tpu.memory_space<vmem>> -> memref<1x16x2048xf32, #tpu.memory_space<vmem>>
      %dma_wait3A_535 = tpu.memref_squeeze %dma_wait3A_534 : memref<1x16x2048xf32, #tpu.memory_space<vmem>> -> memref<16x2048xf32, #tpu.memory_space<vmem>>
      %dma_wait3A_536 = arith.constant 0 : i32
      %dma_wait3A_537 = tpu.memref_slice %arg3[%add3A_500, %dma_wait3A_536] : memref<1024x2048xf32, #tpu.memory_space<hbm>> -> memref<16x2048xf32, #tpu.memory_space<hbm>>
      tpu.wait_dma2 semaphore(%run_scoped3A_513 : memref<!tpu.dma_semaphore, #tpu.memory_space<semaphore_mem>>) src(%dma_wait3A_537 : memref<16x2048xf32, #tpu.memory_space<hbm>>) dst(%dma_wait3A_535 : memref<16x2048xf32, #tpu.memory_space<vmem>>)
      tpu.yield
    }) : () -> ()
    %mul3A_502 = arith.constant 2048 : i32
    %mul3A_503 = arith.muli %select_n3A, %mul3A_502 : i32
    %add3A_504 = vector.broadcast %mul3A_503 : i32 to vector<16xi32>
    %add3A_505 = arith.addi %add3A_504, %min3A_65 : vector<16xi32>
    %add3A_506 = vector.broadcast %mul3A_480 : i32 to vector<16xi32>
    %add3A_507 = arith.addi %add3A_505, %add3A_506 : vector<16xi32>
    %add3A_508 = arith.constant 16 : i32
    %add3A_509 = vector.broadcast %add3A_508 : i32 to vector<16xi32>
    %add3A_510 = arith.addi %add3A_507, %add3A_509 : vector<16xi32>
    %add3A_511 = arith.addi %add3A_510, %iota3A : vector<16xi32>
    %run_scoped3A_512 = arith.constant 1 : i32
    "tpu.region"() ({
      %run_scoped3A_513 = tpu.sem_alloc : memref<!tpu.dma_semaphore, #tpu.memory_space<semaphore_mem>>
      %dma_start3A_514 = arith.constant 0 : i32
      %dma_start3A_515 = arith.constant 0 : i32
      %dma_start3A_516 = tpu.memref_slice %arg7[%run_scoped3A_512, %dma_start3A_514, %dma_start3A_515] : memref<2x16x2048xf32, #tpu.memory_space<vmem>> -> memref<1x16x2048xf32, #tpu.memory_space<vmem>>
      %dma_start3A_517 = tpu.memref_squeeze %dma_start3A_516 : memref<1x16x2048xf32, #tpu.memory_space<vmem>> -> memref<16x2048xf32, #tpu.memory_space<vmem>>
      %dma_start3A_518 = arith.constant 0 : i32
      %dma_start3A_519 = arith.constant 0 : i32
      %dma_start3A_520 = tpu.memref_slice %arg5[%dma_start3A_518, %dma_start3A_519] : memref<8192x2048xf32, #tpu.memory_space<hbm>> -> memref<8192x2048xf32, #tpu.memory_space<hbm>>
      tpu.enqueue_indirect_dma source(%dma_start3A_517 : memref<16x2048xf32, #tpu.memory_space<vmem>>) target(%dma_start3A_520 : memref<8192x2048xf32, #tpu.memory_space<hbm>>) offsets(%add3A_511 : vector<16xi32>) semaphore(%run_scoped3A_513 : memref<!tpu.dma_semaphore, #tpu.memory_space<semaphore_mem>>)
      %dma_wait3A_521 = arith.constant 0 : i32
      %dma_wait3A_522 = arith.constant 0 : i32
      %dma_wait3A_523 = tpu.memref_slice %arg7[%run_scoped3A_512, %dma_wait3A_521, %dma_wait3A_522] : memref<2x16x2048xf32, #tpu.memory_space<vmem>> -> memref<1x16x2048xf32, #tpu.memory_space<vmem>>
      %dma_wait3A_524 = tpu.memref_squeeze %dma_wait3A_523 : memref<1x16x2048xf32, #tpu.memory_space<vmem>> -> memref<16x2048xf32, #tpu.memory_space<vmem>>
      %dma_wait3A_525 = arith.constant 0 : i32
      %dma_wait3A_526 = arith.constant 0 : i32
      %dma_wait3A_527 = tpu.memref_slice %arg5[%dma_wait3A_525, %dma_wait3A_526] : memref<8192x2048xf32, #tpu.memory_space<hbm>> -> memref<8192x2048xf32, #tpu.memory_space<hbm>>
      tpu.wait_indirect_dma semaphore(%run_scoped3A_513 : memref<!tpu.dma_semaphore, #tpu.memory_space<semaphore_mem>>) src(%dma_wait3A_524 : memref<16x2048xf32, #tpu.memory_space<vmem>>) dst(%dma_wait3A_527 : memref<8192x2048xf32, #tpu.memory_space<hbm>>)
      tpu.yield
    }) : () -> ()
    return
  }
}

</mosaic_0001>

<sc_bundles>
// kernel: _sc_embed.3.cloned.1.call-start
scs
__scs_entry_jumppad:
0x0: {  	(pc) =	sbr.rel $0x88, $3  }
0x1: {  	(tag) =	ssettag $0x0;
	lr =	simm.s32 $0x1  }
0x2: {  	[smem:$0x3F9E] =	sst lr;
	_ =	strace $0xD0000000  }
0x3: {  	_ = 	snop  }
0x4: {  	_ = 	snop  }
0x5: {  	_ = 	snop  }
0x6: {  	_ = 	snop  }
0x7: {  	_ = 	snop  }
__scs_overlays_trampoline_lowered:
0x8: {  	[smem:$0x3FAD] =	sst s0  }
0x9: {  	[smem:$0x3FAE] =	sst s1  }
0xa: {  	[smem:$0x3FAF] =	sst s2  }
0xb: {  	[smem:$0x3FB0] =	sst s3  }
0xc: {  	[smem:$0x3FB1] =	sst s4  }
0xd: {  	[smem:$0x3FB2] =	sst s5  }
0xe: {  	[smem:$0x3FB3] =	sst s6  }
0xf: {  	[smem:$0x3FB4] =	sst s7  }
0x10: {  	[smem:$0x3FB5] =	sst s8  }
0x11: {  	[smem:$0x3FB6] =	sst s9;
	s0 =	simm.s32 @!p0 $0x0  }
0x12: {  	s1 =	sld [smem:$0x3F9C];
	s0 =	simm.s32 @p0 $0x1  }
0x13: {  	[smem:$0x3FB7] =	sst s0;
	s0 =	simm.s32 @!p1 $0x0  }
0x14: {  	s2 =	sld [smem:$0x3F9B];
	s0 =	simm.s32 @p1 $0x1  }
0x15: {  	[smem:$0x3FB8] =	sst s0;
	s0 =	simm.s32 @!p2 $0x0  }
0x16: {  	s3 =	sld [smem:$0x3FDB];
	s0 =	simm.s32 @p2 $0x1  }
0x17: {  	s4 =	simm.s32 $0x1BF5;
	[smem:$0x3FBA] =	sst s0  }
0x18: {  	s0 =	sld [smem:$0x3F9D];
	_ =	swait.ge [sflag:s4], $0x0  }
0x19: {  	s7 =	sld [smem:$0x3F9E]  }
0x1a: {  	s8 =	sadd.s32 $0xFFFFE003, lr  }
0x1b: {  	s9 =	sadd.s32 $0xFFFFFEF7, lr;
	s5 =	simm.s32 $0xFFFFFFFF;
	p2 =	slt.u32 s8, $0xFFFFF086  }
0x1c: {  	p1 =	slt.u32 s9, $0xF7A;
	s5 =	simm.s32 @!p2 $0x0  }
0x1d: {  	s5 =	simm.s32 @p1 $0x1;
	p0 =	seq.s32 s7, s2  }
0x1e: {  	s7 =	smul.u32 @!p0 $0xF7A, s2;
	p2 =	seq.s32 @!p0 s5, $0x0  }
0x1f: {  	s9 =	smul.u32 $0xF7A, s1;
	s8 =	simm.s32 @!p0 $0x1BF5;
	p2 =	por !p2, p0  }
0x20: {  	[sflag:s8] =	ssyncset.s32 @!p0 $0xFFFFF086;
	s6 =	sadd.s32 @!p0 s3, s7;
	s7 =	simm.s32 @!p0 $0x108  }
0x21: {  	s3 =	sadd.s32 s3, s9;
	s6 =	sadd.s32 @!p0 $0x88, s6;
	s7 =	simm.s32 @p2 $0x1082  }
0x22: {  	[simem:s7], [sflag:s8] =	dma.local @!p0 [hbm:s6], $0xF7A  }
0x23: {  	s9 =	sor.u32 $0xD0000000, s2;
	s6 =	simm.s32 $0x108;
	_ =	swait.ge @!p0 [sflag:s8], $0x0  }
0x24: {  	s3 =	sadd.s32 $0x88, s3;
	s6 =	simm.s32 @!p1 $0x1082;
	[sflag:s4] =	ssyncset.s32 $0xFFFFF086  }
0x25: {  	[simem:s6], [sflag:s4] =	dma.local [hbm:s3], $0xF7A  }
0x26: {  	[smem:$0x3F9E] =	sst s1;
	(tag) =	ssettag s2;
	_ =	strace s9  }
0x27: {  	s1 =	sld [smem:$0x3FAE]  }
0x28: {  	s2 =	sld [smem:$0x3FAF]  }
0x29: {  	s4 =	sld [smem:$0x3FB1]  }
0x2a: {  	p0 =	seq.s32 s5, $0x0;
	s5 =	sld [smem:$0x3FB2]  }
0x2b: {  	s6 =	sld [smem:$0x3FB3]  }
0x2c: {  	s7 =	sld [smem:$0x3FB4]  }
0x2d: {  	s3 =	simm.s32 $0x108;
	s8 =	sld [smem:$0x3FB5]  }
0x2e: {  	s3 =	simm.s32 @!p0 $0x1082;
	s9 =	sld [smem:$0x3FB6]  }
0x2f: {  	lr =	sadd.s32 s0, s3;
	s0 =	sld [smem:$0x3FAD]  }
0x30: {  	s3 =	sld [smem:$0x3FB0]  }
0x31: {  	[smem:$0x3FB9] =	sst s10  }
0x32: {  	s10 =	sld [smem:$0x3FB7];
	_ =	sdelay $0x3  }
0x33: {  	p0 =	seq.s32 s10, $0x1;
	s10 =	sld [smem:$0x3FB9];
	_ =	sdelay $0x3  }
0x34: {  	[smem:$0x3FB9] =	sst s10  }
0x35: {  	s10 =	sld [smem:$0x3FB8];
	_ =	sdelay $0x3  }
0x36: {  	p1 =	seq.s32 s10, $0x1;
	s10 =	sld [smem:$0x3FB9];
	_ =	sdelay $0x3  }
0x37: {  	[smem:$0x3FB9] =	sst s10  }
0x38: {  	s10 =	sld [smem:$0x3FBA]  }
0x39: {  	_ = 	snop;
	(pc) =	sbr.ind lr, $3  }
0x3a: {  	_ = 	snop  }
0x3b: {  	_ = 	snop  }
0x3c: {  	p2 =	seq.s32 s10, $0x1;
	s10 =	sld [smem:$0x3FB9]  }
0x3d: {  	_ =	shalt  }
0x3e: {  	_ =	shalt  }
0x3f: {  	_ =	shalt  }
0x40: {  	_ =	shalt  }
0x41: {  	_ =	shalt  }
0x42: {  	_ =	shalt  }
0x43: {  	_ =	shalt  }
0x44: {  	_ =	shalt  }
0x45: {  	_ =	shalt  }
0x46: {  	_ =	shalt  }
0x47: {  	_ =	shalt  }
0x48: {  	_ =	shalt  }
0x49: {  	_ =	shalt  }
0x4a: {  	_ =	shalt  }
0x4b: {  	_ =	shalt  }
0x4c: {  	_ =	shalt  }
0x4d: {  	_ =	shalt  }
0x4e: {  	_ =	shalt  }
0x4f: {  	_ =	shalt  }
0x50: {  	_ =	shalt  }
0x51: {  	_ =	shalt  }
0x52: {  	_ =	shalt  }
0x53: {  	_ =	shalt  }
0x54: {  	_ =	shalt  }
0x55: {  	_ =	shalt  }
0x56: {  	_ =	shalt  }
0x57: {  	_ =	shalt  }
0x58: {  	_ =	shalt  }
0x59: {  	_ =	shalt  }
0x5a: {  	_ =	shalt  }
0x5b: {  	_ =	shalt  }
0x5c: {  	_ =	shalt  }
0x5d: {  	_ =	shalt  }
0x5e: {  	_ =	shalt  }
0x5f: {  	_ =	shalt  }
0x60: {  	_ =	shalt  }
0x61: {  	_ =	shalt  }
0x62: {  	_ =	shalt  }
0x63: {  	_ =	shalt  }
0x64: {  	_ =	shalt  }
0x65: {  	_ =	shalt  }
0x66: {  	_ =	shalt  }
0x67: {  	_ =	shalt  }
0x68: {  	_ =	shalt  }
0x69: {  	_ =	shalt  }
0x6a: {  	_ =	shalt  }
0x6b: {  	_ =	shalt  }
0x6c: {  	_ =	shalt  }
0x6d: {  	_ =	shalt  }
0x6e: {  	_ =	shalt  }
0x6f: {  	_ =	shalt  }
0x70: {  	_ =	shalt  }
0x71: {  	_ =	shalt  }
0x72: {  	_ =	shalt  }
0x73: {  	_ =	shalt  }
0x74: {  	_ =	shalt  }
0x75: {  	_ =	shalt  }
0x76: {  	_ =	shalt  }
0x77: {  	_ =	shalt  }
0x78: {  	_ =	shalt  }
0x79: {  	_ =	shalt  }
0x7a: {  	_ =	shalt  }
0x7b: {  	_ =	shalt  }
0x7c: {  	_ =	shalt  }
0x7d: {  	_ =	shalt  }
0x7e: {  	_ =	shalt  }
0x7f: {  	_ =	shalt  }
0x80: {  	_ =	shalt  }
0x81: {  	_ =	shalt  }
0x82: {  	_ =	shalt  }
0x83: {  	_ =	shalt  }
0x84: {  	_ =	shalt  }
0x85: {  	_ =	shalt  }
0x86: {  	_ =	shalt  }
0x87: {  	_ =	shalt  }
.Lfunc_end0:
.L_simem_size_0:
called_computation_lowered:
.L_overlay_start_0:
0x88: {  	s2 =	sld [smem:$0x3FD9]  }
0x89: {  	s3 =	sld [smem:$0x3FFE];
	_ =	sdelay $0x1  }
0x8a: {  	s1 =	srdreg.scid  }
0x8b: {  	s0 =	sand.u32 $0x1, s1  }
0x8c: {  	s18 =	sshll.u32 s0, $0xA;
	s2 =	sadd.s32 s3, s2  }
0x8d: {  	s2 =	sadd.s32 s2, s18  }
0x8e: {  	[smem:$0x3FC5] =	sst s2  }
0x8f: {  	_ = 	snop  }
0x90: {  	s2 =	sld [smem:$0x3FC9]  }
0x91: {  	s19 =	sld [smem:$0x3FC8]  }
0x92: {  	s4 =	sld [smem:$0x3FC7]  }
0x93: {  	s5 =	sld [smem:$0x3FD0];
	(tm) =	ssettm $0x1  }
0x94: {  	s6 =	sld [smem:$0x3FFB];
	_ =	sdelay $0x3  }
0x95: {  	_ =	strace s6  }
0x96: {  	s6 =	sld [smem:$0x3FFC];
	_ =	sdelay $0x3  }
0x97: {  	_ =	strace s6  }
0x98: {  	s6 =	sld [smem:$0x3FFD];
	_ =	sdelay $0x3  }
0x99: {  	_ =	strace s6  }
0x9a: {  	_ =	strace $0x8FFFFFFF  }
0x9b: {  	s20 =	sld [smem:$0x3FDB];
	_ =	sdelay $0x1  }
0x9c: {  	s7 =	simm.s32 $_scs_section_size  }
0x9d: {  	s8 =	simm.s32 $_size__tile_overlayer_lowered;
	s9 =	simm.s32 $_tile_overlayer_lowered  }
0x9e: {  	s23 =	simm.s32 $0x1BFF;
	s22 =	sshll.u32 s9, $0x1;
	s6 =	sadd.s32 s7, s20  }
0x9f: {  	s10 =	simm.s32 $0x0;
	s21 =	sshll.u32 s8, $0x1;
	s8 =	sadd.s32 s22, s6  }
0xa0: {  	[timem:s10], [sflag:s23] =	dma.local [hbm:s8], s21  }
0xa1: {  	_ =	swait.ge [sflag:s23], s21  }
0xa2: {  	s7 =	ssub.s32 $0x0, s21;
	[sflag:s23] =	ssyncset.done $0x0  }
0xa3: {  	[sflag:s23] =	ssyncadd.s32 s7;
	_ =	sdelay $0x1  }
0xa4: {  	s24 =	simm.s32 $0x1B8B  }
0xa5: {  	_ =	swait.ge [sflag:s24], $0x1  }
0xa6: {  	[sflag:s24] =	ssyncset.done $0x0  }
0xa7: {  	s25 =	simm.s32 $0x1B8E;
	[sflag:s24] =	ssyncadd.s32 $0xFFFFFFFF  }
0xa8: {  	s26 =	simm.s32 $execute0_lowered;
	[smem:$0x3FD2] =	sst s25  }
0xa9: {  	s7 =	sshll.u32 s26, $0x1;
	_ =	strace $0x80000046;
	[dreg:$0x1] =	wrdreg $0xFFFFFFFF  }
0xaa: {  	s28 =	simm.s32 $_size_execute0_lowered;
	s6 =	sadd.s32 s6, s7;
	[dreg:$0x0] =	wrdreg $0x0  }
0xab: {  	s7 =	sshll.u32 s28, $0x1;
	[dreg:$0x2] =	wrdreg s6  }
0xac: {  	[dreg:$0x3] =	wrdreg s7  }
0xad: {  	[dreg:$0x4] =	wrdreg $0xC0  }
0xae: {  	_ =	task [dreg:s10], $0x5FFFF  }
0xaf: {  	[dreg:$0x1] =	wrdreg $0xFFFFFFFF  }
0xb0: {  	[dreg:$0x0] =	wrdreg $0x60  }
0xb1: {  	[dreg:$0x2] =	wrdreg s2  }
0xb2: {  	[dreg:$0x3] =	wrdreg s19  }
0xb3: {  	[dreg:$0x4] =	wrdreg s4  }
0xb4: {  	[dreg:$0x5] =	wrdreg s5  }
0xb5: {  	[dreg:$0x6] =	wrdreg $0x9  }
0xb6: {  	_ =	task.clear_ibuf [dreg:s10], $0x7FFFF;
	_ =	strace $0x90000046  }
0xb7: {  	s29 =	simm.s32 $0x9;
	_ =	strace $0x80000048  }
0xb8: {  	_ =	swait.ge [sflag:s29], $0x1  }
0xb9: {  	[sflag:s29] =	ssyncadd.s32 $0xFFFFFFFF  }
0xba: {  	_ =	strace $0x90000048  }
0xbb: {  	_ =	sfence  }
0xbc: {  	s30 =	sld [smem:$0x0];
	_ =	sdelay $0x2  }
0xbd: {  	s31 =	sshll.u32 s1, $0xD;
	s1 =	sshrl.u32 s1, $0x2  }
0xbe: {  	s3 =	sand.u32 $0x4000, s31;
	s1 =	sadd.s32 s1, s30  }
0xbf: {  	s0 =	sor.u32 s3, s0;
	s1 =	sshll.u32 s1, $0x11  }
0xc0: {  	s0 =	sor.u32 s1, s0  }
0xc1: {  	s0 =	sadd.s32 $0x8F2B, s0  }
0xc2: {  	[sflag:s0] =	ssyncadd.remote.s32 $0x1  }
0xc3: {  	_ =	sfence.sel $0xFFFF  }
0xc4: {  	[dreg:$0x0] =	wrdreg $0xFFFFFFFF;
	(pc) =	sbr.abs _section_cstart, $3  }
0xc5: {  	[dreg:$0x1] =	wrdreg $0xFFFFFFFF  }
0xc6: {  	_ =	task.clear_ibuf [dreg:s10], $0x2FFFF;
	_ =	strace $0x9FFFFFFF  }
0xc7: {  	(tm) =	ssettm $0x7FFFFFFF  }
tec
execute0_lowered:
.L_overlay_start_1:
0x0: {  	(tag) =	ssettag $0x1  }
0x1: {  	s3 =	rddreg [dreg:$0x0]  }
0x2: {  	s0 =	srdreg.scid;
	s15 =	rddreg [dreg:$0x1]  }
0x3: {  	s2 =	stileid.u32;
	s18 =	rddreg [dreg:$0x3];
	s5 =	simm.s32 $0x1  }
0x4: {  	s4 =	simm.s32 $0x0;
	s0 =	sand.u32 $0x1, s0;
	s6 =	sand.u32 $0x7, s2  }
0x5: {  	[smem:$0x7FF] =	sst s4;
	s1 =	sshll.u32 s0, $0x4;
	p1 =	sne.s32 s6, $0x0  }
0x6: {  	s0 =	ssub.s32 $0x2, s0;
	s1 =	sor.u32 s2, s1;
	s2 =	rddreg [dreg:$0x2]  }
0x7: {  	s21 =	sshrl.u32 s0, $0x1;
	_ =	strace $0x80000047;
	p0 =	seq.s32 s1, $0x0  }
0x8: {  	s7 =	sshrl.u32 s1, $0x3;
	s17 =	ssub.s32 s0, s21;
	p0 =	por !p1, !p0  }
0x9: {  	s23 =	sshll.u32 s1, $0x10;
	s29 =	sshll.u32 s1, $0xD;
	p0 =	por !p0, !p0  }
0xa: {  	s1 =	sadd.s32 s15, s29;
	s15 =	smax.u32 s17, $0x1;
	s5 =	simm.s32 @!p0 $0x0  }
0xb: {  	s29 =	sadd.s32 $0x500, s18;
	[dreg:$0xf] =	wrdreg s15;
	s5 =	ssub.s32 s7, s5  }
0xc: {  	[dreg:$0x1c] =	wrdreg s29;
	s16 =	sshll.u32 s5, $0xB  }
0xd: {  	[dreg:$0xc] =	wrdreg s1;
	s1 =	sadd.s32 $0x1000, s1;
	s22 =	sshrl.u32 s16, $0x3  }
0xe: {  	[dreg:$0x1f] =	wrdreg s1;
	s0 =	sadd.s32 s3, s22  }
0xf: {  	s3 =	sadd.s32 s18, s23;
	[dreg:$0x5] =	wrdreg s0  }
0x10: {  	s0 =	sadd.s32 $0x1000, s3;
	[dreg:$0x6] =	wrdreg s3  }
0x11: {  	s24 =	sadd.s32 $0x2000, s3;
	[dreg:$0x7] =	wrdreg s0  }
0x12: {  	s25 =	sadd.s32 $0x3000, s3;
	[dreg:$0x8] =	wrdreg s24  }
0x13: {  	s26 =	sadd.s32 $0x4000, s3;
	[dreg:$0x9] =	wrdreg s25  }
0x14: {  	s28 =	sadd.s32 $0x5000, s3;
	[dreg:$0xa] =	wrdreg s26  }
0x15: {  	s30 =	sadd.s32 $0x6000, s3;
	[dreg:$0xb] =	wrdreg s28  }
0x16: {  	s5 =	sadd.s32 $0x7000, s3;
	[dreg:$0xd] =	wrdreg s30  }
0x17: {  	s17 =	sadd.s32 $0x9000, s3;
	[dreg:$0xe] =	wrdreg s5  }
0x18: {  	s31 =	sshll.u32 s6, $0x5;
	s19 =	sadd.s32 $0xA000, s3;
	[dreg:$0x11] =	wrdreg s17  }
0x19: {  	v1 =	vimm.s32 $0xEFCDAB89;
	v3 =	vimm.s32 $0x67452301;
	s8 =	sadd.s32 $0x100, s2;
	s20 =	sadd.s32 $0xB000, s3;
	[dreg:$0x12] =	wrdreg s19  }
0x1a: {  	v0 =	vlaneseq.u32;
	v4 =	vimm.s32 $0xDCFE98BA;
	v5 =	vimm.s32 $0x54761032;
	s9 =	sadd.s32 $0x200, s2;
	s21 =	sadd.s32 $0xC000, s3;
	[dreg:$0x13] =	wrdreg s20  }
0x1b: {  	v8 =	vimm.s32 $0x32107654;
	v9 =	vimm.s32 $0xFEDCBA98;
	v2 =	vunpack.c.l.s4.s8 v1;
	s10 =	sadd.s32 $0x300, s2;
	s22 =	sadd.s32 $0xD000, s3;
	[dreg:$0x14] =	wrdreg s21  }
0x1c: {  	v10 =	vimm.s32 $0x76543210;
	vm0 =	vmmov $0xffff;
	v3 =	vunpack.c.l.s4.s8 v3;
	s11 =	sadd.s32 $0x400, s2;
	s23 =	sadd.s32 $0xE000, s3;
	[dreg:$0x15] =	wrdreg s22  }
0x1d: {  	v4 =	vunpack.c.l.s4.s8 v4;
	v7 =	vunpack.c.0.s8.s32 v2;
	v2 =	vimm.s32 $0xBA98FEDC;
	s0 =	sor.u32 s31, s16;
	s16 =	sadd.s32 $0x8000, s3;
	[dreg:$0x16] =	wrdreg s23  }
0x1e: {  	v5 =	vunpack.c.l.s4.s8 v5;
	v8 =	vunpack.c.l.s4.s8 v8;
	s12 =	sadd.s32 $0x500, s2;
	v2 =	vunpack.c.l.s4.s8 v2;
	s3 =	sadd.s32 $0xF000, s3;
	[dreg:$0x10] =	wrdreg s16  }
0x1f: {  	v9 =	vunpack.c.l.s4.s8 v9;
	v3 =	vunpack.c.0.s8.s32 v3;
	v4 =	vunpack.c.0.s8.s32 v4;
	s13 =	sadd.s32 $0x600, s2;
	s24 =	sadd.s32 $0x100, s18;
	[dreg:$0x17] =	wrdreg s3  }
0x20: {  	v5 =	vunpack.c.0.s8.s32 v5;
	v8 =	vunpack.c.0.s8.s32 v8;
	s14 =	sadd.s32 $0x700, s2;
	v11 =	vunpack.c.0.s8.s32 v2;
	s25 =	sadd.s32 $0x200, s18;
	[dreg:$0x18] =	wrdreg s24  }
0x21: {  	v6 =	vor.u32 $0x10, v0;
	v10 =	vunpack.c.l.s4.s8 v10;
	v3 =	vcombine.low v3, v7;
	s7 =	sshll.u32 s6, $0x8;
	s26 =	sadd.s32 $0x300, s18;
	[dreg:$0x19] =	wrdreg s25  }
0x22: {  	v9 =	vunpack.c.0.s8.s32 v9;
	v4 =	vcombine.low v5, v4;
	v5 =	vcombine.low v8, v11;
	s28 =	sadd.s32 $0x400, s18;
	s30 =	sadd.s32 $0x600, s18;
	[dreg:$0x1a] =	wrdreg s26  }
0x23: {  	v8 =	vshrl.u32 v0, $0x3;
	s31 =	sadd.s32 $0x700, s18;
	s17 =	simm.s32 $0x2;
	[dreg:$0x1b] =	wrdreg s28;
	v2 =	vor.u32 s0, v6;
	v6 =	vunpack.c.0.s8.s32 v10  }
0x24: {  	v7 =	vand.u32 $0xF, v9;
	v9 =	vor.u32 $0x8, v0;
	v8 =	vmul.u32 $0x8, v8;
	s19 =	simm.s32 $0x800;
	s5 =	simm.s32 $0x8800;
	[dreg:$0x1d] =	wrdreg s30  }
0x25: {  	[dreg:$0x1e] =	wrdreg s31;
	s24 =	simm.s32 $0x3;
	v1 =	vor.u32 s0, v0;
	s0 =	simm.s32 $0x0;
	v6 =	vcombine.low v7, v6;
	v7 =	vand.u32 $0x7, v0  }
.LBB2_1:
0x26: {  	[smem:$0x7FD] =	sst s0  }
0x27: {  	s20 =	rddreg [dreg:$0x5]  }
0x28: {  	[tilespmem:s4], [sflag:$0x3] =	stream.linear.gather [hbm4b:s20+s4], $0x800, $0x38;
	[tilespmem:$0x10800] =	vst v63  }
0x29: {  	_ =	swait.ge [sflag:s24], $0x800  }
0x2a: {  	[sflag:s24] =	ssyncset.done $0x0  }
0x2b: {  	[sflag:s24] =	ssyncadd.s32 $0xFFFFF800  }
0x2c: {  	v11 =	vld [tilespmem:s4+$0x0];
	_ =	sdelay $0x4  }
0x2d: {  	v10 =	vimm.s32 $0x800;
	s22 =	simm.s32 $0x10;
	s20 =	simm.s32 $0x10;
	vm1 =	veq.s32 v11, $0x7CFF;
	v11 =	vor.u32 s4, v0  }
.LBB2_2:
0x2e: {  	v12 =	vld [tilespmem:s22+$0x0];
	p0 =	sne.s32 s20, $0x7F0;
	v11 =	vnsel vm1, $0x800, v11;
	s26 =	smov.u32 s20;
	s20 =	sadd.s32 $0x10, s20  }
.Ltmp0:
0x2f: {  	vm1 =	vlt.s32 v10, v11;
	(pc) =	sbr.rel @p0 .LBB2_2-.Ltmp0, $2  }
0x30: {  	v10 =	vsel vm1, v10, v11;
	_ =	sdelay $0x2  }
0x31: {  	s22 =	sadd.s32 $0x10, s22;
	v11 =	vor.u32 s26, v0;
	vm1 =	veq.s32 v12, $0x7CFF  }
0x32: {  	v12 =	vld [tilespmem:s7+$0x0];
	_ =	sdelay $0x4  }
0x33: {  	v13 =	vshll.u32 v12, $0x4  }
0x34: {  	v12 =	vand.u32 $0x7, v12;
	v13 =	vand.u32 $0xFFFFFF80, v13  }
0x35: {  	v12 =	vor.u32 v12, v13  }
0x36: {  	v13 =	vperm.xlane v12, v7;
	_ =	sdelay $0x1  }
0x37: {  	v13 =	vadd.s32 v8, v13;
	_ =	sdelay $0x4  }
0x38: {  	[tilespmem:s19], [sflag:$0x1] =	stream.indirect_vreg.gather [hbm4b:s2+s4], $0x80, v13, vm0, $0xb8;
	[tilespmem:$0x10800] =	vst v63  }
0x39: {  	s0 =	simm.s32 $0x1000  }
0x3a: {  	[tilespmem:s0], [sflag:$0x1] =	stream.indirect_vreg.gather [hbm4b:s8+s4], $0x80, v13, vm0, $0xb8;
	[tilespmem:$0x10800] =	vst v63  }
0x3b: {  	s15 =	simm.s32 $0x1800  }
0x3c: {  	[tilespmem:s15], [sflag:$0x1] =	stream.indirect_vreg.gather [hbm4b:s9+s4], $0x80, v13, vm0, $0xb8;
	[tilespmem:$0x10800] =	vst v63  }
0x3d: {  	s16 =	simm.s32 $0x2000  }
0x3e: {  	[tilespmem:s16], [sflag:$0x1] =	stream.indirect_vreg.gather [hbm4b:s10+s4], $0x80, v13, vm0, $0xb8;
	[tilespmem:$0x10800] =	vst v63  }
0x3f: {  	s18 =	simm.s32 $0x2800  }
0x40: {  	[tilespmem:s18], [sflag:$0x1] =	stream.indirect_vreg.gather [hbm4b:s11+s4], $0x80, v13, vm0, $0xb8;
	[tilespmem:$0x10800] =	vst v63  }
0x41: {  	s20 =	simm.s32 $0x3000;
	v12 =	vperm.xlane v12, v9  }
0x42: {  	[tilespmem:s20], [sflag:$0x1] =	stream.indirect_vreg.gather [hbm4b:s12+s4], $0x80, v13, vm0, $0xb8;
	[tilespmem:$0x10800] =	vst v63  }
0x43: {  	s21 =	simm.s32 $0x3800;
	v12 =	vadd.s32 v8, v12  }
0x44: {  	[tilespmem:s21], [sflag:$0x1] =	stream.indirect_vreg.gather [hbm4b:s13+s4], $0x80, v13, vm0, $0xb8;
	[tilespmem:$0x10800] =	vst v63  }
0x45: {  	s22 =	simm.s32 $0x4000  }
0x46: {  	[tilespmem:s22], [sflag:$0x1] =	stream.indirect_vreg.gather [hbm4b:s14+s4], $0x80, v13, vm0, $0xb8;
	[tilespmem:$0x10800] =	vst v63  }
0x47: {  	s23 =	simm.s32 $0x4800  }
0x48: {  	[tilespmem:s23], [sflag:$0x1] =	stream.indirect_vreg.gather [hbm4b:s2+s4], $0x80, v12, vm0, $0xb8;
	[tilespmem:$0x10800] =	vst v63  }
0x49: {  	s25 =	simm.s32 $0x5000  }
0x4a: {  	[tilespmem:s25], [sflag:$0x1] =	stream.indirect_vreg.gather [hbm4b:s8+s4], $0x80, v12, vm0, $0xb8;
	[tilespmem:$0x10800] =	vst v63  }
0x4b: {  	s26 =	simm.s32 $0x5800  }
0x4c: {  	[tilespmem:s26], [sflag:$0x1] =	stream.indirect_vreg.gather [hbm4b:s9+s4], $0x80, v12, vm0, $0xb8;
	[tilespmem:$0x10800] =	vst v63  }
0x4d: {  	s28 =	simm.s32 $0x6000  }
0x4e: {  	[tilespmem:s28], [sflag:$0x1] =	stream.indirect_vreg.gather [hbm4b:s10+s4], $0x80, v12, vm0, $0xb8;
	[tilespmem:$0x10800] =	vst v63  }
0x4f: {  	s29 =	simm.s32 $0x6800  }
0x50: {  	[tilespmem:s29], [sflag:$0x1] =	stream.indirect_vreg.gather [hbm4b:s11+s4], $0x80, v12, vm0, $0xb8;
	[tilespmem:$0x10800] =	vst v63  }
0x51: {  	s30 =	simm.s32 $0x7000  }
0x52: {  	[tilespmem:s30], [sflag:$0x1] =	stream.indirect_vreg.gather [hbm4b:s12+s4], $0x80, v12, vm0, $0xb8;
	[tilespmem:$0x10800] =	vst v63  }
0x53: {  	s31 =	simm.s32 $0x7800  }
0x54: {  	[tilespmem:s31], [sflag:$0x1] =	stream.indirect_vreg.gather [hbm4b:s13+s4], $0x80, v12, vm0, $0xb8;
	[tilespmem:$0x10800] =	vst v63  }
0x55: {  	s1 =	simm.s32 $0x8000  }
0x56: {  	[tilespmem:s1], [sflag:$0x1] =	stream.indirect_vreg.gather [hbm4b:s14+s4], $0x80, v12, vm0, $0xb8;
	[tilespmem:$0x10800] =	vst v63  }
0x57: {  	v12 =	vld [tilespmem:s7+$0x10];
	_ =	sdelay $0x4  }
0x58: {  	v33 =	vshll.u32 v12, $0x4  }
0x59: {  	v12 =	vand.u32 $0x7, v12;
	v13 =	vand.u32 $0xFFFFFF80, v33  }
0x5a: {  	v12 =	vor.u32 v12, v13  }
0x5b: {  	v13 =	vperm.xlane v12, v7;
	_ =	sdelay $0x1  }
0x5c: {  	v13 =	vadd.s32 v8, v13;
	_ =	sdelay $0x4  }
0x5d: {  	[tilespmem:s5], [sflag:$0x2] =	stream.indirect_vreg.gather [hbm4b:s2+s4], $0x80, v13, vm0, $0xb8;
	[tilespmem:$0x10800] =	vst v63  }
0x5e: {  	s20 =	simm.s32 $0x9000  }
0x5f: {  	[tilespmem:s20], [sflag:$0x2] =	stream.indirect_vreg.gather [hbm4b:s8+s4], $0x80, v13, vm0, $0xb8;
	[tilespmem:$0x10800] =	vst v63  }
0x60: {  	s3 =	simm.s32 $0x9800  }
0x61: {  	[tilespmem:s3], [sflag:$0x2] =	stream.indirect_vreg.gather [hbm4b:s9+s4], $0x80, v13, vm0, $0xb8;
	[tilespmem:$0x10800] =	vst v63  }
0x62: {  	s16 =	simm.s32 $0xA000  }
0x63: {  	[tilespmem:s16], [sflag:$0x2] =	stream.indirect_vreg.gather [hbm4b:s10+s4], $0x80, v13, vm0, $0xb8;
	[tilespmem:$0x10800] =	vst v63  }
0x64: {  	s18 =	simm.s32 $0xA800  }
0x65: {  	[tilespmem:s18], [sflag:$0x2] =	stream.indirect_vreg.gather [hbm4b:s11+s4], $0x80, v13, vm0, $0xb8;
	[tilespmem:$0x10800] =	vst v63  }
0x66: {  	s21 =	simm.s32 $0xB000;
	v12 =	vperm.xlane v12, v9  }
0x67: {  	[tilespmem:s21], [sflag:$0x2] =	stream.indirect_vreg.gather [hbm4b:s12+s4], $0x80, v13, vm0, $0xb8;
	[tilespmem:$0x10800] =	vst v63  }
0x68: {  	s23 =	simm.s32 $0xB800;
	v12 =	vadd.s32 v8, v12  }
0x69: {  	[tilespmem:s23], [sflag:$0x2] =	stream.indirect_vreg.gather [hbm4b:s13+s4], $0x80, v13, vm0, $0xb8;
	[tilespmem:$0x10800] =	vst v63  }
0x6a: {  	s25 =	simm.s32 $0xC000  }
0x6b: {  	[tilespmem:s25], [sflag:$0x2] =	stream.indirect_vreg.gather [hbm4b:s14+s4], $0x80, v13, vm0, $0xb8;
	[tilespmem:$0x10800] =	vst v63  }
0x6c: {  	s30 =	simm.s32 $0xC800  }
0x6d: {  	[tilespmem:s30], [sflag:$0x2] =	stream.indirect_vreg.gather [hbm4b:s2+s4], $0x80, v12, vm0, $0xb8;
	[tilespmem:$0x10800] =	vst v63  }
0x6e: {  	s0 =	simm.s32 $0xD000  }
0x6f: {  	[tilespmem:s0], [sflag:$0x2] =	stream.indirect_vreg.gather [hbm4b:s8+s4], $0x80, v12, vm0, $0xb8;
	[tilespmem:$0x10800] =	vst v63  }
0x70: {  	s1 =	simm.s32 $0xD800  }
0x71: {  	[tilespmem:s1], [sflag:$0x2] =	stream.indirect_vreg.gather [hbm4b:s9+s4], $0x80, v12, vm0, $0xb8;
	[tilespmem:$0x10800] =	vst v63  }
0x72: {  	s3 =	simm.s32 $0xE000  }
0x73: {  	[tilespmem:s3], [sflag:$0x2] =	stream.indirect_vreg.gather [hbm4b:s10+s4], $0x80, v12, vm0, $0xb8;
	[tilespmem:$0x10800] =	vst v63  }
0x74: {  	s16 =	simm.s32 $0xE800  }
0x75: {  	[tilespmem:s16], [sflag:$0x2] =	stream.indirect_vreg.gather [hbm4b:s11+s4], $0x80, v12, vm0, $0xb8;
	[tilespmem:$0x10800] =	vst v63  }
0x76: {  	s18 =	simm.s32 $0xF000  }
0x77: {  	[tilespmem:s18], [sflag:$0x2] =	stream.indirect_vreg.gather [hbm4b:s12+s4], $0x80, v12, vm0, $0xb8;
	[tilespmem:$0x10800] =	vst v63  }
0x78: {  	s21 =	simm.s32 $0xF800  }
0x79: {  	[tilespmem:s21], [sflag:$0x2] =	stream.indirect_vreg.gather [hbm4b:s13+s4], $0x80, v12, vm0, $0xb8;
	[tilespmem:$0x10800] =	vst v63  }
0x7a: {  	s23 =	simm.s32 $0x10000;
	s0 =	simm.s32 $0x1  }
0x7b: {  	[tilespmem:s23], [sflag:$0x2] =	stream.indirect_vreg.gather [hbm4b:s14+s4], $0x80, v12, vm0, $0xb8;
	[tilespmem:$0x10800] =	vst v63  }
0x7c: {  	_ =	swait.ge [sflag:s0], $0x8000  }
0x7d: {  	[sflag:s0] =	ssyncset.done $0x0  }
0x7e: {  	s25 =	rddreg [dreg:$0x6];
	[sflag:s0] =	ssyncadd.s32 $0xFFFF8000  }
0x7f: {  	[hbm4b:s25+s4] =	stream.linear.scatter [tilespmem:s19], [sflag:$0x3], $0x8000, $0x38;
	[tilespmem:$0x10800] =	vst v63  }
0x80: {  	_ =	swait.ge [sflag:s24], $0x8000  }
0x81: {  	[sflag:s24] =	ssyncset.done $0x0  }
0x82: {  	[sflag:s24] =	ssyncadd.s32 $0xFFFF8000  }
0x83: {  	v34 =	vld [tilespmem:s7+$0x20];
	_ =	sdelay $0x4  }
0x84: {  	v35 =	vshll.u32 v34, $0x4  }
0x85: {  	v12 =	vand.u32 $0x7, v34;
	v13 =	vand.u32 $0xFFFFFF80, v35  }
0x86: {  	v12 =	vor.u32 v12, v13  }
0x87: {  	v13 =	vperm.xlane v12, v7;
	_ =	sdelay $0x1  }
0x88: {  	v13 =	vadd.s32 v8, v13;
	_ =	sdelay $0x4  }
0x89: {  	[tilespmem:s19], [sflag:$0x1] =	stream.indirect_vreg.gather [hbm4b:s2+s4], $0x80, v13, vm0, $0xb8;
	[tilespmem:$0x10800] =	vst v63  }
0x8a: {  	s1 =	simm.s32 $0x1000  }
0x8b: {  	[tilespmem:s1], [sflag:$0x1] =	stream.indirect_vreg.gather [hbm4b:s8+s4], $0x80, v13, vm0, $0xb8;
	[tilespmem:$0x10800] =	vst v63  }
0x8c: {  	s3 =	simm.s32 $0x1800  }
0x8d: {  	[tilespmem:s3], [sflag:$0x1] =	stream.indirect_vreg.gather [hbm4b:s9+s4], $0x80, v13, vm0, $0xb8;
	[tilespmem:$0x10800] =	vst v63  }
0x8e: {  	s25 =	simm.s32 $0x2000  }
0x8f: {  	[tilespmem:s25], [sflag:$0x1] =	stream.indirect_vreg.gather [hbm4b:s10+s4], $0x80, v13, vm0, $0xb8;
	[tilespmem:$0x10800] =	vst v63  }
0x90: {  	s6 =	simm.s32 $0x2800  }
0x91: {  	[tilespmem:s6], [sflag:$0x1] =	stream.indirect_vreg.gather [hbm4b:s11+s4], $0x80, v13, vm0, $0xb8;
	[tilespmem:$0x10800] =	vst v63  }
0x92: {  	s15 =	simm.s32 $0x3000;
	v12 =	vperm.xlane v12, v9  }
0x93: {  	[tilespmem:s15], [sflag:$0x1] =	stream.indirect_vreg.gather [hbm4b:s12+s4], $0x80, v13, vm0, $0xb8;
	[tilespmem:$0x10800] =	vst v63  }
0x94: {  	s21 =	simm.s32 $0x3800;
	v12 =	vadd.s32 v8, v12  }
0x95: {  	[tilespmem:s21], [sflag:$0x1] =	stream.indirect_vreg.gather [hbm4b:s13+s4], $0x80, v13, vm0, $0xb8;
	[tilespmem:$0x10800] =	vst v63  }
0x96: {  	s23 =	simm.s32 $0x4000  }
0x97: {  	[tilespmem:s23], [sflag:$0x1] =	stream.indirect_vreg.gather [hbm4b:s14+s4], $0x80, v13, vm0, $0xb8;
	[tilespmem:$0x10800] =	vst v63  }
0x98: {  	s15 =	simm.s32 $0x4800  }
0x99: {  	[tilespmem:s15], [sflag:$0x1] =	stream.indirect_vreg.gather [hbm4b:s2+s4], $0x80, v12, vm0, $0xb8;
	[tilespmem:$0x10800] =	vst v63  }
0x9a: {  	s16 =	simm.s32 $0x5000  }
0x9b: {  	[tilespmem:s16], [sflag:$0x1] =	stream.indirect_vreg.gather [hbm4b:s8+s4], $0x80, v12, vm0, $0xb8;
	[tilespmem:$0x10800] =	vst v63  }
0x9c: {  	s18 =	simm.s32 $0x5800  }
0x9d: {  	[tilespmem:s18], [sflag:$0x1] =	stream.indirect_vreg.gather [hbm4b:s9+s4], $0x80, v12, vm0, $0xb8;
	[tilespmem:$0x10800] =	vst v63  }
0x9e: {  	s6 =	simm.s32 $0x6000  }
0x9f: {  	[tilespmem:s6], [sflag:$0x1] =	stream.indirect_vreg.gather [hbm4b:s10+s4], $0x80, v12, vm0, $0xb8;
	[tilespmem:$0x10800] =	vst v63  }
0xa0: {  	s22 =	simm.s32 $0x6800  }
0xa1: {  	[tilespmem:s22], [sflag:$0x1] =	stream.indirect_vreg.gather [hbm4b:s11+s4], $0x80, v12, vm0, $0xb8;
	[tilespmem:$0x10800] =	vst v63  }
0xa2: {  	s28 =	simm.s32 $0x7000  }
0xa3: {  	[tilespmem:s28], [sflag:$0x1] =	stream.indirect_vreg.gather [hbm4b:s12+s4], $0x80, v12, vm0, $0xb8;
	[tilespmem:$0x10800] =	vst v63  }
0xa4: {  	s22 =	simm.s32 $0x7800  }
0xa5: {  	[tilespmem:s22], [sflag:$0x1] =	stream.indirect_vreg.gather [hbm4b:s13+s4], $0x80, v12, vm0, $0xb8;
	[tilespmem:$0x10800] =	vst v63  }
0xa6: {  	s26 =	simm.s32 $0x8000  }
0xa7: {  	[tilespmem:s26], [sflag:$0x1] =	stream.indirect_vreg.gather [hbm4b:s14+s4], $0x80, v12, vm0, $0xb8;
	[tilespmem:$0x10800] =	vst v63  }
0xa8: {  	_ =	swait.ge [sflag:s17], $0x8000  }
0xa9: {  	[sflag:s17] =	ssyncset.done $0x0  }
0xaa: {  	s28 =	rddreg [dreg:$0x7];
	[sflag:s17] =	ssyncadd.s32 $0xFFFF8000  }
0xab: {  	[hbm4b:s28+s4] =	stream.linear.scatter [tilespmem:s5], [sflag:$0x3], $0x8000, $0x38;
	[tilespmem:$0x10800] =	vst v63  }
0xac: {  	_ =	swait.ge [sflag:s24], $0x8000  }
0xad: {  	[sflag:s24] =	ssyncset.done $0x0  }
0xae: {  	[sflag:s24] =	ssyncadd.s32 $0xFFFF8000  }
0xaf: {  	v36 =	vld [tilespmem:s7+$0x30];
	_ =	sdelay $0x4  }
0xb0: {  	v37 =	vshll.u32 v36, $0x4  }
0xb1: {  	v12 =	vand.u32 $0x7, v36;
	v13 =	vand.u32 $0xFFFFFF80, v37  }
0xb2: {  	v12 =	vor.u32 v12, v13  }
0xb3: {  	v13 =	vperm.xlane v12, v7;
	_ =	sdelay $0x1  }
0xb4: {  	v13 =	vadd.s32 v8, v13;
	_ =	sdelay $0x4  }
0xb5: {  	[tilespmem:s5], [sflag:$0x2] =	stream.indirect_vreg.gather [hbm4b:s2+s4], $0x80, v13, vm0, $0xb8;
	[tilespmem:$0x10800] =	vst v63  }
0xb6: {  	s28 =	simm.s32 $0x9000  }
0xb7: {  	[tilespmem:s28], [sflag:$0x2] =	stream.indirect_vreg.gather [hbm4b:s8+s4], $0x80, v13, vm0, $0xb8;
	[tilespmem:$0x10800] =	vst v63  }
0xb8: {  	s20 =	simm.s32 $0x9800  }
0xb9: {  	[tilespmem:s20], [sflag:$0x2] =	stream.indirect_vreg.gather [hbm4b:s9+s4], $0x80, v13, vm0, $0xb8;
	[tilespmem:$0x10800] =	vst v63  }
0xba: {  	s20 =	simm.s32 $0xA000  }
0xbb: {  	[tilespmem:s20], [sflag:$0x2] =	stream.indirect_vreg.gather [hbm4b:s10+s4], $0x80, v13, vm0, $0xb8;
	[tilespmem:$0x10800] =	vst v63  }
0xbc: {  	s31 =	simm.s32 $0xA800  }
0xbd: {  	[tilespmem:s31], [sflag:$0x2] =	stream.indirect_vreg.gather [hbm4b:s11+s4], $0x80, v13, vm0, $0xb8;
	[tilespmem:$0x10800] =	vst v63  }
0xbe: {  	s29 =	simm.s32 $0xB000;
	v12 =	vperm.xlane v12, v9  }
0xbf: {  	[tilespmem:s29], [sflag:$0x2] =	stream.indirect_vreg.gather [hbm4b:s12+s4], $0x80, v13, vm0, $0xb8;
	[tilespmem:$0x10800] =	vst v63  }
0xc0: {  	v12 =	vadd.s32 v8, v12;
	s31 =	simm.s32 $0xB800  }
0xc1: {  	[tilespmem:s31], [sflag:$0x2] =	stream.indirect_vreg.gather [hbm4b:s13+s4], $0x80, v13, vm0, $0xb8;
	[tilespmem:$0x10800] =	vst v63  }
0xc2: {  	s29 =	simm.s32 $0xC000  }
0xc3: {  	[tilespmem:s29], [sflag:$0x2] =	stream.indirect_vreg.gather [hbm4b:s14+s4], $0x80, v13, vm0, $0xb8;
	[tilespmem:$0x10800] =	vst v63  }
0xc4: {  	s20 =	simm.s32 $0xC800  }
0xc5: {  	[tilespmem:s20], [sflag:$0x2] =	stream.indirect_vreg.gather [hbm4b:s2+s4], $0x80, v12, vm0, $0xb8;
	[tilespmem:$0x10800] =	vst v63  }
0xc6: {  	s20 =	simm.s32 $0xD000  }
0xc7: {  	[tilespmem:s20], [sflag:$0x2] =	stream.indirect_vreg.gather [hbm4b:s8+s4], $0x80, v12, vm0, $0xb8;
	[tilespmem:$0x10800] =	vst v63  }
0xc8: {  	s20 =	simm.s32 $0xD800  }
0xc9: {  	[tilespmem:s20], [sflag:$0x2] =	stream.indirect_vreg.gather [hbm4b:s9+s4], $0x80, v12, vm0, $0xb8;
	[tilespmem:$0x10800] =	vst v63  }
0xca: {  	s20 =	simm.s32 $0xE000  }
0xcb: {  	[tilespmem:s20], [sflag:$0x2] =	stream.indirect_vreg.gather [hbm4b:s10+s4], $0x80, v12, vm0, $0xb8;
	[tilespmem:$0x10800] =	vst v63  }
0xcc: {  	s20 =	simm.s32 $0xE800  }
0xcd: {  	[tilespmem:s20], [sflag:$0x2] =	stream.indirect_vreg.gather [hbm4b:s11+s4], $0x80, v12, vm0, $0xb8;
	[tilespmem:$0x10800] =	vst v63  }
0xce: {  	s20 =	simm.s32 $0xF000  }
0xcf: {  	[tilespmem:s20], [sflag:$0x2] =	stream.indirect_vreg.gather [hbm4b:s12+s4], $0x80, v12, vm0, $0xb8;
	[tilespmem:$0x10800] =	vst v63  }
0xd0: {  	s20 =	simm.s32 $0xF800  }
0xd1: {  	[tilespmem:s20], [sflag:$0x2] =	stream.indirect_vreg.gather [hbm4b:s13+s4], $0x80, v12, vm0, $0xb8;
	[tilespmem:$0x10800] =	vst v63  }
0xd2: {  	s30 =	simm.s32 $0x10000  }
0xd3: {  	[tilespmem:s30], [sflag:$0x2] =	stream.indirect_vreg.gather [hbm4b:s14+s4], $0x80, v12, vm0, $0xb8;
	[tilespmem:$0x10800] =	vst v63  }
0xd4: {  	_ =	swait.ge [sflag:s0], $0x8000  }
0xd5: {  	[sflag:s0] =	ssyncset.done $0x0  }
0xd6: {  	s20 =	rddreg [dreg:$0x8];
	[sflag:s0] =	ssyncadd.s32 $0xFFFF8000  }
0xd7: {  	[hbm4b:s20+s4] =	stream.linear.scatter [tilespmem:s19], [sflag:$0x3], $0x8000, $0x38;
	[tilespmem:$0x10800] =	vst v63  }
0xd8: {  	_ =	swait.ge [sflag:s24], $0x8000  }
0xd9: {  	[sflag:s24] =	ssyncset.done $0x0  }
0xda: {  	[sflag:s24] =	ssyncadd.s32 $0xFFFF8000  }
0xdb: {  	v38 =	vld [tilespmem:s7+$0x40];
	_ =	sdelay $0x4  }
0xdc: {  	v39 =	vshll.u32 v38, $0x4  }
0xdd: {  	v12 =	vand.u32 $0x7, v38;
	v13 =	vand.u32 $0xFFFFFF80, v39  }
0xde: {  	v12 =	vor.u32 v12, v13  }
0xdf: {  	v13 =	vperm.xlane v12, v7;
	_ =	sdelay $0x1  }
0xe0: {  	v13 =	vadd.s32 v8, v13;
	_ =	sdelay $0x4  }
0xe1: {  	[tilespmem:s19], [sflag:$0x1] =	stream.indirect_vreg.gather [hbm4b:s2+s4], $0x80, v13, vm0, $0xb8;
	[tilespmem:$0x10800] =	vst v63  }
0xe2: {  	_ = 	snop  }
0xe3: {  	[tilespmem:s1], [sflag:$0x1] =	stream.indirect_vreg.gather [hbm4b:s8+s4], $0x80, v13, vm0, $0xb8;
	[tilespmem:$0x10800] =	vst v63  }
0xe4: {  	_ = 	snop  }
0xe5: {  	[tilespmem:s3], [sflag:$0x1] =	stream.indirect_vreg.gather [hbm4b:s9+s4], $0x80, v13, vm0, $0xb8;
	[tilespmem:$0x10800] =	vst v63  }
0xe6: {  	_ = 	snop  }
0xe7: {  	[tilespmem:s25], [sflag:$0x1] =	stream.indirect_vreg.gather [hbm4b:s10+s4], $0x80, v13, vm0, $0xb8;
	[tilespmem:$0x10800] =	vst v63  }
0xe8: {  	s20 =	simm.s32 $0x2800  }
0xe9: {  	[tilespmem:s20], [sflag:$0x1] =	stream.indirect_vreg.gather [hbm4b:s11+s4], $0x80, v13, vm0, $0xb8;
	[tilespmem:$0x10800] =	vst v63  }
0xea: {  	v12 =	vperm.xlane v12, v9;
	s20 =	simm.s32 $0x3000  }
0xeb: {  	[tilespmem:s20], [sflag:$0x1] =	stream.indirect_vreg.gather [hbm4b:s12+s4], $0x80, v13, vm0, $0xb8;
	[tilespmem:$0x10800] =	vst v63  }
0xec: {  	v12 =	vadd.s32 v8, v12  }
0xed: {  	[tilespmem:s21], [sflag:$0x1] =	stream.indirect_vreg.gather [hbm4b:s13+s4], $0x80, v13, vm0, $0xb8;
	[tilespmem:$0x10800] =	vst v63  }
0xee: {  	_ = 	snop  }
0xef: {  	[tilespmem:s23], [sflag:$0x1] =	stream.indirect_vreg.gather [hbm4b:s14+s4], $0x80, v13, vm0, $0xb8;
	[tilespmem:$0x10800] =	vst v63  }
0xf0: {  	_ = 	snop  }
0xf1: {  	[tilespmem:s15], [sflag:$0x1] =	stream.indirect_vreg.gather [hbm4b:s2+s4], $0x80, v12, vm0, $0xb8;
	[tilespmem:$0x10800] =	vst v63  }
0xf2: {  	_ = 	snop  }
0xf3: {  	[tilespmem:s16], [sflag:$0x1] =	stream.indirect_vreg.gather [hbm4b:s8+s4], $0x80, v12, vm0, $0xb8;
	[tilespmem:$0x10800] =	vst v63  }
0xf4: {  	_ = 	snop  }
0xf5: {  	[tilespmem:s18], [sflag:$0x1] =	stream.indirect_vreg.gather [hbm4b:s9+s4], $0x80, v12, vm0, $0xb8;
	[tilespmem:$0x10800] =	vst v63  }
0xf6: {  	_ = 	snop  }
0xf7: {  	[tilespmem:s6], [sflag:$0x1] =	stream.indirect_vreg.gather [hbm4b:s10+s4], $0x80, v12, vm0, $0xb8;
	[tilespmem:$0x10800] =	vst v63  }
0xf8: {  	s20 =	simm.s32 $0x6800  }
0xf9: {  	[tilespmem:s20], [sflag:$0x1] =	stream.indirect_vreg.gather [hbm4b:s11+s4], $0x80, v12, vm0, $0xb8;
	[tilespmem:$0x10800] =	vst v63  }
0xfa: {  	s20 =	simm.s32 $0x7000  }
0xfb: {  	[tilespmem:s20], [sflag:$0x1] =	stream.indirect_vreg.gather [hbm4b:s12+s4], $0x80, v12, vm0, $0xb8;
	[tilespmem:$0x10800] =	vst v63  }
0xfc: {  	_ = 	snop  }
0xfd: {  	[tilespmem:s22], [sflag:$0x1] =	stream.indirect_vreg.gather [hbm4b:s13+s4], $0x80, v12, vm0, $0xb8;
	[tilespmem:$0x10800] =	vst v63  }
0xfe: {  	s26 =	simm.s32 $0x8000  }
0xff: {  	[tilespmem:s26], [sflag:$0x1] =	stream.indirect_vreg.gather [hbm4b:s14+s4], $0x80, v12, vm0, $0xb8;
	[tilespmem:$0x10800] =	vst v63  }
0x100: {  	_ =	swait.ge [sflag:s17], $0x8000  }
0x101: {  	[sflag:s17] =	ssyncset.done $0x0  }
0x102: {  	s26 =	rddreg [dreg:$0x9];
	[sflag:s17] =	ssyncadd.s32 $0xFFFF8000  }
0x103: {  	[hbm4b:s26+s4] =	stream.linear.scatter [tilespmem:s5], [sflag:$0x3], $0x8000, $0x38;
	[tilespmem:$0x10800] =	vst v63  }
0x104: {  	_ =	swait.ge [sflag:s24], $0x8000  }
0x105: {  	[sflag:s24] =	ssyncset.done $0x0  }
0x106: {  	[sflag:s24] =	ssyncadd.s32 $0xFFFF8000  }
0x107: {  	v40 =	vld [tilespmem:s7+$0x50];
	_ =	sdelay $0x4  }
0x108: {  	v41 =	vshll.u32 v40, $0x4  }
0x109: {  	v12 =	vand.u32 $0x7, v40;
	v13 =	vand.u32 $0xFFFFFF80, v41  }
0x10a: {  	v12 =	vor.u32 v12, v13  }
0x10b: {  	v13 =	vperm.xlane v12, v7;
	_ =	sdelay $0x1  }
0x10c: {  	v13 =	vadd.s32 v8, v13;
	_ =	sdelay $0x4  }
0x10d: {  	[tilespmem:s5], [sflag:$0x2] =	stream.indirect_vreg.gather [hbm4b:s2+s4], $0x80, v13, vm0, $0xb8;
	[tilespmem:$0x10800] =	vst v63  }
0x10e: {  	s28 =	simm.s32 $0x9000  }
0x10f: {  	[tilespmem:s28], [sflag:$0x2] =	stream.indirect_vreg.gather [hbm4b:s8+s4], $0x80, v13, vm0, $0xb8;
	[tilespmem:$0x10800] =	vst v63  }
0x110: {  	s28 =	simm.s32 $0x9800  }
0x111: {  	[tilespmem:s28], [sflag:$0x2] =	stream.indirect_vreg.gather [hbm4b:s9+s4], $0x80, v13, vm0, $0xb8;
	[tilespmem:$0x10800] =	vst v63  }
0x112: {  	s20 =	simm.s32 $0xA000  }
0x113: {  	[tilespmem:s20], [sflag:$0x2] =	stream.indirect_vreg.gather [hbm4b:s10+s4], $0x80, v13, vm0, $0xb8;
	[tilespmem:$0x10800] =	vst v63  }
0x114: {  	s20 =	simm.s32 $0xA800  }
0x115: {  	[tilespmem:s20], [sflag:$0x2] =	stream.indirect_vreg.gather [hbm4b:s11+s4], $0x80, v13, vm0, $0xb8;
	[tilespmem:$0x10800] =	vst v63  }
0x116: {  	v12 =	vperm.xlane v12, v9;
	s20 =	simm.s32 $0xB000  }
0x117: {  	[tilespmem:s20], [sflag:$0x2] =	stream.indirect_vreg.gather [hbm4b:s12+s4], $0x80, v13, vm0, $0xb8;
	[tilespmem:$0x10800] =	vst v63  }
0x118: {  	s31 =	simm.s32 $0xB800;
	v12 =	vadd.s32 v8, v12  }
0x119: {  	[tilespmem:s31], [sflag:$0x2] =	stream.indirect_vreg.gather [hbm4b:s13+s4], $0x80, v13, vm0, $0xb8;
	[tilespmem:$0x10800] =	vst v63  }
0x11a: {  	s29 =	simm.s32 $0xC000  }
0x11b: {  	[tilespmem:s29], [sflag:$0x2] =	stream.indirect_vreg.gather [hbm4b:s14+s4], $0x80, v13, vm0, $0xb8;
	[tilespmem:$0x10800] =	vst v63  }
0x11c: {  	s20 =	simm.s32 $0xC800  }
0x11d: {  	[tilespmem:s20], [sflag:$0x2] =	stream.indirect_vreg.gather [hbm4b:s2+s4], $0x80, v12, vm0, $0xb8;
	[tilespmem:$0x10800] =	vst v63  }
0x11e: {  	s20 =	simm.s32 $0xD000  }
0x11f: {  	[tilespmem:s20], [sflag:$0x2] =	stream.indirect_vreg.gather [hbm4b:s8+s4], $0x80, v12, vm0, $0xb8;
	[tilespmem:$0x10800] =	vst v63  }
0x120: {  	s20 =	simm.s32 $0xD800  }
0x121: {  	[tilespmem:s20], [sflag:$0x2] =	stream.indirect_vreg.gather [hbm4b:s9+s4], $0x80, v12, vm0, $0xb8;
	[tilespmem:$0x10800] =	vst v63  }
0x122: {  	s20 =	simm.s32 $0xE000  }
0x123: {  	[tilespmem:s20], [sflag:$0x2] =	stream.indirect_vreg.gather [hbm4b:s10+s4], $0x80, v12, vm0, $0xb8;
	[tilespmem:$0x10800] =	vst v63  }
0x124: {  	s20 =	simm.s32 $0xE800  }
0x125: {  	[tilespmem:s20], [sflag:$0x2] =	stream.indirect_vreg.gather [hbm4b:s11+s4], $0x80, v12, vm0, $0xb8;
	[tilespmem:$0x10800] =	vst v63  }
0x126: {  	s20 =	simm.s32 $0xF000  }
0x127: {  	[tilespmem:s20], [sflag:$0x2] =	stream.indirect_vreg.gather [hbm4b:s12+s4], $0x80, v12, vm0, $0xb8;
	[tilespmem:$0x10800] =	vst v63  }
0x128: {  	s20 =	simm.s32 $0xF800  }
0x129: {  	[tilespmem:s20], [sflag:$0x2] =	stream.indirect_vreg.gather [hbm4b:s13+s4], $0x80, v12, vm0, $0xb8;
	[tilespmem:$0x10800] =	vst v63  }
0x12a: {  	s30 =	simm.s32 $0x10000  }
0x12b: {  	[tilespmem:s30], [sflag:$0x2] =	stream.indirect_vreg.gather [hbm4b:s14+s4], $0x80, v12, vm0, $0xb8;
	[tilespmem:$0x10800] =	vst v63  }
0x12c: {  	_ =	swait.ge [sflag:s0], $0x8000  }
0x12d: {  	[sflag:s0] =	ssyncset.done $0x0  }
0x12e: {  	s20 =	rddreg [dreg:$0xa];
	[sflag:s0] =	ssyncadd.s32 $0xFFFF8000  }
0x12f: {  	[hbm4b:s20+s4] =	stream.linear.scatter [tilespmem:s19], [sflag:$0x3], $0x8000, $0x38;
	[tilespmem:$0x10800] =	vst v63  }
0x130: {  	_ =	swait.ge [sflag:s24], $0x8000  }
0x131: {  	[sflag:s24] =	ssyncset.done $0x0  }
0x132: {  	[sflag:s24] =	ssyncadd.s32 $0xFFFF8000  }
0x133: {  	v42 =	vld [tilespmem:s7+$0x60];
	_ =	sdelay $0x4  }
0x134: {  	v43 =	vshll.u32 v42, $0x4  }
0x135: {  	v12 =	vand.u32 $0x7, v42;
	v13 =	vand.u32 $0xFFFFFF80, v43  }
0x136: {  	v12 =	vor.u32 v12, v13  }
0x137: {  	v13 =	vperm.xlane v12, v7;
	_ =	sdelay $0x1  }
0x138: {  	v13 =	vadd.s32 v8, v13;
	_ =	sdelay $0x4  }
0x139: {  	[tilespmem:s19], [sflag:$0x1] =	stream.indirect_vreg.gather [hbm4b:s2+s4], $0x80, v13, vm0, $0xb8;
	[tilespmem:$0x10800] =	vst v63  }
0x13a: {  	s20 =	simm.s32 $0x1000  }
0x13b: {  	[tilespmem:s20], [sflag:$0x1] =	stream.indirect_vreg.gather [hbm4b:s8+s4], $0x80, v13, vm0, $0xb8;
	[tilespmem:$0x10800] =	vst v63  }
0x13c: {  	s1 =	simm.s32 $0x1800  }
0x13d: {  	[tilespmem:s1], [sflag:$0x1] =	stream.indirect_vreg.gather [hbm4b:s9+s4], $0x80, v13, vm0, $0xb8;
	[tilespmem:$0x10800] =	vst v63  }
0x13e: {  	s25 =	simm.s32 $0x2000  }
0x13f: {  	[tilespmem:s25], [sflag:$0x1] =	stream.indirect_vreg.gather [hbm4b:s10+s4], $0x80, v13, vm0, $0xb8;
	[tilespmem:$0x10800] =	vst v63  }
0x140: {  	s20 =	simm.s32 $0x2800  }
0x141: {  	[tilespmem:s20], [sflag:$0x1] =	stream.indirect_vreg.gather [hbm4b:s11+s4], $0x80, v13, vm0, $0xb8;
	[tilespmem:$0x10800] =	vst v63  }
0x142: {  	v12 =	vperm.xlane v12, v9;
	s20 =	simm.s32 $0x3000  }
0x143: {  	[tilespmem:s20], [sflag:$0x1] =	stream.indirect_vreg.gather [hbm4b:s12+s4], $0x80, v13, vm0, $0xb8;
	[tilespmem:$0x10800] =	vst v63  }
0x144: {  	s21 =	simm.s32 $0x3800;
	v12 =	vadd.s32 v8, v12  }
0x145: {  	[tilespmem:s21], [sflag:$0x1] =	stream.indirect_vreg.gather [hbm4b:s13+s4], $0x80, v13, vm0, $0xb8;
	[tilespmem:$0x10800] =	vst v63  }
0x146: {  	s23 =	simm.s32 $0x4000  }
0x147: {  	[tilespmem:s23], [sflag:$0x1] =	stream.indirect_vreg.gather [hbm4b:s14+s4], $0x80, v13, vm0, $0xb8;
	[tilespmem:$0x10800] =	vst v63  }
0x148: {  	s15 =	simm.s32 $0x4800  }
0x149: {  	[tilespmem:s15], [sflag:$0x1] =	stream.indirect_vreg.gather [hbm4b:s2+s4], $0x80, v12, vm0, $0xb8;
	[tilespmem:$0x10800] =	vst v63  }
0x14a: {  	s16 =	simm.s32 $0x5000  }
0x14b: {  	[tilespmem:s16], [sflag:$0x1] =	stream.indirect_vreg.gather [hbm4b:s8+s4], $0x80, v12, vm0, $0xb8;
	[tilespmem:$0x10800] =	vst v63  }
0x14c: {  	s18 =	simm.s32 $0x5800  }
0x14d: {  	[tilespmem:s18], [sflag:$0x1] =	stream.indirect_vreg.gather [hbm4b:s9+s4], $0x80, v12, vm0, $0xb8;
	[tilespmem:$0x10800] =	vst v63  }
0x14e: {  	s6 =	simm.s32 $0x6000  }
0x14f: {  	[tilespmem:s6], [sflag:$0x1] =	stream.indirect_vreg.gather [hbm4b:s10+s4], $0x80, v12, vm0, $0xb8;
	[tilespmem:$0x10800] =	vst v63  }
0x150: {  	s20 =	simm.s32 $0x6800  }
0x151: {  	[tilespmem:s20], [sflag:$0x1] =	stream.indirect_vreg.gather [hbm4b:s11+s4], $0x80, v12, vm0, $0xb8;
	[tilespmem:$0x10800] =	vst v63  }
0x152: {  	s20 =	simm.s32 $0x7000  }
0x153: {  	[tilespmem:s20], [sflag:$0x1] =	stream.indirect_vreg.gather [hbm4b:s12+s4], $0x80, v12, vm0, $0xb8;
	[tilespmem:$0x10800] =	vst v63  }
0x154: {  	s3 =	simm.s32 $0x7800  }
0x155: {  	[tilespmem:s3], [sflag:$0x1] =	stream.indirect_vreg.gather [hbm4b:s13+s4], $0x80, v12, vm0, $0xb8;
	[tilespmem:$0x10800] =	vst v63  }
0x156: {  	s22 =	simm.s32 $0x8000  }
0x157: {  	[tilespmem:s22], [sflag:$0x1] =	stream.indirect_vreg.gather [hbm4b:s14+s4], $0x80, v12, vm0, $0xb8;
	[tilespmem:$0x10800] =	vst v63  }
0x158: {  	_ =	swait.ge [sflag:s17], $0x8000  }
0x159: {  	[sflag:s17] =	ssyncset.done $0x0  }
0x15a: {  	s20 =	rddreg [dreg:$0xb];
	[sflag:s17] =	ssyncadd.s32 $0xFFFF8000  }
0x15b: {  	[hbm4b:s20+s4] =	stream.linear.scatter [tilespmem:s5], [sflag:$0x3], $0x8000, $0x38;
	[tilespmem:$0x10800] =	vst v63  }
0x15c: {  	_ =	swait.ge [sflag:s24], $0x8000  }
0x15d: {  	[sflag:s24] =	ssyncset.done $0x0  }
0x15e: {  	[sflag:s24] =	ssyncadd.s32 $0xFFFF8000  }
0x15f: {  	v44 =	vld [tilespmem:s7+$0x70];
	_ =	sdelay $0x4  }
0x160: {  	v45 =	vshll.u32 v44, $0x4  }
0x161: {  	v12 =	vand.u32 $0x7, v44;
	v13 =	vand.u32 $0xFFFFFF80, v45  }
0x162: {  	v12 =	vor.u32 v12, v13  }
0x163: {  	v13 =	vperm.xlane v12, v7;
	_ =	sdelay $0x1  }
0x164: {  	v13 =	vadd.s32 v8, v13;
	_ =	sdelay $0x4  }
0x165: {  	[tilespmem:s5], [sflag:$0x2] =	stream.indirect_vreg.gather [hbm4b:s2+s4], $0x80, v13, vm0, $0xb8;
	[tilespmem:$0x10800] =	vst v63  }
0x166: {  	s26 =	simm.s32 $0x9000  }
0x167: {  	[tilespmem:s26], [sflag:$0x2] =	stream.indirect_vreg.gather [hbm4b:s8+s4], $0x80, v13, vm0, $0xb8;
	[tilespmem:$0x10800] =	vst v63  }
0x168: {  	s28 =	simm.s32 $0x9800  }
0x169: {  	[tilespmem:s28], [sflag:$0x2] =	stream.indirect_vreg.gather [hbm4b:s9+s4], $0x80, v13, vm0, $0xb8;
	[tilespmem:$0x10800] =	vst v63  }
0x16a: {  	s20 =	simm.s32 $0xA000  }
0x16b: {  	[tilespmem:s20], [sflag:$0x2] =	stream.indirect_vreg.gather [hbm4b:s10+s4], $0x80, v13, vm0, $0xb8;
	[tilespmem:$0x10800] =	vst v63  }
0x16c: {  	s20 =	simm.s32 $0xA800  }
0x16d: {  	[tilespmem:s20], [sflag:$0x2] =	stream.indirect_vreg.gather [hbm4b:s11+s4], $0x80, v13, vm0, $0xb8;
	[tilespmem:$0x10800] =	vst v63  }
0x16e: {  	v12 =	vperm.xlane v12, v9;
	s20 =	simm.s32 $0xB000  }
0x16f: {  	[tilespmem:s20], [sflag:$0x2] =	stream.indirect_vreg.gather [hbm4b:s12+s4], $0x80, v13, vm0, $0xb8;
	[tilespmem:$0x10800] =	vst v63  }
0x170: {  	s31 =	simm.s32 $0xB800;
	v12 =	vadd.s32 v8, v12  }
0x171: {  	[tilespmem:s31], [sflag:$0x2] =	stream.indirect_vreg.gather [hbm4b:s13+s4], $0x80, v13, vm0, $0xb8;
	[tilespmem:$0x10800] =	vst v63  }
0x172: {  	s29 =	simm.s32 $0xC000  }
0x173: {  	[tilespmem:s29], [sflag:$0x2] =	stream.indirect_vreg.gather [hbm4b:s14+s4], $0x80, v13, vm0, $0xb8;
	[tilespmem:$0x10800] =	vst v63  }
0x174: {  	s20 =	simm.s32 $0xC800  }
0x175: {  	[tilespmem:s20], [sflag:$0x2] =	stream.indirect_vreg.gather [hbm4b:s2+s4], $0x80, v12, vm0, $0xb8;
	[tilespmem:$0x10800] =	vst v63  }
0x176: {  	s20 =	simm.s32 $0xD000  }
0x177: {  	[tilespmem:s20], [sflag:$0x2] =	stream.indirect_vreg.gather [hbm4b:s8+s4], $0x80, v12, vm0, $0xb8;
	[tilespmem:$0x10800] =	vst v63  }
0x178: {  	s20 =	simm.s32 $0xD800  }
0x179: {  	[tilespmem:s20], [sflag:$0x2] =	stream.indirect_vreg.gather [hbm4b:s9+s4], $0x80, v12, vm0, $0xb8;
	[tilespmem:$0x10800] =	vst v63  }
0x17a: {  	s20 =	simm.s32 $0xE000  }
0x17b: {  	[tilespmem:s20], [sflag:$0x2] =	stream.indirect_vreg.gather [hbm4b:s10+s4], $0x80, v12, vm0, $0xb8;
	[tilespmem:$0x10800] =	vst v63  }
0x17c: {  	s20 =	simm.s32 $0xE800  }
0x17d: {  	[tilespmem:s20], [sflag:$0x2] =	stream.indirect_vreg.gather [hbm4b:s11+s4], $0x80, v12, vm0, $0xb8;
	[tilespmem:$0x10800] =	vst v63  }
0x17e: {  	s20 =	simm.s32 $0xF000  }
0x17f: {  	[tilespmem:s20], [sflag:$0x2] =	stream.indirect_vreg.gather [hbm4b:s12+s4], $0x80, v12, vm0, $0xb8;
	[tilespmem:$0x10800] =	vst v63  }
0x180: {  	s20 =	simm.s32 $0xF800  }
0x181: {  	[tilespmem:s20], [sflag:$0x2] =	stream.indirect_vreg.gather [hbm4b:s13+s4], $0x80, v12, vm0, $0xb8;
	[tilespmem:$0x10800] =	vst v63  }
0x182: {  	s30 =	simm.s32 $0x10000  }
0x183: {  	[tilespmem:s30], [sflag:$0x2] =	stream.indirect_vreg.gather [hbm4b:s14+s4], $0x80, v12, vm0, $0xb8;
	[tilespmem:$0x10800] =	vst v63  }
0x184: {  	_ =	swait.ge [sflag:s0], $0x8000  }
0x185: {  	[sflag:s0] =	ssyncset.done $0x0  }
0x186: {  	s20 =	rddreg [dreg:$0xd];
	[sflag:s0] =	ssyncadd.s32 $0xFFFF8000  }
0x187: {  	[hbm4b:s20+s4] =	stream.linear.scatter [tilespmem:s19], [sflag:$0x3], $0x8000, $0x38;
	[tilespmem:$0x10800] =	vst v63  }
0x188: {  	_ =	swait.ge [sflag:s24], $0x8000  }
0x189: {  	[sflag:s24] =	ssyncset.done $0x0  }
0x18a: {  	[sflag:s24] =	ssyncadd.s32 $0xFFFF8000  }
0x18b: {  	v46 =	vld [tilespmem:s7+$0x80];
	_ =	sdelay $0x4  }
0x18c: {  	v47 =	vshll.u32 v46, $0x4  }
0x18d: {  	v12 =	vand.u32 $0x7, v46;
	v13 =	vand.u32 $0xFFFFFF80, v47  }
0x18e: {  	v12 =	vor.u32 v12, v13  }
0x18f: {  	v13 =	vperm.xlane v12, v7;
	_ =	sdelay $0x1  }
0x190: {  	v13 =	vadd.s32 v8, v13;
	_ =	sdelay $0x4  }
0x191: {  	[tilespmem:s19], [sflag:$0x1] =	stream.indirect_vreg.gather [hbm4b:s2+s4], $0x80, v13, vm0, $0xb8;
	[tilespmem:$0x10800] =	vst v63  }
0x192: {  	s20 =	simm.s32 $0x1000  }
0x193: {  	[tilespmem:s20], [sflag:$0x1] =	stream.indirect_vreg.gather [hbm4b:s8+s4], $0x80, v13, vm0, $0xb8;
	[tilespmem:$0x10800] =	vst v63  }
0x194: {  	s1 =	simm.s32 $0x1800  }
0x195: {  	[tilespmem:s1], [sflag:$0x1] =	stream.indirect_vreg.gather [hbm4b:s9+s4], $0x80, v13, vm0, $0xb8;
	[tilespmem:$0x10800] =	vst v63  }
0x196: {  	s25 =	simm.s32 $0x2000  }
0x197: {  	[tilespmem:s25], [sflag:$0x1] =	stream.indirect_vreg.gather [hbm4b:s10+s4], $0x80, v13, vm0, $0xb8;
	[tilespmem:$0x10800] =	vst v63  }
0x198: {  	s20 =	simm.s32 $0x2800  }
0x199: {  	[tilespmem:s20], [sflag:$0x1] =	stream.indirect_vreg.gather [hbm4b:s11+s4], $0x80, v13, vm0, $0xb8;
	[tilespmem:$0x10800] =	vst v63  }
0x19a: {  	v12 =	vperm.xlane v12, v9;
	s20 =	simm.s32 $0x3000  }
0x19b: {  	[tilespmem:s20], [sflag:$0x1] =	stream.indirect_vreg.gather [hbm4b:s12+s4], $0x80, v13, vm0, $0xb8;
	[tilespmem:$0x10800] =	vst v63  }
0x19c: {  	s21 =	simm.s32 $0x3800;
	v12 =	vadd.s32 v8, v12  }
0x19d: {  	[tilespmem:s21], [sflag:$0x1] =	stream.indirect_vreg.gather [hbm4b:s13+s4], $0x80, v13, vm0, $0xb8;
	[tilespmem:$0x10800] =	vst v63  }
0x19e: {  	s23 =	simm.s32 $0x4000  }
0x19f: {  	[tilespmem:s23], [sflag:$0x1] =	stream.indirect_vreg.gather [hbm4b:s14+s4], $0x80, v13, vm0, $0xb8;
	[tilespmem:$0x10800] =	vst v63  }
0x1a0: {  	s15 =	simm.s32 $0x4800  }
0x1a1: {  	[tilespmem:s15], [sflag:$0x1] =	stream.indirect_vreg.gather [hbm4b:s2+s4], $0x80, v12, vm0, $0xb8;
	[tilespmem:$0x10800] =	vst v63  }
0x1a2: {  	s16 =	simm.s32 $0x5000  }
0x1a3: {  	[tilespmem:s16], [sflag:$0x1] =	stream.indirect_vreg.gather [hbm4b:s8+s4], $0x80, v12, vm0, $0xb8;
	[tilespmem:$0x10800] =	vst v63  }
0x1a4: {  	s18 =	simm.s32 $0x5800  }
0x1a5: {  	[tilespmem:s18], [sflag:$0x1] =	stream.indirect_vreg.gather [hbm4b:s9+s4], $0x80, v12, vm0, $0xb8;
	[tilespmem:$0x10800] =	vst v63  }
0x1a6: {  	s6 =	simm.s32 $0x6000  }
0x1a7: {  	[tilespmem:s6], [sflag:$0x1] =	stream.indirect_vreg.gather [hbm4b:s10+s4], $0x80, v12, vm0, $0xb8;
	[tilespmem:$0x10800] =	vst v63  }
0x1a8: {  	s20 =	simm.s32 $0x6800  }
0x1a9: {  	[tilespmem:s20], [sflag:$0x1] =	stream.indirect_vreg.gather [hbm4b:s11+s4], $0x80, v12, vm0, $0xb8;
	[tilespmem:$0x10800] =	vst v63  }
0x1aa: {  	s20 =	simm.s32 $0x7000  }
0x1ab: {  	[tilespmem:s20], [sflag:$0x1] =	stream.indirect_vreg.gather [hbm4b:s12+s4], $0x80, v12, vm0, $0xb8;
	[tilespmem:$0x10800] =	vst v63  }
0x1ac: {  	s3 =	simm.s32 $0x7800  }
0x1ad: {  	[tilespmem:s3], [sflag:$0x1] =	stream.indirect_vreg.gather [hbm4b:s13+s4], $0x80, v12, vm0, $0xb8;
	[tilespmem:$0x10800] =	vst v63  }
0x1ae: {  	s22 =	simm.s32 $0x8000  }
0x1af: {  	[tilespmem:s22], [sflag:$0x1] =	stream.indirect_vreg.gather [hbm4b:s14+s4], $0x80, v12, vm0, $0xb8;
	[tilespmem:$0x10800] =	vst v63  }
0x1b0: {  	_ =	swait.ge [sflag:s17], $0x8000  }
0x1b1: {  	[sflag:s17] =	ssyncset.done $0x0  }
0x1b2: {  	s20 =	rddreg [dreg:$0xe];
	[sflag:s17] =	ssyncadd.s32 $0xFFFF8000  }
0x1b3: {  	[hbm4b:s20+s4] =	stream.linear.scatter [tilespmem:s5], [sflag:$0x3], $0x8000, $0x38;
	[tilespmem:$0x10800] =	vst v63  }
0x1b4: {  	_ =	swait.ge [sflag:s24], $0x8000  }
0x1b5: {  	[sflag:s24] =	ssyncset.done $0x0  }
0x1b6: {  	[sflag:s24] =	ssyncadd.s32 $0xFFFF8000  }
0x1b7: {  	v48 =	vld [tilespmem:s7+$0x90];
	_ =	sdelay $0x4  }
0x1b8: {  	v49 =	vshll.u32 v48, $0x4  }
0x1b9: {  	v12 =	vand.u32 $0x7, v48;
	v13 =	vand.u32 $0xFFFFFF80, v49  }
0x1ba: {  	v12 =	vor.u32 v12, v13  }
0x1bb: {  	v13 =	vperm.xlane v12, v7;
	_ =	sdelay $0x1  }
0x1bc: {  	v13 =	vadd.s32 v8, v13;
	_ =	sdelay $0x4  }
0x1bd: {  	[tilespmem:s5], [sflag:$0x2] =	stream.indirect_vreg.gather [hbm4b:s2+s4], $0x80, v13, vm0, $0xb8;
	[tilespmem:$0x10800] =	vst v63  }
0x1be: {  	s26 =	simm.s32 $0x9000  }
0x1bf: {  	[tilespmem:s26], [sflag:$0x2] =	stream.indirect_vreg.gather [hbm4b:s8+s4], $0x80, v13, vm0, $0xb8;
	[tilespmem:$0x10800] =	vst v63  }
0x1c0: {  	s28 =	simm.s32 $0x9800  }
0x1c1: {  	[tilespmem:s28], [sflag:$0x2] =	stream.indirect_vreg.gather [hbm4b:s9+s4], $0x80, v13, vm0, $0xb8;
	[tilespmem:$0x10800] =	vst v63  }
0x1c2: {  	s20 =	simm.s32 $0xA000  }
0x1c3: {  	[tilespmem:s20], [sflag:$0x2] =	stream.indirect_vreg.gather [hbm4b:s10+s4], $0x80, v13, vm0, $0xb8;
	[tilespmem:$0x10800] =	vst v63  }
0x1c4: {  	s20 =	simm.s32 $0xA800  }
0x1c5: {  	[tilespmem:s20], [sflag:$0x2] =	stream.indirect_vreg.gather [hbm4b:s11+s4], $0x80, v13, vm0, $0xb8;
	[tilespmem:$0x10800] =	vst v63  }
0x1c6: {  	v12 =	vperm.xlane v12, v9;
	s20 =	simm.s32 $0xB000  }
0x1c7: {  	[tilespmem:s20], [sflag:$0x2] =	stream.indirect_vreg.gather [hbm4b:s12+s4], $0x80, v13, vm0, $0xb8;
	[tilespmem:$0x10800] =	vst v63  }
0x1c8: {  	s31 =	simm.s32 $0xB800;
	v12 =	vadd.s32 v8, v12  }
0x1c9: {  	[tilespmem:s31], [sflag:$0x2] =	stream.indirect_vreg.gather [hbm4b:s13+s4], $0x80, v13, vm0, $0xb8;
	[tilespmem:$0x10800] =	vst v63  }
0x1ca: {  	s29 =	simm.s32 $0xC000  }
0x1cb: {  	[tilespmem:s29], [sflag:$0x2] =	stream.indirect_vreg.gather [hbm4b:s14+s4], $0x80, v13, vm0, $0xb8;
	[tilespmem:$0x10800] =	vst v63  }
0x1cc: {  	s20 =	simm.s32 $0xC800  }
0x1cd: {  	[tilespmem:s20], [sflag:$0x2] =	stream.indirect_vreg.gather [hbm4b:s2+s4], $0x80, v12, vm0, $0xb8;
	[tilespmem:$0x10800] =	vst v63  }
0x1ce: {  	s20 =	simm.s32 $0xD000  }
0x1cf: {  	[tilespmem:s20], [sflag:$0x2] =	stream.indirect_vreg.gather [hbm4b:s8+s4], $0x80, v12, vm0, $0xb8;
	[tilespmem:$0x10800] =	vst v63  }
0x1d0: {  	s20 =	simm.s32 $0xD800  }
0x1d1: {  	[tilespmem:s20], [sflag:$0x2] =	stream.indirect_vreg.gather [hbm4b:s9+s4], $0x80, v12, vm0, $0xb8;
	[tilespmem:$0x10800] =	vst v63  }
0x1d2: {  	s20 =	simm.s32 $0xE000  }
0x1d3: {  	[tilespmem:s20], [sflag:$0x2] =	stream.indirect_vreg.gather [hbm4b:s10+s4], $0x80, v12, vm0, $0xb8;
	[tilespmem:$0x10800] =	vst v63  }
0x1d4: {  	s20 =	simm.s32 $0xE800  }
0x1d5: {  	[tilespmem:s20], [sflag:$0x2] =	stream.indirect_vreg.gather [hbm4b:s11+s4], $0x80, v12, vm0, $0xb8;
	[tilespmem:$0x10800] =	vst v63  }
0x1d6: {  	s20 =	simm.s32 $0xF000  }
0x1d7: {  	[tilespmem:s20], [sflag:$0x2] =	stream.indirect_vreg.gather [hbm4b:s12+s4], $0x80, v12, vm0, $0xb8;
	[tilespmem:$0x10800] =	vst v63  }
0x1d8: {  	s20 =	simm.s32 $0xF800  }
0x1d9: {  	[tilespmem:s20], [sflag:$0x2] =	stream.indirect_vreg.gather [hbm4b:s13+s4], $0x80, v12, vm0, $0xb8;
	[tilespmem:$0x10800] =	vst v63  }
0x1da: {  	s30 =	simm.s32 $0x10000  }
0x1db: {  	[tilespmem:s30], [sflag:$0x2] =	stream.indirect_vreg.gather [hbm4b:s14+s4], $0x80, v12, vm0, $0xb8;
	[tilespmem:$0x10800] =	vst v63  }
0x1dc: {  	_ =	swait.ge [sflag:s0], $0x8000  }
0x1dd: {  	[sflag:s0] =	ssyncset.done $0x0  }
0x1de: {  	s20 =	rddreg [dreg:$0x10];
	[sflag:s0] =	ssyncadd.s32 $0xFFFF8000  }
0x1df: {  	[hbm4b:s20+s4] =	stream.linear.scatter [tilespmem:s19], [sflag:$0x3], $0x8000, $0x38;
	[tilespmem:$0x10800] =	vst v63  }
0x1e0: {  	_ =	swait.ge [sflag:s24], $0x8000  }
0x1e1: {  	[sflag:s24] =	ssyncset.done $0x0  }
0x1e2: {  	[sflag:s24] =	ssyncadd.s32 $0xFFFF8000  }
0x1e3: {  	v50 =	vld [tilespmem:s7+$0xA0];
	_ =	sdelay $0x4  }
0x1e4: {  	v51 =	vshll.u32 v50, $0x4  }
0x1e5: {  	v12 =	vand.u32 $0x7, v50;
	v13 =	vand.u32 $0xFFFFFF80, v51  }
0x1e6: {  	v12 =	vor.u32 v12, v13  }
0x1e7: {  	v13 =	vperm.xlane v12, v7;
	_ =	sdelay $0x1  }
0x1e8: {  	v13 =	vadd.s32 v8, v13;
	_ =	sdelay $0x4  }
0x1e9: {  	[tilespmem:s19], [sflag:$0x1] =	stream.indirect_vreg.gather [hbm4b:s2+s4], $0x80, v13, vm0, $0xb8;
	[tilespmem:$0x10800] =	vst v63  }
0x1ea: {  	s20 =	simm.s32 $0x1000  }
0x1eb: {  	[tilespmem:s20], [sflag:$0x1] =	stream.indirect_vreg.gather [hbm4b:s8+s4], $0x80, v13, vm0, $0xb8;
	[tilespmem:$0x10800] =	vst v63  }
0x1ec: {  	s1 =	simm.s32 $0x1800  }
0x1ed: {  	[tilespmem:s1], [sflag:$0x1] =	stream.indirect_vreg.gather [hbm4b:s9+s4], $0x80, v13, vm0, $0xb8;
	[tilespmem:$0x10800] =	vst v63  }
0x1ee: {  	s25 =	simm.s32 $0x2000  }
0x1ef: {  	[tilespmem:s25], [sflag:$0x1] =	stream.indirect_vreg.gather [hbm4b:s10+s4], $0x80, v13, vm0, $0xb8;
	[tilespmem:$0x10800] =	vst v63  }
0x1f0: {  	s20 =	simm.s32 $0x2800  }
0x1f1: {  	[tilespmem:s20], [sflag:$0x1] =	stream.indirect_vreg.gather [hbm4b:s11+s4], $0x80, v13, vm0, $0xb8;
	[tilespmem:$0x10800] =	vst v63  }
0x1f2: {  	v12 =	vperm.xlane v12, v9;
	s20 =	simm.s32 $0x3000  }
0x1f3: {  	[tilespmem:s20], [sflag:$0x1] =	stream.indirect_vreg.gather [hbm4b:s12+s4], $0x80, v13, vm0, $0xb8;
	[tilespmem:$0x10800] =	vst v63  }
0x1f4: {  	s21 =	simm.s32 $0x3800;
	v12 =	vadd.s32 v8, v12  }
0x1f5: {  	[tilespmem:s21], [sflag:$0x1] =	stream.indirect_vreg.gather [hbm4b:s13+s4], $0x80, v13, vm0, $0xb8;
	[tilespmem:$0x10800] =	vst v63  }
0x1f6: {  	s23 =	simm.s32 $0x4000  }
0x1f7: {  	[tilespmem:s23], [sflag:$0x1] =	stream.indirect_vreg.gather [hbm4b:s14+s4], $0x80, v13, vm0, $0xb8;
	[tilespmem:$0x10800] =	vst v63  }
0x1f8: {  	s15 =	simm.s32 $0x4800  }
0x1f9: {  	[tilespmem:s15], [sflag:$0x1] =	stream.indirect_vreg.gather [hbm4b:s2+s4], $0x80, v12, vm0, $0xb8;
	[tilespmem:$0x10800] =	vst v63  }
0x1fa: {  	s16 =	simm.s32 $0x5000  }
0x1fb: {  	[tilespmem:s16], [sflag:$0x1] =	stream.indirect_vreg.gather [hbm4b:s8+s4], $0x80, v12, vm0, $0xb8;
	[tilespmem:$0x10800] =	vst v63  }
0x1fc: {  	s18 =	simm.s32 $0x5800  }
0x1fd: {  	[tilespmem:s18], [sflag:$0x1] =	stream.indirect_vreg.gather [hbm4b:s9+s4], $0x80, v12, vm0, $0xb8;
	[tilespmem:$0x10800] =	vst v63  }
0x1fe: {  	s6 =	simm.s32 $0x6000  }
0x1ff: {  	[tilespmem:s6], [sflag:$0x1] =	stream.indirect_vreg.gather [hbm4b:s10+s4], $0x80, v12, vm0, $0xb8;
	[tilespmem:$0x10800] =	vst v63  }
0x200: {  	s20 =	simm.s32 $0x6800  }
0x201: {  	[tilespmem:s20], [sflag:$0x1] =	stream.indirect_vreg.gather [hbm4b:s11+s4], $0x80, v12, vm0, $0xb8;
	[tilespmem:$0x10800] =	vst v63  }
0x202: {  	s20 =	simm.s32 $0x7000  }
0x203: {  	[tilespmem:s20], [sflag:$0x1] =	stream.indirect_vreg.gather [hbm4b:s12+s4], $0x80, v12, vm0, $0xb8;
	[tilespmem:$0x10800] =	vst v63  }
0x204: {  	s3 =	simm.s32 $0x7800  }
0x205: {  	[tilespmem:s3], [sflag:$0x1] =	stream.indirect_vreg.gather [hbm4b:s13+s4], $0x80, v12, vm0, $0xb8;
	[tilespmem:$0x10800] =	vst v63  }
0x206: {  	s22 =	simm.s32 $0x8000  }
0x207: {  	[tilespmem:s22], [sflag:$0x1] =	stream.indirect_vreg.gather [hbm4b:s14+s4], $0x80, v12, vm0, $0xb8;
	[tilespmem:$0x10800] =	vst v63  }
0x208: {  	_ =	swait.ge [sflag:s17], $0x8000  }
0x209: {  	[sflag:s17] =	ssyncset.done $0x0  }
0x20a: {  	s20 =	rddreg [dreg:$0x11];
	[sflag:s17] =	ssyncadd.s32 $0xFFFF8000  }
0x20b: {  	[hbm4b:s20+s4] =	stream.linear.scatter [tilespmem:s5], [sflag:$0x3], $0x8000, $0x38;
	[tilespmem:$0x10800] =	vst v63  }
0x20c: {  	_ =	swait.ge [sflag:s24], $0x8000  }
0x20d: {  	[sflag:s24] =	ssyncset.done $0x0  }
0x20e: {  	[sflag:s24] =	ssyncadd.s32 $0xFFFF8000  }
0x20f: {  	v52 =	vld [tilespmem:s7+$0xB0];
	_ =	sdelay $0x4  }
0x210: {  	v53 =	vshll.u32 v52, $0x4  }
0x211: {  	v12 =	vand.u32 $0x7, v52;
	v13 =	vand.u32 $0xFFFFFF80, v53  }
0x212: {  	v12 =	vor.u32 v12, v13  }
0x213: {  	v13 =	vperm.xlane v12, v7;
	_ =	sdelay $0x1  }
0x214: {  	v13 =	vadd.s32 v8, v13;
	_ =	sdelay $0x4  }
0x215: {  	[tilespmem:s5], [sflag:$0x2] =	stream.indirect_vreg.gather [hbm4b:s2+s4], $0x80, v13, vm0, $0xb8;
	[tilespmem:$0x10800] =	vst v63  }
0x216: {  	s26 =	simm.s32 $0x9000  }
0x217: {  	[tilespmem:s26], [sflag:$0x2] =	stream.indirect_vreg.gather [hbm4b:s8+s4], $0x80, v13, vm0, $0xb8;
	[tilespmem:$0x10800] =	vst v63  }
0x218: {  	s28 =	simm.s32 $0x9800  }
0x219: {  	[tilespmem:s28], [sflag:$0x2] =	stream.indirect_vreg.gather [hbm4b:s9+s4], $0x80, v13, vm0, $0xb8;
	[tilespmem:$0x10800] =	vst v63  }
0x21a: {  	s20 =	simm.s32 $0xA000  }
0x21b: {  	[tilespmem:s20], [sflag:$0x2] =	stream.indirect_vreg.gather [hbm4b:s10+s4], $0x80, v13, vm0, $0xb8;
	[tilespmem:$0x10800] =	vst v63  }
0x21c: {  	s20 =	simm.s32 $0xA800  }
0x21d: {  	[tilespmem:s20], [sflag:$0x2] =	stream.indirect_vreg.gather [hbm4b:s11+s4], $0x80, v13, vm0, $0xb8;
	[tilespmem:$0x10800] =	vst v63  }
0x21e: {  	v12 =	vperm.xlane v12, v9;
	s20 =	simm.s32 $0xB000  }
0x21f: {  	[tilespmem:s20], [sflag:$0x2] =	stream.indirect_vreg.gather [hbm4b:s12+s4], $0x80, v13, vm0, $0xb8;
	[tilespmem:$0x10800] =	vst v63  }
0x220: {  	s31 =	simm.s32 $0xB800;
	v12 =	vadd.s32 v8, v12  }
0x221: {  	[tilespmem:s31], [sflag:$0x2] =	stream.indirect_vreg.gather [hbm4b:s13+s4], $0x80, v13, vm0, $0xb8;
	[tilespmem:$0x10800] =	vst v63  }
0x222: {  	s29 =	simm.s32 $0xC000  }
0x223: {  	[tilespmem:s29], [sflag:$0x2] =	stream.indirect_vreg.gather [hbm4b:s14+s4], $0x80, v13, vm0, $0xb8;
	[tilespmem:$0x10800] =	vst v63  }
0x224: {  	s20 =	simm.s32 $0xC800  }
0x225: {  	[tilespmem:s20], [sflag:$0x2] =	stream.indirect_vreg.gather [hbm4b:s2+s4], $0x80, v12, vm0, $0xb8;
	[tilespmem:$0x10800] =	vst v63  }
0x226: {  	s20 =	simm.s32 $0xD000  }
0x227: {  	[tilespmem:s20], [sflag:$0x2] =	stream.indirect_vreg.gather [hbm4b:s8+s4], $0x80, v12, vm0, $0xb8;
	[tilespmem:$0x10800] =	vst v63  }
0x228: {  	s20 =	simm.s32 $0xD800  }
0x229: {  	[tilespmem:s20], [sflag:$0x2] =	stream.indirect_vreg.gather [hbm4b:s9+s4], $0x80, v12, vm0, $0xb8;
	[tilespmem:$0x10800] =	vst v63  }
0x22a: {  	s20 =	simm.s32 $0xE000  }
0x22b: {  	[tilespmem:s20], [sflag:$0x2] =	stream.indirect_vreg.gather [hbm4b:s10+s4], $0x80, v12, vm0, $0xb8;
	[tilespmem:$0x10800] =	vst v63  }
0x22c: {  	s20 =	simm.s32 $0xE800  }
0x22d: {  	[tilespmem:s20], [sflag:$0x2] =	stream.indirect_vreg.gather [hbm4b:s11+s4], $0x80, v12, vm0, $0xb8;
	[tilespmem:$0x10800] =	vst v63  }
0x22e: {  	s20 =	simm.s32 $0xF000  }
0x22f: {  	[tilespmem:s20], [sflag:$0x2] =	stream.indirect_vreg.gather [hbm4b:s12+s4], $0x80, v12, vm0, $0xb8;
	[tilespmem:$0x10800] =	vst v63  }
0x230: {  	s20 =	simm.s32 $0xF800  }
0x231: {  	[tilespmem:s20], [sflag:$0x2] =	stream.indirect_vreg.gather [hbm4b:s13+s4], $0x80, v12, vm0, $0xb8;
	[tilespmem:$0x10800] =	vst v63  }
0x232: {  	s30 =	simm.s32 $0x10000  }
0x233: {  	[tilespmem:s30], [sflag:$0x2] =	stream.indirect_vreg.gather [hbm4b:s14+s4], $0x80, v12, vm0, $0xb8;
	[tilespmem:$0x10800] =	vst v63  }
0x234: {  	_ =	swait.ge [sflag:s0], $0x8000  }
0x235: {  	[sflag:s0] =	ssyncset.done $0x0  }
0x236: {  	s20 =	rddreg [dreg:$0x12];
	[sflag:s0] =	ssyncadd.s32 $0xFFFF8000  }
0x237: {  	[hbm4b:s20+s4] =	stream.linear.scatter [tilespmem:s19], [sflag:$0x3], $0x8000, $0x38;
	[tilespmem:$0x10800] =	vst v63  }
0x238: {  	_ =	swait.ge [sflag:s24], $0x8000  }
0x239: {  	[sflag:s24] =	ssyncset.done $0x0  }
0x23a: {  	[sflag:s24] =	ssyncadd.s32 $0xFFFF8000  }
0x23b: {  	v54 =	vld [tilespmem:s7+$0xC0];
	_ =	sdelay $0x4  }
0x23c: {  	v55 =	vshll.u32 v54, $0x4  }
0x23d: {  	v12 =	vand.u32 $0x7, v54;
	v13 =	vand.u32 $0xFFFFFF80, v55  }
0x23e: {  	v12 =	vor.u32 v12, v13  }
0x23f: {  	v13 =	vperm.xlane v12, v7;
	_ =	sdelay $0x1  }
0x240: {  	v13 =	vadd.s32 v8, v13;
	_ =	sdelay $0x4  }
0x241: {  	[tilespmem:s19], [sflag:$0x1] =	stream.indirect_vreg.gather [hbm4b:s2+s4], $0x80, v13, vm0, $0xb8;
	[tilespmem:$0x10800] =	vst v63  }
0x242: {  	s20 =	simm.s32 $0x1000  }
0x243: {  	[tilespmem:s20], [sflag:$0x1] =	stream.indirect_vreg.gather [hbm4b:s8+s4], $0x80, v13, vm0, $0xb8;
	[tilespmem:$0x10800] =	vst v63  }
0x244: {  	s1 =	simm.s32 $0x1800  }
0x245: {  	[tilespmem:s1], [sflag:$0x1] =	stream.indirect_vreg.gather [hbm4b:s9+s4], $0x80, v13, vm0, $0xb8;
	[tilespmem:$0x10800] =	vst v63  }
0x246: {  	s25 =	simm.s32 $0x2000  }
0x247: {  	[tilespmem:s25], [sflag:$0x1] =	stream.indirect_vreg.gather [hbm4b:s10+s4], $0x80, v13, vm0, $0xb8;
	[tilespmem:$0x10800] =	vst v63  }
0x248: {  	s20 =	simm.s32 $0x2800  }
0x249: {  	[tilespmem:s20], [sflag:$0x1] =	stream.indirect_vreg.gather [hbm4b:s11+s4], $0x80, v13, vm0, $0xb8;
	[tilespmem:$0x10800] =	vst v63  }
0x24a: {  	v12 =	vperm.xlane v12, v9;
	s20 =	simm.s32 $0x3000  }
0x24b: {  	[tilespmem:s20], [sflag:$0x1] =	stream.indirect_vreg.gather [hbm4b:s12+s4], $0x80, v13, vm0, $0xb8;
	[tilespmem:$0x10800] =	vst v63  }
0x24c: {  	s21 =	simm.s32 $0x3800;
	v12 =	vadd.s32 v8, v12  }
0x24d: {  	[tilespmem:s21], [sflag:$0x1] =	stream.indirect_vreg.gather [hbm4b:s13+s4], $0x80, v13, vm0, $0xb8;
	[tilespmem:$0x10800] =	vst v63  }
0x24e: {  	s23 =	simm.s32 $0x4000  }
0x24f: {  	[tilespmem:s23], [sflag:$0x1] =	stream.indirect_vreg.gather [hbm4b:s14+s4], $0x80, v13, vm0, $0xb8;
	[tilespmem:$0x10800] =	vst v63  }
0x250: {  	s15 =	simm.s32 $0x4800  }
0x251: {  	[tilespmem:s15], [sflag:$0x1] =	stream.indirect_vreg.gather [hbm4b:s2+s4], $0x80, v12, vm0, $0xb8;
	[tilespmem:$0x10800] =	vst v63  }
0x252: {  	s16 =	simm.s32 $0x5000  }
0x253: {  	[tilespmem:s16], [sflag:$0x1] =	stream.indirect_vreg.gather [hbm4b:s8+s4], $0x80, v12, vm0, $0xb8;
	[tilespmem:$0x10800] =	vst v63  }
0x254: {  	s18 =	simm.s32 $0x5800  }
0x255: {  	[tilespmem:s18], [sflag:$0x1] =	stream.indirect_vreg.gather [hbm4b:s9+s4], $0x80, v12, vm0, $0xb8;
	[tilespmem:$0x10800] =	vst v63  }
0x256: {  	s6 =	simm.s32 $0x6000  }
0x257: {  	[tilespmem:s6], [sflag:$0x1] =	stream.indirect_vreg.gather [hbm4b:s10+s4], $0x80, v12, vm0, $0xb8;
	[tilespmem:$0x10800] =	vst v63  }
0x258: {  	s20 =	simm.s32 $0x6800  }
0x259: {  	[tilespmem:s20], [sflag:$0x1] =	stream.indirect_vreg.gather [hbm4b:s11+s4], $0x80, v12, vm0, $0xb8;
	[tilespmem:$0x10800] =	vst v63  }
0x25a: {  	s20 =	simm.s32 $0x7000  }
0x25b: {  	[tilespmem:s20], [sflag:$0x1] =	stream.indirect_vreg.gather [hbm4b:s12+s4], $0x80, v12, vm0, $0xb8;
	[tilespmem:$0x10800] =	vst v63  }
0x25c: {  	s3 =	simm.s32 $0x7800  }
0x25d: {  	[tilespmem:s3], [sflag:$0x1] =	stream.indirect_vreg.gather [hbm4b:s13+s4], $0x80, v12, vm0, $0xb8;
	[tilespmem:$0x10800] =	vst v63  }
0x25e: {  	s22 =	simm.s32 $0x8000  }
0x25f: {  	[tilespmem:s22], [sflag:$0x1] =	stream.indirect_vreg.gather [hbm4b:s14+s4], $0x80, v12, vm0, $0xb8;
	[tilespmem:$0x10800] =	vst v63  }
0x260: {  	_ =	swait.ge [sflag:s17], $0x8000  }
0x261: {  	[sflag:s17] =	ssyncset.done $0x0  }
0x262: {  	s22 =	rddreg [dreg:$0x13];
	[sflag:s17] =	ssyncadd.s32 $0xFFFF8000  }
0x263: {  	[hbm4b:s22+s4] =	stream.linear.scatter [tilespmem:s5], [sflag:$0x3], $0x8000, $0x38;
	[tilespmem:$0x10800] =	vst v63  }
0x264: {  	_ =	swait.ge [sflag:s24], $0x8000  }
0x265: {  	[sflag:s24] =	ssyncset.done $0x0  }
0x266: {  	[sflag:s24] =	ssyncadd.s32 $0xFFFF8000  }
0x267: {  	v56 =	vld [tilespmem:s7+$0xD0];
	_ =	sdelay $0x4  }
0x268: {  	v57 =	vshll.u32 v56, $0x4  }
0x269: {  	v12 =	vand.u32 $0x7, v56;
	v13 =	vand.u32 $0xFFFFFF80, v57  }
0x26a: {  	v12 =	vor.u32 v12, v13  }
0x26b: {  	v13 =	vperm.xlane v12, v7;
	_ =	sdelay $0x1  }
0x26c: {  	v13 =	vadd.s32 v8, v13;
	_ =	sdelay $0x4  }
0x26d: {  	[tilespmem:s5], [sflag:$0x2] =	stream.indirect_vreg.gather [hbm4b:s2+s4], $0x80, v13, vm0, $0xb8;
	[tilespmem:$0x10800] =	vst v63  }
0x26e: {  	s26 =	simm.s32 $0x9000  }
0x26f: {  	[tilespmem:s26], [sflag:$0x2] =	stream.indirect_vreg.gather [hbm4b:s8+s4], $0x80, v13, vm0, $0xb8;
	[tilespmem:$0x10800] =	vst v63  }
0x270: {  	s28 =	simm.s32 $0x9800  }
0x271: {  	[tilespmem:s28], [sflag:$0x2] =	stream.indirect_vreg.gather [hbm4b:s9+s4], $0x80, v13, vm0, $0xb8;
	[tilespmem:$0x10800] =	vst v63  }
0x272: {  	s28 =	simm.s32 $0xA000  }
0x273: {  	[tilespmem:s28], [sflag:$0x2] =	stream.indirect_vreg.gather [hbm4b:s10+s4], $0x80, v13, vm0, $0xb8;
	[tilespmem:$0x10800] =	vst v63  }
0x274: {  	s20 =	simm.s32 $0xA800  }
0x275: {  	[tilespmem:s20], [sflag:$0x2] =	stream.indirect_vreg.gather [hbm4b:s11+s4], $0x80, v13, vm0, $0xb8;
	[tilespmem:$0x10800] =	vst v63  }
0x276: {  	v12 =	vperm.xlane v12, v9;
	s20 =	simm.s32 $0xB000  }
0x277: {  	[tilespmem:s20], [sflag:$0x2] =	stream.indirect_vreg.gather [hbm4b:s12+s4], $0x80, v13, vm0, $0xb8;
	[tilespmem:$0x10800] =	vst v63  }
0x278: {  	s31 =	simm.s32 $0xB800;
	v12 =	vadd.s32 v8, v12  }
0x279: {  	[tilespmem:s31], [sflag:$0x2] =	stream.indirect_vreg.gather [hbm4b:s13+s4], $0x80, v13, vm0, $0xb8;
	[tilespmem:$0x10800] =	vst v63  }
0x27a: {  	s29 =	simm.s32 $0xC000  }
0x27b: {  	[tilespmem:s29], [sflag:$0x2] =	stream.indirect_vreg.gather [hbm4b:s14+s4], $0x80, v13, vm0, $0xb8;
	[tilespmem:$0x10800] =	vst v63  }
0x27c: {  	s20 =	simm.s32 $0xC800  }
0x27d: {  	[tilespmem:s20], [sflag:$0x2] =	stream.indirect_vreg.gather [hbm4b:s2+s4], $0x80, v12, vm0, $0xb8;
	[tilespmem:$0x10800] =	vst v63  }
0x27e: {  	s20 =	simm.s32 $0xD000  }
0x27f: {  	[tilespmem:s20], [sflag:$0x2] =	stream.indirect_vreg.gather [hbm4b:s8+s4], $0x80, v12, vm0, $0xb8;
	[tilespmem:$0x10800] =	vst v63  }
0x280: {  	s20 =	simm.s32 $0xD800  }
0x281: {  	[tilespmem:s20], [sflag:$0x2] =	stream.indirect_vreg.gather [hbm4b:s9+s4], $0x80, v12, vm0, $0xb8;
	[tilespmem:$0x10800] =	vst v63  }
0x282: {  	s20 =	simm.s32 $0xE000  }
0x283: {  	[tilespmem:s20], [sflag:$0x2] =	stream.indirect_vreg.gather [hbm4b:s10+s4], $0x80, v12, vm0, $0xb8;
	[tilespmem:$0x10800] =	vst v63  }
0x284: {  	s20 =	simm.s32 $0xE800  }
0x285: {  	[tilespmem:s20], [sflag:$0x2] =	stream.indirect_vreg.gather [hbm4b:s11+s4], $0x80, v12, vm0, $0xb8;
	[tilespmem:$0x10800] =	vst v63  }
0x286: {  	s20 =	simm.s32 $0xF000  }
0x287: {  	[tilespmem:s20], [sflag:$0x2] =	stream.indirect_vreg.gather [hbm4b:s12+s4], $0x80, v12, vm0, $0xb8;
	[tilespmem:$0x10800] =	vst v63  }
0x288: {  	s20 =	simm.s32 $0xF800  }
0x289: {  	[tilespmem:s20], [sflag:$0x2] =	stream.indirect_vreg.gather [hbm4b:s13+s4], $0x80, v12, vm0, $0xb8;
	[tilespmem:$0x10800] =	vst v63  }
0x28a: {  	s30 =	simm.s32 $0x10000  }
0x28b: {  	[tilespmem:s30], [sflag:$0x2] =	stream.indirect_vreg.gather [hbm4b:s14+s4], $0x80, v12, vm0, $0xb8;
	[tilespmem:$0x10800] =	vst v63  }
0x28c: {  	_ =	swait.ge [sflag:s0], $0x8000  }
0x28d: {  	[sflag:s0] =	ssyncset.done $0x0  }
0x28e: {  	s20 =	rddreg [dreg:$0x14];
	[sflag:s0] =	ssyncadd.s32 $0xFFFF8000  }
0x28f: {  	[hbm4b:s20+s4] =	stream.linear.scatter [tilespmem:s19], [sflag:$0x3], $0x8000, $0x38;
	[tilespmem:$0x10800] =	vst v63  }
0x290: {  	_ =	swait.ge [sflag:s24], $0x8000  }
0x291: {  	[sflag:s24] =	ssyncset.done $0x0  }
0x292: {  	[sflag:s24] =	ssyncadd.s32 $0xFFFF8000  }
0x293: {  	v58 =	vld [tilespmem:s7+$0xE0];
	_ =	sdelay $0x4  }
0x294: {  	v59 =	vshll.u32 v58, $0x4  }
0x295: {  	v12 =	vand.u32 $0x7, v58;
	v13 =	vand.u32 $0xFFFFFF80, v59  }
0x296: {  	v12 =	vor.u32 v12, v13  }
0x297: {  	v13 =	vperm.xlane v12, v7;
	_ =	sdelay $0x1  }
0x298: {  	v13 =	vadd.s32 v8, v13;
	_ =	sdelay $0x4  }
0x299: {  	[tilespmem:s19], [sflag:$0x1] =	stream.indirect_vreg.gather [hbm4b:s2+s4], $0x80, v13, vm0, $0xb8;
	[tilespmem:$0x10800] =	vst v63  }
0x29a: {  	s20 =	simm.s32 $0x1000  }
0x29b: {  	[tilespmem:s20], [sflag:$0x1] =	stream.indirect_vreg.gather [hbm4b:s8+s4], $0x80, v13, vm0, $0xb8;
	[tilespmem:$0x10800] =	vst v63  }
0x29c: {  	s1 =	simm.s32 $0x1800  }
0x29d: {  	[tilespmem:s1], [sflag:$0x1] =	stream.indirect_vreg.gather [hbm4b:s9+s4], $0x80, v13, vm0, $0xb8;
	[tilespmem:$0x10800] =	vst v63  }
0x29e: {  	s25 =	simm.s32 $0x2000  }
0x29f: {  	[tilespmem:s25], [sflag:$0x1] =	stream.indirect_vreg.gather [hbm4b:s10+s4], $0x80, v13, vm0, $0xb8;
	[tilespmem:$0x10800] =	vst v63  }
0x2a0: {  	s25 =	simm.s32 $0x2800  }
0x2a1: {  	[tilespmem:s25], [sflag:$0x1] =	stream.indirect_vreg.gather [hbm4b:s11+s4], $0x80, v13, vm0, $0xb8;
	[tilespmem:$0x10800] =	vst v63  }
0x2a2: {  	v12 =	vperm.xlane v12, v9;
	s25 =	simm.s32 $0x3000  }
0x2a3: {  	[tilespmem:s25], [sflag:$0x1] =	stream.indirect_vreg.gather [hbm4b:s12+s4], $0x80, v13, vm0, $0xb8;
	[tilespmem:$0x10800] =	vst v63  }
0x2a4: {  	s21 =	simm.s32 $0x3800;
	v12 =	vadd.s32 v8, v12  }
0x2a5: {  	[tilespmem:s21], [sflag:$0x1] =	stream.indirect_vreg.gather [hbm4b:s13+s4], $0x80, v13, vm0, $0xb8;
	[tilespmem:$0x10800] =	vst v63  }
0x2a6: {  	s23 =	simm.s32 $0x4000  }
0x2a7: {  	[tilespmem:s23], [sflag:$0x1] =	stream.indirect_vreg.gather [hbm4b:s14+s4], $0x80, v13, vm0, $0xb8;
	[tilespmem:$0x10800] =	vst v63  }
0x2a8: {  	s15 =	simm.s32 $0x4800  }
0x2a9: {  	[tilespmem:s15], [sflag:$0x1] =	stream.indirect_vreg.gather [hbm4b:s2+s4], $0x80, v12, vm0, $0xb8;
	[tilespmem:$0x10800] =	vst v63  }
0x2aa: {  	s16 =	simm.s32 $0x5000  }
0x2ab: {  	[tilespmem:s16], [sflag:$0x1] =	stream.indirect_vreg.gather [hbm4b:s8+s4], $0x80, v12, vm0, $0xb8;
	[tilespmem:$0x10800] =	vst v63  }
0x2ac: {  	s18 =	simm.s32 $0x5800  }
0x2ad: {  	[tilespmem:s18], [sflag:$0x1] =	stream.indirect_vreg.gather [hbm4b:s9+s4], $0x80, v12, vm0, $0xb8;
	[tilespmem:$0x10800] =	vst v63  }
0x2ae: {  	s20 =	simm.s32 $0x6000  }
0x2af: {  	[tilespmem:s20], [sflag:$0x1] =	stream.indirect_vreg.gather [hbm4b:s10+s4], $0x80, v12, vm0, $0xb8;
	[tilespmem:$0x10800] =	vst v63  }
0x2b0: {  	s21 =	simm.s32 $0x6800  }
0x2b1: {  	[tilespmem:s21], [sflag:$0x1] =	stream.indirect_vreg.gather [hbm4b:s11+s4], $0x80, v12, vm0, $0xb8;
	[tilespmem:$0x10800] =	vst v63  }
0x2b2: {  	s16 =	simm.s32 $0x7000  }
0x2b3: {  	[tilespmem:s16], [sflag:$0x1] =	stream.indirect_vreg.gather [hbm4b:s12+s4], $0x80, v12, vm0, $0xb8;
	[tilespmem:$0x10800] =	vst v63  }
0x2b4: {  	s6 =	simm.s32 $0x7800  }
0x2b5: {  	[tilespmem:s6], [sflag:$0x1] =	stream.indirect_vreg.gather [hbm4b:s13+s4], $0x80, v12, vm0, $0xb8;
	[tilespmem:$0x10800] =	vst v63  }
0x2b6: {  	s3 =	simm.s32 $0x8000  }
0x2b7: {  	[tilespmem:s3], [sflag:$0x1] =	stream.indirect_vreg.gather [hbm4b:s14+s4], $0x80, v12, vm0, $0xb8;
	[tilespmem:$0x10800] =	vst v63  }
0x2b8: {  	_ =	swait.ge [sflag:s17], $0x8000  }
0x2b9: {  	[sflag:s17] =	ssyncset.done $0x0  }
0x2ba: {  	s18 =	rddreg [dreg:$0x15];
	[sflag:s17] =	ssyncadd.s32 $0xFFFF8000  }
0x2bb: {  	[hbm4b:s18+s4] =	stream.linear.scatter [tilespmem:s5], [sflag:$0x3], $0x8000, $0x38;
	[tilespmem:$0x10800] =	vst v63  }
0x2bc: {  	_ =	swait.ge [sflag:s24], $0x8000  }
0x2bd: {  	[sflag:s24] =	ssyncset.done $0x0  }
0x2be: {  	[sflag:s24] =	ssyncadd.s32 $0xFFFF8000  }
0x2bf: {  	v60 =	vld [tilespmem:s7+$0xF0];
	_ =	sdelay $0x4  }
0x2c0: {  	v61 =	vshll.u32 v60, $0x4  }
0x2c1: {  	v12 =	vand.u32 $0x7, v60;
	v13 =	vand.u32 $0xFFFFFF80, v61  }
0x2c2: {  	v12 =	vor.u32 v12, v13  }
0x2c3: {  	v13 =	vperm.xlane v12, v7;
	_ =	sdelay $0x1  }
0x2c4: {  	v13 =	vadd.s32 v8, v13;
	_ =	sdelay $0x4  }
0x2c5: {  	[tilespmem:s5], [sflag:$0x2] =	stream.indirect_vreg.gather [hbm4b:s2+s4], $0x80, v13, vm0, $0xb8;
	[tilespmem:$0x10800] =	vst v63  }
0x2c6: {  	s22 =	simm.s32 $0x9000  }
0x2c7: {  	[tilespmem:s22], [sflag:$0x2] =	stream.indirect_vreg.gather [hbm4b:s8+s4], $0x80, v13, vm0, $0xb8;
	[tilespmem:$0x10800] =	vst v63  }
0x2c8: {  	s26 =	simm.s32 $0x9800  }
0x2c9: {  	[tilespmem:s26], [sflag:$0x2] =	stream.indirect_vreg.gather [hbm4b:s9+s4], $0x80, v13, vm0, $0xb8;
	[tilespmem:$0x10800] =	vst v63  }
0x2ca: {  	s28 =	simm.s32 $0xA000  }
0x2cb: {  	[tilespmem:s28], [sflag:$0x2] =	stream.indirect_vreg.gather [hbm4b:s10+s4], $0x80, v13, vm0, $0xb8;
	[tilespmem:$0x10800] =	vst v63  }
0x2cc: {  	s21 =	simm.s32 $0xA800  }
0x2cd: {  	[tilespmem:s21], [sflag:$0x2] =	stream.indirect_vreg.gather [hbm4b:s11+s4], $0x80, v13, vm0, $0xb8;
	[tilespmem:$0x10800] =	vst v63  }
0x2ce: {  	v12 =	vperm.xlane v12, v9;
	s22 =	simm.s32 $0xB000  }
0x2cf: {  	[tilespmem:s22], [sflag:$0x2] =	stream.indirect_vreg.gather [hbm4b:s12+s4], $0x80, v13, vm0, $0xb8;
	[tilespmem:$0x10800] =	vst v63  }
0x2d0: {  	s31 =	simm.s32 $0xB800;
	v12 =	vadd.s32 v8, v12  }
0x2d1: {  	[tilespmem:s31], [sflag:$0x2] =	stream.indirect_vreg.gather [hbm4b:s13+s4], $0x80, v13, vm0, $0xb8;
	[tilespmem:$0x10800] =	vst v63  }
0x2d2: {  	s29 =	simm.s32 $0xC000  }
0x2d3: {  	[tilespmem:s29], [sflag:$0x2] =	stream.indirect_vreg.gather [hbm4b:s14+s4], $0x80, v13, vm0, $0xb8;
	[tilespmem:$0x10800] =	vst v63  }
0x2d4: {  	s26 =	simm.s32 $0xC800  }
0x2d5: {  	[tilespmem:s26], [sflag:$0x2] =	stream.indirect_vreg.gather [hbm4b:s2+s4], $0x80, v12, vm0, $0xb8;
	[tilespmem:$0x10800] =	vst v63  }
0x2d6: {  	s28 =	simm.s32 $0xD000  }
0x2d7: {  	[tilespmem:s28], [sflag:$0x2] =	stream.indirect_vreg.gather [hbm4b:s8+s4], $0x80, v12, vm0, $0xb8;
	[tilespmem:$0x10800] =	vst v63  }
0x2d8: {  	s29 =	simm.s32 $0xD800  }
0x2d9: {  	[tilespmem:s29], [sflag:$0x2] =	stream.indirect_vreg.gather [hbm4b:s9+s4], $0x80, v12, vm0, $0xb8;
	[tilespmem:$0x10800] =	vst v63  }
0x2da: {  	s31 =	simm.s32 $0xE000  }
0x2db: {  	v11 =	vnsel vm1, $0x800, v11;
	[tilespmem:s31], [sflag:$0x2] =	stream.indirect_vreg.gather [hbm4b:s10+s4], $0x80, v12, vm0, $0xb8;
	[tilespmem:$0x10800] =	vst v63  }
0x2dc: {  	vm1 =	vlt.s32 v10, v11;
	s6 =	simm.s32 $0xE800  }
0x2dd: {  	v10 =	vsel vm1, v10, v11;
	[tilespmem:s6], [sflag:$0x2] =	stream.indirect_vreg.gather [hbm4b:s11+s4], $0x80, v12, vm0, $0xb8;
	[tilespmem:$0x10800] =	vst v63  }
0x2de: {  	v11 =	vperm.xlane v10, v3;
	s15 =	simm.s32 $0xF000  }
0x2df: {  	[tilespmem:s15], [sflag:$0x2] =	stream.indirect_vreg.gather [hbm4b:s12+s4], $0x80, v12, vm0, $0xb8;
	[tilespmem:$0x10800] =	vst v63  }
0x2e0: {  	vm1 =	vlt.s32 v10, v11;
	s20 =	simm.s32 $0xF800  }
0x2e1: {  	v10 =	vsel vm1, v10, v11;
	[tilespmem:s20], [sflag:$0x2] =	stream.indirect_vreg.gather [hbm4b:s13+s4], $0x80, v12, vm0, $0xb8;
	[tilespmem:$0x10800] =	vst v63  }
0x2e2: {  	v11 =	vperm.xlane v10, v4;
	s30 =	simm.s32 $0x10000  }
0x2e3: {  	[tilespmem:s30], [sflag:$0x2] =	stream.indirect_vreg.gather [hbm4b:s14+s4], $0x80, v12, vm0, $0xb8;
	[tilespmem:$0x10800] =	vst v63  }
0x2e4: {  	vm1 =	vlt.s32 v10, v11;
	_ =	swait.ge [sflag:s0], $0x8000  }
0x2e5: {  	v10 =	vsel vm1, v10, v11;
	[sflag:s0] =	ssyncset.done $0x0  }
0x2e6: {  	v11 =	vperm.xlane v10, v5;
	s22 =	rddreg [dreg:$0x16];
	[sflag:s0] =	ssyncadd.s32 $0xFFFF8000  }
0x2e7: {  	[hbm4b:s22+s4] =	stream.linear.scatter [tilespmem:s19], [sflag:$0x3], $0x8000, $0x38;
	[tilespmem:$0x10800] =	vst v63  }
0x2e8: {  	vm1 =	vlt.s32 v10, v11;
	_ =	swait.ge [sflag:s24], $0x8000  }
0x2e9: {  	v10 =	vsel vm1, v10, v11;
	[sflag:s24] =	ssyncset.done $0x0  }
0x2ea: {  	v11 =	vperm.xlane v10, v6;
	[sflag:s24] =	ssyncadd.s32 $0xFFFF8000  }
0x2eb: {  	_ =	swait.ge [sflag:s17], $0x8000  }
0x2ec: {  	vm1 =	vlt.s32 v10, v11;
	[sflag:s17] =	ssyncset.done $0x0  }
0x2ed: {  	v10 =	vsel vm1, v10, v11;
	s26 =	rddreg [dreg:$0x17];
	[sflag:s17] =	ssyncadd.s32 $0xFFFF8000  }
0x2ee: {  	v11 =	vadd.s32 v1, v10;
	[hbm4b:s26+s4] =	stream.linear.scatter [tilespmem:s5], [sflag:$0x3], $0x8000, $0x38;
	[tilespmem:$0x10800] =	vst v63  }
0x2ef: {  	v62 =	vshll.u32 v11, $0x4;
	_ =	swait.ge [sflag:s24], $0x8000  }
0x2f0: {  	v11 =	vand.u32 $0x7, v11;
	v12 =	vand.u32 $0xFFFFFF80, v62;
	[sflag:s24] =	ssyncset.done $0x0  }
0x2f1: {  	v11 =	vor.u32 v11, v12;
	[sflag:s24] =	ssyncadd.s32 $0xFFFF8000  }
0x2f2: {  	v12 =	vperm.xlane v11, v7;
	[bflag:$0x0] =	sbarrier.arrive $0xFFFF  }
0x2f3: {  	s28 =	rddreg [dreg:$0xc]  }
0x2f4: {  	v12 =	vadd.s32 v8, v12;
	[tilespmem:s19], [sflag:$0x3] =	stream.linear.gather [hbm4b:s28+s4], $0x8000, $0x38;
	[tilespmem:$0x10800] =	vst v63  }
0x2f5: {  	_ =	swait.ge [sflag:s24], $0x8000  }
0x2f6: {  	[sflag:s24] =	ssyncset.done $0x0  }
0x2f7: {  	[sflag:s24] =	ssyncadd.s32 $0xFFFF8000  }
0x2f8: {  	s20 =	rddreg [dreg:$0x3]  }
0x2f9: {  	[hbm4b:s20+s4] =	stream.indirect_vreg.scatter [tilespmem:s19], [sflag:$0x3], $0x80, v12, vm0, $0xb8;
	[tilespmem:$0x10800] =	vst v63  }
0x2fa: {  	s29 =	simm.s32 $0x1000;
	s22 =	rddreg [dreg:$0x18]  }
0x2fb: {  	[hbm4b:s22+s4] =	stream.indirect_vreg.scatter [tilespmem:s29], [sflag:$0x3], $0x80, v12, vm0, $0xb8;
	[tilespmem:$0x10800] =	vst v63  }
0x2fc: {  	s30 =	simm.s32 $0x1800;
	s26 =	rddreg [dreg:$0x19]  }
0x2fd: {  	[hbm4b:s26+s4] =	stream.indirect_vreg.scatter [tilespmem:s30], [sflag:$0x3], $0x80, v12, vm0, $0xb8;
	[tilespmem:$0x10800] =	vst v63  }
0x2fe: {  	s1 =	simm.s32 $0x2000;
	s28 =	rddreg [dreg:$0x1a]  }
0x2ff: {  	[hbm4b:s28+s4] =	stream.indirect_vreg.scatter [tilespmem:s1], [sflag:$0x3], $0x80, v12, vm0, $0xb8;
	[tilespmem:$0x10800] =	vst v63  }
0x300: {  	s31 =	simm.s32 $0x2800;
	s29 =	rddreg [dreg:$0x1b]  }
0x301: {  	[hbm4b:s29+s4] =	stream.indirect_vreg.scatter [tilespmem:s31], [sflag:$0x3], $0x80, v12, vm0, $0xb8;
	[tilespmem:$0x10800] =	vst v63  }
0x302: {  	v11 =	vperm.xlane v11, v9;
	s30 =	rddreg [dreg:$0x1c];
	s1 =	simm.s32 $0x3000  }
0x303: {  	[hbm4b:s30+s4] =	stream.indirect_vreg.scatter [tilespmem:s1], [sflag:$0x3], $0x80, v12, vm0, $0xb8;
	[tilespmem:$0x10800] =	vst v63  }
0x304: {  	s25 =	simm.s32 $0x3800;
	v11 =	vadd.s32 v8, v11;
	s31 =	rddreg [dreg:$0x1d]  }
0x305: {  	[hbm4b:s31+s4] =	stream.indirect_vreg.scatter [tilespmem:s25], [sflag:$0x3], $0x80, v12, vm0, $0xb8;
	[tilespmem:$0x10800] =	vst v63  }
0x306: {  	s1 =	rddreg [dreg:$0x1e];
	s25 =	simm.s32 $0x4000  }
0x307: {  	[hbm4b:s1+s4] =	stream.indirect_vreg.scatter [tilespmem:s25], [sflag:$0x3], $0x80, v12, vm0, $0xb8;
	[tilespmem:$0x10800] =	vst v63  }
0x308: {  	s23 =	simm.s32 $0x4800  }
0x309: {  	[hbm4b:s20+s4] =	stream.indirect_vreg.scatter [tilespmem:s23], [sflag:$0x3], $0x80, v11, vm0, $0xb8;
	[tilespmem:$0x10800] =	vst v63  }
0x30a: {  	s25 =	simm.s32 $0x5000  }
0x30b: {  	[hbm4b:s22+s4] =	stream.indirect_vreg.scatter [tilespmem:s25], [sflag:$0x3], $0x80, v11, vm0, $0xb8;
	[tilespmem:$0x10800] =	vst v63  }
0x30c: {  	s23 =	simm.s32 $0x5800  }
0x30d: {  	[hbm4b:s26+s4] =	stream.indirect_vreg.scatter [tilespmem:s23], [sflag:$0x3], $0x80, v11, vm0, $0xb8;
	[tilespmem:$0x10800] =	vst v63  }
0x30e: {  	s25 =	simm.s32 $0x6000  }
0x30f: {  	[hbm4b:s28+s4] =	stream.indirect_vreg.scatter [tilespmem:s25], [sflag:$0x3], $0x80, v11, vm0, $0xb8;
	[tilespmem:$0x10800] =	vst v63  }
0x310: {  	s23 =	simm.s32 $0x6800  }
0x311: {  	[hbm4b:s29+s4] =	stream.indirect_vreg.scatter [tilespmem:s23], [sflag:$0x3], $0x80, v11, vm0, $0xb8;
	[tilespmem:$0x10800] =	vst v63  }
0x312: {  	s25 =	simm.s32 $0x7000  }
0x313: {  	[hbm4b:s30+s4] =	stream.indirect_vreg.scatter [tilespmem:s25], [sflag:$0x3], $0x80, v11, vm0, $0xb8;
	[tilespmem:$0x10800] =	vst v63  }
0x314: {  	v10 =	vadd.s32 v2, v10;
	s23 =	simm.s32 $0x7800  }
0x315: {  	v63 =	vshll.u32 v10, $0x4;
	[hbm4b:s31+s4] =	stream.indirect_vreg.scatter [tilespmem:s23], [sflag:$0x3], $0x80, v11, vm0, $0xb8;
	[tilespmem:$0x10800] =	vst v63  }
0x316: {  	v10 =	vand.u32 $0x7, v10;
	v12 =	vand.u32 $0xFFFFFF80, v63;
	s25 =	simm.s32 $0x8000  }
0x317: {  	v10 =	vor.u32 v10, v12;
	[hbm4b:s1+s4] =	stream.indirect_vreg.scatter [tilespmem:s25], [sflag:$0x3], $0x80, v11, vm0, $0xb8;
	[tilespmem:$0x10800] =	vst v63  }
0x318: {  	v11 =	vperm.xlane v10, v7;
	_ =	swait.ge [sflag:s24], $0x8000  }
0x319: {  	[sflag:s24] =	ssyncset.done $0x0  }
0x31a: {  	v11 =	vadd.s32 v8, v11;
	s23 =	rddreg [dreg:$0x1f];
	[sflag:s24] =	ssyncadd.s32 $0xFFFF8000  }
0x31b: {  	[tilespmem:s5], [sflag:$0x3] =	stream.linear.gather [hbm4b:s23+s4], $0x8000, $0x38;
	[tilespmem:$0x10800] =	vst v63  }
0x31c: {  	_ =	swait.ge [sflag:s24], $0x8000  }
0x31d: {  	[sflag:s24] =	ssyncset.done $0x0  }
0x31e: {  	[sflag:s24] =	ssyncadd.s32 $0xFFFF8000  }
0x31f: {  	[hbm4b:s20+s4] =	stream.indirect_vreg.scatter [tilespmem:s5], [sflag:$0x3], $0x80, v11, vm0, $0xb8;
	[tilespmem:$0x10800] =	vst v63  }
0x320: {  	s25 =	simm.s32 $0x9000  }
0x321: {  	[hbm4b:s22+s4] =	stream.indirect_vreg.scatter [tilespmem:s25], [sflag:$0x3], $0x80, v11, vm0, $0xb8;
	[tilespmem:$0x10800] =	vst v63  }
0x322: {  	s23 =	simm.s32 $0x9800  }
0x323: {  	[hbm4b:s26+s4] =	stream.indirect_vreg.scatter [tilespmem:s23], [sflag:$0x3], $0x80, v11, vm0, $0xb8;
	[tilespmem:$0x10800] =	vst v63  }
0x324: {  	s25 =	simm.s32 $0xA000  }
0x325: {  	[hbm4b:s28+s4] =	stream.indirect_vreg.scatter [tilespmem:s25], [sflag:$0x3], $0x80, v11, vm0, $0xb8;
	[tilespmem:$0x10800] =	vst v63  }
0x326: {  	s23 =	simm.s32 $0xA800  }
0x327: {  	[hbm4b:s29+s4] =	stream.indirect_vreg.scatter [tilespmem:s23], [sflag:$0x3], $0x80, v11, vm0, $0xb8;
	[tilespmem:$0x10800] =	vst v63  }
0x328: {  	v10 =	vperm.xlane v10, v9;
	s25 =	simm.s32 $0xB000  }
0x329: {  	[hbm4b:s30+s4] =	stream.indirect_vreg.scatter [tilespmem:s25], [sflag:$0x3], $0x80, v11, vm0, $0xb8;
	[tilespmem:$0x10800] =	vst v63  }
0x32a: {  	v10 =	vadd.s32 v8, v10;
	s23 =	simm.s32 $0xB800  }
0x32b: {  	[hbm4b:s31+s4] =	stream.indirect_vreg.scatter [tilespmem:s23], [sflag:$0x3], $0x80, v11, vm0, $0xb8;
	[tilespmem:$0x10800] =	vst v63  }
0x32c: {  	s25 =	simm.s32 $0xC000  }
0x32d: {  	[hbm4b:s1+s4] =	stream.indirect_vreg.scatter [tilespmem:s25], [sflag:$0x3], $0x80, v11, vm0, $0xb8;
	[tilespmem:$0x10800] =	vst v63  }
0x32e: {  	s23 =	simm.s32 $0xC800  }
0x32f: {  	[hbm4b:s20+s4] =	stream.indirect_vreg.scatter [tilespmem:s23], [sflag:$0x3], $0x80, v10, vm0, $0xb8;
	[tilespmem:$0x10800] =	vst v63  }
0x330: {  	s25 =	simm.s32 $0xD000  }
0x331: {  	[hbm4b:s22+s4] =	stream.indirect_vreg.scatter [tilespmem:s25], [sflag:$0x3], $0x80, v10, vm0, $0xb8;
	[tilespmem:$0x10800] =	vst v63  }
0x332: {  	s21 =	simm.s32 $0xD800  }
0x333: {  	[hbm4b:s26+s4] =	stream.indirect_vreg.scatter [tilespmem:s21], [sflag:$0x3], $0x80, v10, vm0, $0xb8;
	[tilespmem:$0x10800] =	vst v63  }
0x334: {  	s18 =	simm.s32 $0xE000  }
0x335: {  	[hbm4b:s28+s4] =	stream.indirect_vreg.scatter [tilespmem:s18], [sflag:$0x3], $0x80, v10, vm0, $0xb8;
	[tilespmem:$0x10800] =	vst v63  }
0x336: {  	s16 =	simm.s32 $0xE800  }
0x337: {  	[hbm4b:s29+s4] =	stream.indirect_vreg.scatter [tilespmem:s16], [sflag:$0x3], $0x80, v10, vm0, $0xb8;
	[tilespmem:$0x10800] =	vst v63  }
0x338: {  	s15 =	simm.s32 $0xF000  }
0x339: {  	[hbm4b:s30+s4] =	stream.indirect_vreg.scatter [tilespmem:s15], [sflag:$0x3], $0x80, v10, vm0, $0xb8;
	[tilespmem:$0x10800] =	vst v63  }
0x33a: {  	s6 =	simm.s32 $0xF800  }
0x33b: {  	[hbm4b:s31+s4] =	stream.indirect_vreg.scatter [tilespmem:s6], [sflag:$0x3], $0x80, v10, vm0, $0xb8;
	[tilespmem:$0x10800] =	vst v63  }
0x33c: {  	s3 =	simm.s32 $0x10000  }
0x33d: {  	[hbm4b:s1+s4] =	stream.indirect_vreg.scatter [tilespmem:s3], [sflag:$0x3], $0x80, v10, vm0, $0xb8;
	[tilespmem:$0x10800] =	vst v63  }
0x33e: {  	_ =	swait.ge [sflag:s24], $0x8000  }
0x33f: {  	s30 =	sld [smem:$0x7FD];
	_ =	sdelay $0x2  }
0x340: {  	s31 =	rddreg [dreg:$0xf];
	s0 =	sadd.s32 $0x1, s30  }
0x341: {  	p0 =	sne.s32 s0, s31  }
.Ltmp1:
0x342: {  	_ = 	snop;
	(pc) =	sbr.rel @p0 .LBB2_1-.Ltmp1, $3  }
0x343: {  	_ =	sdelay $0x1  }
0x344: {  	[sflag:s24] =	ssyncset.done $0x0  }
0x345: {  	[sflag:s24] =	ssyncadd.s32 $0xFFFF8000  }
0x346: {  	_ =	sfence.sel $0x180000  }
0x347: {  	[bflag:$0x0] =	sbarrier.arrive $0xFFFF  }
0x348: {  	_ =	strace $0x90000047  }
0x349: {  	s0 =	stileid.u32;
	[bflag:$0x2] =	sbarrier.arrive $0xFFFF  }
0x34a: {  	p0 =	sne.s32 s0, $0x0;
	s0 =	rddreg [dreg:$0x4]  }
0x34b: {  	s0 =	sadd.s32 @!p0 $0x100000, s0  }
0x34c: {  	[sflag:s0] =	ssyncadd.tile.s32 @!p0 $0x1;
	_ =	shalt  }
.Lfunc_end2:
_tile_overlayer_lowered:
.L_overlay_start_2:
0x34d: {  	(tag) =	ssettag $0x2  }
0x34e: {  	s0 =	rddreg [dreg:$0x0];
	s2 =	stileid.u32  }
0x34f: {  	s1 =	rddreg [dreg:$0x1];
	p0 =	sne.s32 s2, $0x0  }
0x350: {  	s3 =	rddreg [dreg:$0x2];
	[bflag:$0x3] =	sbarrier.arrive $0xFFFF;
	s2 =	simm.s32 @!p0 $0x1C03  }
0x351: {  	[timem:s3], [sflag:s2] =	dma.local @!p0 [hbm:s0], s1  }
0x352: {  	s0 =	simm.s32 @!p0 $0x3  }
0x353: {  	_ =	swait.ge @!p0 [sflag:s0], s1  }
0x354: {  	s1 =	ssub.s32 @!p0 $0x0, s1;
	[sflag:s0] =	ssyncset.done @!p0 $0x0  }
0x355: {  	[sflag:s0] =	ssyncadd.s32 @!p0 s1  }
0x356: {  	[bflag:$0x3] =	sbarrier.arrive $0xFFFF  }
0x357: {  	_ =	shalt  }

</sc_bundles>
